<compile_context>
chip_gen: v7x
topology: tpu7x:2x2x1
jax: 0.10.2.dev20260603
libtpu: 0.0.44.dev20260713+nightly
codegen_flags: <defaults>
</compile_context>

<pallas_src>
import jax
import jax.numpy as jnp
from jax import lax
from jax.experimental import pallas as pl
from jax.experimental.pallas import tpu as pltpu
from jax.experimental.pallas import tpu_sc as plsc

_B = 64
_T = 2048
_E = 128
_NW = 32
_TW = _T // _NW
_LANES = 16
_WIN = 2 * _TW


def _emb_body(idx_hbm, tok_hbm, pos_hbm, out_hbm,
              idx_v, pos_v, rows0, rows1, rows2, rows3,
              si, sg0, sg1, sg2, sg3, ss0, ss1, ss2, ss3):
    c = lax.axis_index("c")
    s = lax.axis_index("s")
    t0 = s * _WIN + c * _TW

    bufs = (rows0, rows1, rows2, rows3)
    sgs = (sg0, sg1, sg2, sg3)
    sss = (ss0, ss1, ss2, ss3)

    for b in range(_B):
        pltpu.async_copy(idx_hbm.at[b, pl.ds(s * _WIN, _WIN)],
                         idx_v.at[b], si)
    pltpu.sync_copy(pos_hbm.at[pl.ds(t0, _TW)], pos_v)
    pltpu.make_async_copy(idx_hbm.at[:, pl.ds(0, _WIN)], idx_v, si).wait()

    def gather_start(k, p):
        pltpu.async_copy(
            tok_hbm.at[idx_v.at[k, pl.ds(c * _TW, _TW)]], bufs[p], sgs[p])

    def add_pos(rows):
        @plsc.parallel_loop(0, _TW, step=1, unroll=2)
        def _(i):
            for j in range(_E // _LANES):
                sl = pl.ds(j * _LANES, _LANES)
                plsc.addupdate(rows.at[i, sl], pos_v[i, sl])

    def process(k, p):
        pltpu.make_async_copy(
            tok_hbm.at[idx_v.at[k, pl.ds(c * _TW, _TW)]], bufs[p],
            sgs[p]).wait()
        add_pos(bufs[p])
        pltpu.async_copy(bufs[p], out_hbm.at[pl.ds(k * _T + t0, _TW)], sss[p])

    def store_wait(k, p):
        pltpu.make_async_copy(
            bufs[p], out_hbm.at[pl.ds(k * _T + t0, _TW)], sss[p]).wait()

    gather_start(0, 0)
    gather_start(1, 1)
    gather_start(2, 2)
    process(0, 0)
    gather_start(3, 3)
    process(1, 1)

    def quad(j, carry):
        for o in range(4):
            k = 4 * j + o
            store_wait(k - 4, o)
            gather_start(k, o)
            process(k - 2, (o + 2) % 4)
        return carry

    lax.fori_loop(1, _B // 4, quad, 0)

    process(_B - 2, (_B - 2) % 4)
    process(_B - 1, (_B - 1) % 4)
    for o in range(4):
        store_wait(_B - 4 + o, o)


@jax.jit
def _emb(idx, tok_table, pos_table):
    mesh = plsc.VectorSubcoreMesh(core_axis_name="c", subcore_axis_name="s")
    f = pl.kernel(
        _emb_body,
        out_type=jax.ShapeDtypeStruct((_B * _T, _E), jnp.float32),
        mesh=mesh,
        scratch_types=(
            [pltpu.VMEM((_B, _WIN), jnp.int32)]
            + [pltpu.VMEM((_TW, _E), jnp.float32)] * 5
            + [pltpu.SemaphoreType.DMA] * 9
        ),
    )
    return f(idx, tok_table, pos_table)


def kernel(idx, tok_table, pos_table):
    out = _emb(idx.astype(jnp.int32), tok_table, pos_table)
    return out.reshape(_B, _T, _E)

# --- scband reference (transcript-rebuilt; emitter-appended) ---
"""Pipeline reference for scband-nano-gpt-29772713296016 (READ-ONLY COPY).

The authoritative reference and input builder live on the scoring server;
editing this copy changes nothing except your own understanding.
"""

import jax, jax.numpy as jnp
import numpy as np

VOCAB = 100000
EMBED = 128
BLOCK = 2048
B, T = 64, 2048


def setup_inputs(seed: int = 0) -> dict:
    key = jax.random.key(seed)
    k1, k2, k3 = jax.random.split(key, 3)
    idx = jax.random.randint(k1, (B, T), 0, VOCAB, dtype=jnp.int64 if jax.config.jax_enable_x64 else jnp.int32)
    tok_table = jax.random.normal(k2, (VOCAB, EMBED), dtype=jnp.float32)
    pos_table = jax.random.normal(k3, (BLOCK, EMBED), dtype=jnp.float32)
    return {"idx": idx, "tok_table": tok_table, "pos_table": pos_table}


def reference(idx, tok_table, pos_table):
    # tok_emb = token_embedding_table(idx)
    tok_emb = jnp.take(tok_table, idx, axis=0)  # [B, T, E]
    # pos_emb = position_embedding_table(arange(T))
    T_ = idx.shape[1]
    positions = jnp.arange(T_)
    pos_emb = jnp.take(pos_table, positions, axis=0)  # [T, E]
    x = tok_emb + pos_emb[None, :, :]
    return x

if __name__ == "__main__":
    import jax
    _d = setup_inputs()
    print(jax.jit(kernel)(*tuple(_d.values())))

</pallas_src>

<mosaic_0001>
#map = affine_map<(d0, d1) -> (0, 0)>
module attributes {stable_mosaic.version = 14 : i64} {
  func.func @_emb_body(%arg0: i32, %arg1: i32, %arg2: memref<64x2048xi32, #tpu.memory_space<hbm>>, %arg3: memref<100000x128xf32, #tpu.memory_space<hbm>>, %arg4: memref<2048x128xf32, #tpu.memory_space<hbm>>, %arg5: memref<131072x128xf32, #tpu.memory_space<hbm>>, %arg6: memref<64x128xi32, #tpu.memory_space<vmem>>, %arg7: memref<64x128xf32, #tpu.memory_space<vmem>>, %arg8: memref<64x128xf32, #tpu.memory_space<vmem>>, %arg9: memref<64x128xf32, #tpu.memory_space<vmem>>, %arg10: memref<64x128xf32, #tpu.memory_space<vmem>>, %arg11: memref<64x128xf32, #tpu.memory_space<vmem>>, %arg12: memref<!tpu.dma_semaphore, #tpu.memory_space<semaphore_mem>>, %arg13: memref<!tpu.dma_semaphore, #tpu.memory_space<semaphore_mem>>, %arg14: memref<!tpu.dma_semaphore, #tpu.memory_space<semaphore_mem>>, %arg15: memref<!tpu.dma_semaphore, #tpu.memory_space<semaphore_mem>>, %arg16: memref<!tpu.dma_semaphore, #tpu.memory_space<semaphore_mem>>, %arg17: memref<!tpu.dma_semaphore, #tpu.memory_space<semaphore_mem>>, %arg18: memref<!tpu.dma_semaphore, #tpu.memory_space<semaphore_mem>>, %arg19: memref<!tpu.dma_semaphore, #tpu.memory_space<semaphore_mem>>, %arg20: memref<!tpu.dma_semaphore, #tpu.memory_space<semaphore_mem>>) attributes {dimension_semantics = [#tpu.dimension_semantics<core_parallel>, #tpu.dimension_semantics<subcore_parallel>], iteration_bounds = array<i64: 2, 16>, scalar_prefetch = 0 : i64, scratch_operands = 15 : i64, tpu.core_type = #tpu.core_type<sc_vector_subcore>, window_params = [{transform_indices = #map}, {transform_indices = #map}, {transform_indices = #map}, {transform_indices = #map}]} {
    %mul3A = arith.constant 128 : i32
    %mul3A_0 = arith.muli %arg1, %mul3A : i32
    %mul3A_1 = arith.constant 64 : i32
    %mul3A_2 = arith.muli %arg0, %mul3A_1 : i32
    %add3A = arith.addi %mul3A_0, %mul3A_2 : i32
    %mul3A_3 = arith.constant 128 : i32
    %mul3A_4 = arith.muli %arg1, %mul3A_3 : i32
    %dma_start3A = arith.constant 0 : i32
    %dma_start3A_5 = arith.constant 0 : i32
    %dma_start3A_6 = arith.constant 0 : i32
    %dma_start3A_7 = tpu.memref_slice %arg6[%dma_start3A_5, %dma_start3A_6] : memref<64x128xi32, #tpu.memory_space<vmem>> -> memref<1x128xi32, #tpu.memory_space<vmem>>
    %dma_start3A_8 = tpu.memref_squeeze %dma_start3A_7 : memref<1x128xi32, #tpu.memory_space<vmem>> -> memref<128xi32, #tpu.memory_space<vmem>>
    %dma_start3A_9 = tpu.memref_slice %arg2[%dma_start3A, %mul3A_4] : memref<64x2048xi32, #tpu.memory_space<hbm>> -> memref<1x128xi32, #tpu.memory_space<hbm>>
    %dma_start3A_10 = tpu.memref_squeeze %dma_start3A_9 : memref<1x128xi32, #tpu.memory_space<hbm>> -> memref<128xi32, #tpu.memory_space<hbm>>
    %dma_start3A_11 = arith.constant 0 : i32
    %dma_start3A_12 = tpu.memref_slice %arg6[%dma_start3A_5, %dma_start3A_11] : memref<64x128xi32, #tpu.memory_space<vmem>> -> memref<1x128xi32, #tpu.memory_space<vmem>>
    %dma_start3A_13 = tpu.memref_squeeze %dma_start3A_12 : memref<1x128xi32, #tpu.memory_space<vmem>> -> memref<128xi32, #tpu.memory_space<vmem>>
    %dma_start3A_14 = tpu.memref_slice %arg2[%dma_start3A, %mul3A_4] : memref<64x2048xi32, #tpu.memory_space<hbm>> -> memref<1x128xi32, #tpu.memory_space<hbm>>
    %dma_start3A_15 = tpu.memref_squeeze %dma_start3A_14 : memref<1x128xi32, #tpu.memory_space<hbm>> -> memref<128xi32, #tpu.memory_space<hbm>>
    tpu.enqueue_dma source(%dma_start3A_15 : memref<128xi32, #tpu.memory_space<hbm>>) target(%dma_start3A_13 : memref<128xi32, #tpu.memory_space<vmem>>) target_semaphore(%arg12 : memref<!tpu.dma_semaphore, #tpu.memory_space<semaphore_mem>>)
    %mul3A_16 = arith.constant 128 : i32
    %mul3A_17 = arith.muli %arg1, %mul3A_16 : i32
    %dma_start3A_18 = arith.constant 1 : i32
    %dma_start3A_19 = arith.constant 1 : i32
    %dma_start3A_20 = arith.constant 0 : i32
    %dma_start3A_21 = tpu.memref_slice %arg6[%dma_start3A_19, %dma_start3A_20] : memref<64x128xi32, #tpu.memory_space<vmem>> -> memref<1x128xi32, #tpu.memory_space<vmem>>
    %dma_start3A_22 = tpu.memref_squeeze %dma_start3A_21 : memref<1x128xi32, #tpu.memory_space<vmem>> -> memref<128xi32, #tpu.memory_space<vmem>>
    %dma_start3A_23 = tpu.memref_slice %arg2[%dma_start3A_18, %mul3A_17] : memref<64x2048xi32, #tpu.memory_space<hbm>> -> memref<1x128xi32, #tpu.memory_space<hbm>>
    %dma_start3A_24 = tpu.memref_squeeze %dma_start3A_23 : memref<1x128xi32, #tpu.memory_space<hbm>> -> memref<128xi32, #tpu.memory_space<hbm>>
    %dma_start3A_25 = arith.constant 0 : i32
    %dma_start3A_26 = tpu.memref_slice %arg6[%dma_start3A_19, %dma_start3A_25] : memref<64x128xi32, #tpu.memory_space<vmem>> -> memref<1x128xi32, #tpu.memory_space<vmem>>
    %dma_start3A_27 = tpu.memref_squeeze %dma_start3A_26 : memref<1x128xi32, #tpu.memory_space<vmem>> -> memref<128xi32, #tpu.memory_space<vmem>>
    %dma_start3A_28 = tpu.memref_slice %arg2[%dma_start3A_18, %mul3A_17] : memref<64x2048xi32, #tpu.memory_space<hbm>> -> memref<1x128xi32, #tpu.memory_space<hbm>>
    %dma_start3A_29 = tpu.memref_squeeze %dma_start3A_28 : memref<1x128xi32, #tpu.memory_space<hbm>> -> memref<128xi32, #tpu.memory_space<hbm>>
    tpu.enqueue_dma source(%dma_start3A_29 : memref<128xi32, #tpu.memory_space<hbm>>) target(%dma_start3A_27 : memref<128xi32, #tpu.memory_space<vmem>>) target_semaphore(%arg12 : memref<!tpu.dma_semaphore, #tpu.memory_space<semaphore_mem>>)
    %mul3A_30 = arith.constant 128 : i32
    %mul3A_31 = arith.muli %arg1, %mul3A_30 : i32
    %dma_start3A_32 = arith.constant 2 : i32
    %dma_start3A_33 = arith.constant 2 : i32
    %dma_start3A_34 = arith.constant 0 : i32
    %dma_start3A_35 = tpu.memref_slice %arg6[%dma_start3A_33, %dma_start3A_34] : memref<64x128xi32, #tpu.memory_space<vmem>> -> memref<1x128xi32, #tpu.memory_space<vmem>>
    %dma_start3A_36 = tpu.memref_squeeze %dma_start3A_35 : memref<1x128xi32, #tpu.memory_space<vmem>> -> memref<128xi32, #tpu.memory_space<vmem>>
    %dma_start3A_37 = tpu.memref_slice %arg2[%dma_start3A_32, %mul3A_31] : memref<64x2048xi32, #tpu.memory_space<hbm>> -> memref<1x128xi32, #tpu.memory_space<hbm>>
    %dma_start3A_38 = tpu.memref_squeeze %dma_start3A_37 : memref<1x128xi32, #tpu.memory_space<hbm>> -> memref<128xi32, #tpu.memory_space<hbm>>
    %dma_start3A_39 = arith.constant 0 : i32
    %dma_start3A_40 = tpu.memref_slice %arg6[%dma_start3A_33, %dma_start3A_39] : memref<64x128xi32, #tpu.memory_space<vmem>> -> memref<1x128xi32, #tpu.memory_space<vmem>>
    %dma_start3A_41 = tpu.memref_squeeze %dma_start3A_40 : memref<1x128xi32, #tpu.memory_space<vmem>> -> memref<128xi32, #tpu.memory_space<vmem>>
    %dma_start3A_42 = tpu.memref_slice %arg2[%dma_start3A_32, %mul3A_31] : memref<64x2048xi32, #tpu.memory_space<hbm>> -> memref<1x128xi32, #tpu.memory_space<hbm>>
    %dma_start3A_43 = tpu.memref_squeeze %dma_start3A_42 : memref<1x128xi32, #tpu.memory_space<hbm>> -> memref<128xi32, #tpu.memory_space<hbm>>
    tpu.enqueue_dma source(%dma_start3A_43 : memref<128xi32, #tpu.memory_space<hbm>>) target(%dma_start3A_41 : memref<128xi32, #tpu.memory_space<vmem>>) target_semaphore(%arg12 : memref<!tpu.dma_semaphore, #tpu.memory_space<semaphore_mem>>)
    %mul3A_44 = arith.constant 128 : i32
    %mul3A_45 = arith.muli %arg1, %mul3A_44 : i32
    %dma_start3A_46 = arith.constant 3 : i32
    %dma_start3A_47 = arith.constant 3 : i32
    %dma_start3A_48 = arith.constant 0 : i32
    %dma_start3A_49 = tpu.memref_slice %arg6[%dma_start3A_47, %dma_start3A_48] : memref<64x128xi32, #tpu.memory_space<vmem>> -> memref<1x128xi32, #tpu.memory_space<vmem>>
    %dma_start3A_50 = tpu.memref_squeeze %dma_start3A_49 : memref<1x128xi32, #tpu.memory_space<vmem>> -> memref<128xi32, #tpu.memory_space<vmem>>
    %dma_start3A_51 = tpu.memref_slice %arg2[%dma_start3A_46, %mul3A_45] : memref<64x2048xi32, #tpu.memory_space<hbm>> -> memref<1x128xi32, #tpu.memory_space<hbm>>
    %dma_start3A_52 = tpu.memref_squeeze %dma_start3A_51 : memref<1x128xi32, #tpu.memory_space<hbm>> -> memref<128xi32, #tpu.memory_space<hbm>>
    %dma_start3A_53 = arith.constant 0 : i32
    %dma_start3A_54 = tpu.memref_slice %arg6[%dma_start3A_47, %dma_start3A_53] : memref<64x128xi32, #tpu.memory_space<vmem>> -> memref<1x128xi32, #tpu.memory_space<vmem>>
    %dma_start3A_55 = tpu.memref_squeeze %dma_start3A_54 : memref<1x128xi32, #tpu.memory_space<vmem>> -> memref<128xi32, #tpu.memory_space<vmem>>
    %dma_start3A_56 = tpu.memref_slice %arg2[%dma_start3A_46, %mul3A_45] : memref<64x2048xi32, #tpu.memory_space<hbm>> -> memref<1x128xi32, #tpu.memory_space<hbm>>
    %dma_start3A_57 = tpu.memref_squeeze %dma_start3A_56 : memref<1x128xi32, #tpu.memory_space<hbm>> -> memref<128xi32, #tpu.memory_space<hbm>>
    tpu.enqueue_dma source(%dma_start3A_57 : memref<128xi32, #tpu.memory_space<hbm>>) target(%dma_start3A_55 : memref<128xi32, #tpu.memory_space<vmem>>) target_semaphore(%arg12 : memref<!tpu.dma_semaphore, #tpu.memory_space<semaphore_mem>>)
    %mul3A_58 = arith.constant 128 : i32
    %mul3A_59 = arith.muli %arg1, %mul3A_58 : i32
    %dma_start3A_60 = arith.constant 4 : i32
    %dma_start3A_61 = arith.constant 4 : i32
    %dma_start3A_62 = arith.constant 0 : i32
    %dma_start3A_63 = tpu.memref_slice %arg6[%dma_start3A_61, %dma_start3A_62] : memref<64x128xi32, #tpu.memory_space<vmem>> -> memref<1x128xi32, #tpu.memory_space<vmem>>
    %dma_start3A_64 = tpu.memref_squeeze %dma_start3A_63 : memref<1x128xi32, #tpu.memory_space<vmem>> -> memref<128xi32, #tpu.memory_space<vmem>>
    %dma_start3A_65 = tpu.memref_slice %arg2[%dma_start3A_60, %mul3A_59] : memref<64x2048xi32, #tpu.memory_space<hbm>> -> memref<1x128xi32, #tpu.memory_space<hbm>>
    %dma_start3A_66 = tpu.memref_squeeze %dma_start3A_65 : memref<1x128xi32, #tpu.memory_space<hbm>> -> memref<128xi32, #tpu.memory_space<hbm>>
    %dma_start3A_67 = arith.constant 0 : i32
    %dma_start3A_68 = tpu.memref_slice %arg6[%dma_start3A_61, %dma_start3A_67] : memref<64x128xi32, #tpu.memory_space<vmem>> -> memref<1x128xi32, #tpu.memory_space<vmem>>
    %dma_start3A_69 = tpu.memref_squeeze %dma_start3A_68 : memref<1x128xi32, #tpu.memory_space<vmem>> -> memref<128xi32, #tpu.memory_space<vmem>>
    %dma_start3A_70 = tpu.memref_slice %arg2[%dma_start3A_60, %mul3A_59] : memref<64x2048xi32, #tpu.memory_space<hbm>> -> memref<1x128xi32, #tpu.memory_space<hbm>>
    %dma_start3A_71 = tpu.memref_squeeze %dma_start3A_70 : memref<1x128xi32, #tpu.memory_space<hbm>> -> memref<128xi32, #tpu.memory_space<hbm>>
    tpu.enqueue_dma source(%dma_start3A_71 : memref<128xi32, #tpu.memory_space<hbm>>) target(%dma_start3A_69 : memref<128xi32, #tpu.memory_space<vmem>>) target_semaphore(%arg12 : memref<!tpu.dma_semaphore, #tpu.memory_space<semaphore_mem>>)
    %mul3A_72 = arith.constant 128 : i32
    %mul3A_73 = arith.muli %arg1, %mul3A_72 : i32
    %dma_start3A_74 = arith.constant 5 : i32
    %dma_start3A_75 = arith.constant 5 : i32
    %dma_start3A_76 = arith.constant 0 : i32
    %dma_start3A_77 = tpu.memref_slice %arg6[%dma_start3A_75, %dma_start3A_76] : memref<64x128xi32, #tpu.memory_space<vmem>> -> memref<1x128xi32, #tpu.memory_space<vmem>>
    %dma_start3A_78 = tpu.memref_squeeze %dma_start3A_77 : memref<1x128xi32, #tpu.memory_space<vmem>> -> memref<128xi32, #tpu.memory_space<vmem>>
    %dma_start3A_79 = tpu.memref_slice %arg2[%dma_start3A_74, %mul3A_73] : memref<64x2048xi32, #tpu.memory_space<hbm>> -> memref<1x128xi32, #tpu.memory_space<hbm>>
    %dma_start3A_80 = tpu.memref_squeeze %dma_start3A_79 : memref<1x128xi32, #tpu.memory_space<hbm>> -> memref<128xi32, #tpu.memory_space<hbm>>
    %dma_start3A_81 = arith.constant 0 : i32
    %dma_start3A_82 = tpu.memref_slice %arg6[%dma_start3A_75, %dma_start3A_81] : memref<64x128xi32, #tpu.memory_space<vmem>> -> memref<1x128xi32, #tpu.memory_space<vmem>>
    %dma_start3A_83 = tpu.memref_squeeze %dma_start3A_82 : memref<1x128xi32, #tpu.memory_space<vmem>> -> memref<128xi32, #tpu.memory_space<vmem>>
    %dma_start3A_84 = tpu.memref_slice %arg2[%dma_start3A_74, %mul3A_73] : memref<64x2048xi32, #tpu.memory_space<hbm>> -> memref<1x128xi32, #tpu.memory_space<hbm>>
    %dma_start3A_85 = tpu.memref_squeeze %dma_start3A_84 : memref<1x128xi32, #tpu.memory_space<hbm>> -> memref<128xi32, #tpu.memory_space<hbm>>
    tpu.enqueue_dma source(%dma_start3A_85 : memref<128xi32, #tpu.memory_space<hbm>>) target(%dma_start3A_83 : memref<128xi32, #tpu.memory_space<vmem>>) target_semaphore(%arg12 : memref<!tpu.dma_semaphore, #tpu.memory_space<semaphore_mem>>)
    %mul3A_86 = arith.constant 128 : i32
    %mul3A_87 = arith.muli %arg1, %mul3A_86 : i32
    %dma_start3A_88 = arith.constant 6 : i32
    %dma_start3A_89 = arith.constant 6 : i32
    %dma_start3A_90 = arith.constant 0 : i32
    %dma_start3A_91 = tpu.memref_slice %arg6[%dma_start3A_89, %dma_start3A_90] : memref<64x128xi32, #tpu.memory_space<vmem>> -> memref<1x128xi32, #tpu.memory_space<vmem>>
    %dma_start3A_92 = tpu.memref_squeeze %dma_start3A_91 : memref<1x128xi32, #tpu.memory_space<vmem>> -> memref<128xi32, #tpu.memory_space<vmem>>
    %dma_start3A_93 = tpu.memref_slice %arg2[%dma_start3A_88, %mul3A_87] : memref<64x2048xi32, #tpu.memory_space<hbm>> -> memref<1x128xi32, #tpu.memory_space<hbm>>
    %dma_start3A_94 = tpu.memref_squeeze %dma_start3A_93 : memref<1x128xi32, #tpu.memory_space<hbm>> -> memref<128xi32, #tpu.memory_space<hbm>>
    %dma_start3A_95 = arith.constant 0 : i32
    %dma_start3A_96 = tpu.memref_slice %arg6[%dma_start3A_89, %dma_start3A_95] : memref<64x128xi32, #tpu.memory_space<vmem>> -> memref<1x128xi32, #tpu.memory_space<vmem>>
    %dma_start3A_97 = tpu.memref_squeeze %dma_start3A_96 : memref<1x128xi32, #tpu.memory_space<vmem>> -> memref<128xi32, #tpu.memory_space<vmem>>
    %dma_start3A_98 = tpu.memref_slice %arg2[%dma_start3A_88, %mul3A_87] : memref<64x2048xi32, #tpu.memory_space<hbm>> -> memref<1x128xi32, #tpu.memory_space<hbm>>
    %dma_start3A_99 = tpu.memref_squeeze %dma_start3A_98 : memref<1x128xi32, #tpu.memory_space<hbm>> -> memref<128xi32, #tpu.memory_space<hbm>>
    tpu.enqueue_dma source(%dma_start3A_99 : memref<128xi32, #tpu.memory_space<hbm>>) target(%dma_start3A_97 : memref<128xi32, #tpu.memory_space<vmem>>) target_semaphore(%arg12 : memref<!tpu.dma_semaphore, #tpu.memory_space<semaphore_mem>>)
    %mul3A_100 = arith.constant 128 : i32
    %mul3A_101 = arith.muli %arg1, %mul3A_100 : i32
    %dma_start3A_102 = arith.constant 7 : i32
    %dma_start3A_103 = arith.constant 7 : i32
    %dma_start3A_104 = arith.constant 0 : i32
    %dma_start3A_105 = tpu.memref_slice %arg6[%dma_start3A_103, %dma_start3A_104] : memref<64x128xi32, #tpu.memory_space<vmem>> -> memref<1x128xi32, #tpu.memory_space<vmem>>
    %dma_start3A_106 = tpu.memref_squeeze %dma_start3A_105 : memref<1x128xi32, #tpu.memory_space<vmem>> -> memref<128xi32, #tpu.memory_space<vmem>>
    %dma_start3A_107 = tpu.memref_slice %arg2[%dma_start3A_102, %mul3A_101] : memref<64x2048xi32, #tpu.memory_space<hbm>> -> memref<1x128xi32, #tpu.memory_space<hbm>>
    %dma_start3A_108 = tpu.memref_squeeze %dma_start3A_107 : memref<1x128xi32, #tpu.memory_space<hbm>> -> memref<128xi32, #tpu.memory_space<hbm>>
    %dma_start3A_109 = arith.constant 0 : i32
    %dma_start3A_110 = tpu.memref_slice %arg6[%dma_start3A_103, %dma_start3A_109] : memref<64x128xi32, #tpu.memory_space<vmem>> -> memref<1x128xi32, #tpu.memory_space<vmem>>
    %dma_start3A_111 = tpu.memref_squeeze %dma_start3A_110 : memref<1x128xi32, #tpu.memory_space<vmem>> -> memref<128xi32, #tpu.memory_space<vmem>>
    %dma_start3A_112 = tpu.memref_slice %arg2[%dma_start3A_102, %mul3A_101] : memref<64x2048xi32, #tpu.memory_space<hbm>> -> memref<1x128xi32, #tpu.memory_space<hbm>>
    %dma_start3A_113 = tpu.memref_squeeze %dma_start3A_112 : memref<1x128xi32, #tpu.memory_space<hbm>> -> memref<128xi32, #tpu.memory_space<hbm>>
    tpu.enqueue_dma source(%dma_start3A_113 : memref<128xi32, #tpu.memory_space<hbm>>) target(%dma_start3A_111 : memref<128xi32, #tpu.memory_space<vmem>>) target_semaphore(%arg12 : memref<!tpu.dma_semaphore, #tpu.memory_space<semaphore_mem>>)
    %mul3A_114 = arith.constant 128 : i32
    %mul3A_115 = arith.muli %arg1, %mul3A_114 : i32
    %dma_start3A_116 = arith.constant 8 : i32
    %dma_start3A_117 = arith.constant 8 : i32
    %dma_start3A_118 = arith.constant 0 : i32
    %dma_start3A_119 = tpu.memref_slice %arg6[%dma_start3A_117, %dma_start3A_118] : memref<64x128xi32, #tpu.memory_space<vmem>> -> memref<1x128xi32, #tpu.memory_space<vmem>>
    %dma_start3A_120 = tpu.memref_squeeze %dma_start3A_119 : memref<1x128xi32, #tpu.memory_space<vmem>> -> memref<128xi32, #tpu.memory_space<vmem>>
    %dma_start3A_121 = tpu.memref_slice %arg2[%dma_start3A_116, %mul3A_115] : memref<64x2048xi32, #tpu.memory_space<hbm>> -> memref<1x128xi32, #tpu.memory_space<hbm>>
    %dma_start3A_122 = tpu.memref_squeeze %dma_start3A_121 : memref<1x128xi32, #tpu.memory_space<hbm>> -> memref<128xi32, #tpu.memory_space<hbm>>
    %dma_start3A_123 = arith.constant 0 : i32
    %dma_start3A_124 = tpu.memref_slice %arg6[%dma_start3A_117, %dma_start3A_123] : memref<64x128xi32, #tpu.memory_space<vmem>> -> memref<1x128xi32, #tpu.memory_space<vmem>>
    %dma_start3A_125 = tpu.memref_squeeze %dma_start3A_124 : memref<1x128xi32, #tpu.memory_space<vmem>> -> memref<128xi32, #tpu.memory_space<vmem>>
    %dma_start3A_126 = tpu.memref_slice %arg2[%dma_start3A_116, %mul3A_115] : memref<64x2048xi32, #tpu.memory_space<hbm>> -> memref<1x128xi32, #tpu.memory_space<hbm>>
    %dma_start3A_127 = tpu.memref_squeeze %dma_start3A_126 : memref<1x128xi32, #tpu.memory_space<hbm>> -> memref<128xi32, #tpu.memory_space<hbm>>
    tpu.enqueue_dma source(%dma_start3A_127 : memref<128xi32, #tpu.memory_space<hbm>>) target(%dma_start3A_125 : memref<128xi32, #tpu.memory_space<vmem>>) target_semaphore(%arg12 : memref<!tpu.dma_semaphore, #tpu.memory_space<semaphore_mem>>)
    %mul3A_128 = arith.constant 128 : i32
    %mul3A_129 = arith.muli %arg1, %mul3A_128 : i32
    %dma_start3A_130 = arith.constant 9 : i32
    %dma_start3A_131 = arith.constant 9 : i32
    %dma_start3A_132 = arith.constant 0 : i32
    %dma_start3A_133 = tpu.memref_slice %arg6[%dma_start3A_131, %dma_start3A_132] : memref<64x128xi32, #tpu.memory_space<vmem>> -> memref<1x128xi32, #tpu.memory_space<vmem>>
    %dma_start3A_134 = tpu.memref_squeeze %dma_start3A_133 : memref<1x128xi32, #tpu.memory_space<vmem>> -> memref<128xi32, #tpu.memory_space<vmem>>
    %dma_start3A_135 = tpu.memref_slice %arg2[%dma_start3A_130, %mul3A_129] : memref<64x2048xi32, #tpu.memory_space<hbm>> -> memref<1x128xi32, #tpu.memory_space<hbm>>
    %dma_start3A_136 = tpu.memref_squeeze %dma_start3A_135 : memref<1x128xi32, #tpu.memory_space<hbm>> -> memref<128xi32, #tpu.memory_space<hbm>>
    %dma_start3A_137 = arith.constant 0 : i32
    %dma_start3A_138 = tpu.memref_slice %arg6[%dma_start3A_131, %dma_start3A_137] : memref<64x128xi32, #tpu.memory_space<vmem>> -> memref<1x128xi32, #tpu.memory_space<vmem>>
    %dma_start3A_139 = tpu.memref_squeeze %dma_start3A_138 : memref<1x128xi32, #tpu.memory_space<vmem>> -> memref<128xi32, #tpu.memory_space<vmem>>
    %dma_start3A_140 = tpu.memref_slice %arg2[%dma_start3A_130, %mul3A_129] : memref<64x2048xi32, #tpu.memory_space<hbm>> -> memref<1x128xi32, #tpu.memory_space<hbm>>
    %dma_start3A_141 = tpu.memref_squeeze %dma_start3A_140 : memref<1x128xi32, #tpu.memory_space<hbm>> -> memref<128xi32, #tpu.memory_space<hbm>>
    tpu.enqueue_dma source(%dma_start3A_141 : memref<128xi32, #tpu.memory_space<hbm>>) target(%dma_start3A_139 : memref<128xi32, #tpu.memory_space<vmem>>) target_semaphore(%arg12 : memref<!tpu.dma_semaphore, #tpu.memory_space<semaphore_mem>>)
    %mul3A_142 = arith.constant 128 : i32
    %mul3A_143 = arith.muli %arg1, %mul3A_142 : i32
    %dma_start3A_144 = arith.constant 10 : i32
    %dma_start3A_145 = arith.constant 10 : i32
    %dma_start3A_146 = arith.constant 0 : i32
    %dma_start3A_147 = tpu.memref_slice %arg6[%dma_start3A_145, %dma_start3A_146] : memref<64x128xi32, #tpu.memory_space<vmem>> -> memref<1x128xi32, #tpu.memory_space<vmem>>
    %dma_start3A_148 = tpu.memref_squeeze %dma_start3A_147 : memref<1x128xi32, #tpu.memory_space<vmem>> -> memref<128xi32, #tpu.memory_space<vmem>>
    %dma_start3A_149 = tpu.memref_slice %arg2[%dma_start3A_144, %mul3A_143] : memref<64x2048xi32, #tpu.memory_space<hbm>> -> memref<1x128xi32, #tpu.memory_space<hbm>>
    %dma_start3A_150 = tpu.memref_squeeze %dma_start3A_149 : memref<1x128xi32, #tpu.memory_space<hbm>> -> memref<128xi32, #tpu.memory_space<hbm>>
    %dma_start3A_151 = arith.constant 0 : i32
    %dma_start3A_152 = tpu.memref_slice %arg6[%dma_start3A_145, %dma_start3A_151] : memref<64x128xi32, #tpu.memory_space<vmem>> -> memref<1x128xi32, #tpu.memory_space<vmem>>
    %dma_start3A_153 = tpu.memref_squeeze %dma_start3A_152 : memref<1x128xi32, #tpu.memory_space<vmem>> -> memref<128xi32, #tpu.memory_space<vmem>>
    %dma_start3A_154 = tpu.memref_slice %arg2[%dma_start3A_144, %mul3A_143] : memref<64x2048xi32, #tpu.memory_space<hbm>> -> memref<1x128xi32, #tpu.memory_space<hbm>>
    %dma_start3A_155 = tpu.memref_squeeze %dma_start3A_154 : memref<1x128xi32, #tpu.memory_space<hbm>> -> memref<128xi32, #tpu.memory_space<hbm>>
    tpu.enqueue_dma source(%dma_start3A_155 : memref<128xi32, #tpu.memory_space<hbm>>) target(%dma_start3A_153 : memref<128xi32, #tpu.memory_space<vmem>>) target_semaphore(%arg12 : memref<!tpu.dma_semaphore, #tpu.memory_space<semaphore_mem>>)
    %mul3A_156 = arith.constant 128 : i32
    %mul3A_157 = arith.muli %arg1, %mul3A_156 : i32
    %dma_start3A_158 = arith.constant 11 : i32
    %dma_start3A_159 = arith.constant 11 : i32
    %dma_start3A_160 = arith.constant 0 : i32
    %dma_start3A_161 = tpu.memref_slice %arg6[%dma_start3A_159, %dma_start3A_160] : memref<64x128xi32, #tpu.memory_space<vmem>> -> memref<1x128xi32, #tpu.memory_space<vmem>>
    %dma_start3A_162 = tpu.memref_squeeze %dma_start3A_161 : memref<1x128xi32, #tpu.memory_space<vmem>> -> memref<128xi32, #tpu.memory_space<vmem>>
    %dma_start3A_163 = tpu.memref_slice %arg2[%dma_start3A_158, %mul3A_157] : memref<64x2048xi32, #tpu.memory_space<hbm>> -> memref<1x128xi32, #tpu.memory_space<hbm>>
    %dma_start3A_164 = tpu.memref_squeeze %dma_start3A_163 : memref<1x128xi32, #tpu.memory_space<hbm>> -> memref<128xi32, #tpu.memory_space<hbm>>
    %dma_start3A_165 = arith.constant 0 : i32
    %dma_start3A_166 = tpu.memref_slice %arg6[%dma_start3A_159, %dma_start3A_165] : memref<64x128xi32, #tpu.memory_space<vmem>> -> memref<1x128xi32, #tpu.memory_space<vmem>>
    %dma_start3A_167 = tpu.memref_squeeze %dma_start3A_166 : memref<1x128xi32, #tpu.memory_space<vmem>> -> memref<128xi32, #tpu.memory_space<vmem>>
    %dma_start3A_168 = tpu.memref_slice %arg2[%dma_start3A_158, %mul3A_157] : memref<64x2048xi32, #tpu.memory_space<hbm>> -> memref<1x128xi32, #tpu.memory_space<hbm>>
    %dma_start3A_169 = tpu.memref_squeeze %dma_start3A_168 : memref<1x128xi32, #tpu.memory_space<hbm>> -> memref<128xi32, #tpu.memory_space<hbm>>
    tpu.enqueue_dma source(%dma_start3A_169 : memref<128xi32, #tpu.memory_space<hbm>>) target(%dma_start3A_167 : memref<128xi32, #tpu.memory_space<vmem>>) target_semaphore(%arg12 : memref<!tpu.dma_semaphore, #tpu.memory_space<semaphore_mem>>)
    %mul3A_170 = arith.constant 128 : i32
    %mul3A_171 = arith.muli %arg1, %mul3A_170 : i32
    %dma_start3A_172 = arith.constant 12 : i32
    %dma_start3A_173 = arith.constant 12 : i32
    %dma_start3A_174 = arith.constant 0 : i32
    %dma_start3A_175 = tpu.memref_slice %arg6[%dma_start3A_173, %dma_start3A_174] : memref<64x128xi32, #tpu.memory_space<vmem>> -> memref<1x128xi32, #tpu.memory_space<vmem>>
    %dma_start3A_176 = tpu.memref_squeeze %dma_start3A_175 : memref<1x128xi32, #tpu.memory_space<vmem>> -> memref<128xi32, #tpu.memory_space<vmem>>
    %dma_start3A_177 = tpu.memref_slice %arg2[%dma_start3A_172, %mul3A_171] : memref<64x2048xi32, #tpu.memory_space<hbm>> -> memref<1x128xi32, #tpu.memory_space<hbm>>
    %dma_start3A_178 = tpu.memref_squeeze %dma_start3A_177 : memref<1x128xi32, #tpu.memory_space<hbm>> -> memref<128xi32, #tpu.memory_space<hbm>>
    %dma_start3A_179 = arith.constant 0 : i32
    %dma_start3A_180 = tpu.memref_slice %arg6[%dma_start3A_173, %dma_start3A_179] : memref<64x128xi32, #tpu.memory_space<vmem>> -> memref<1x128xi32, #tpu.memory_space<vmem>>
    %dma_start3A_181 = tpu.memref_squeeze %dma_start3A_180 : memref<1x128xi32, #tpu.memory_space<vmem>> -> memref<128xi32, #tpu.memory_space<vmem>>
    %dma_start3A_182 = tpu.memref_slice %arg2[%dma_start3A_172, %mul3A_171] : memref<64x2048xi32, #tpu.memory_space<hbm>> -> memref<1x128xi32, #tpu.memory_space<hbm>>
    %dma_start3A_183 = tpu.memref_squeeze %dma_start3A_182 : memref<1x128xi32, #tpu.memory_space<hbm>> -> memref<128xi32, #tpu.memory_space<hbm>>
    tpu.enqueue_dma source(%dma_start3A_183 : memref<128xi32, #tpu.memory_space<hbm>>) target(%dma_start3A_181 : memref<128xi32, #tpu.memory_space<vmem>>) target_semaphore(%arg12 : memref<!tpu.dma_semaphore, #tpu.memory_space<semaphore_mem>>)
    %mul3A_184 = arith.constant 128 : i32
    %mul3A_185 = arith.muli %arg1, %mul3A_184 : i32
    %dma_start3A_186 = arith.constant 13 : i32
    %dma_start3A_187 = arith.constant 13 : i32
    %dma_start3A_188 = arith.constant 0 : i32
    %dma_start3A_189 = tpu.memref_slice %arg6[%dma_start3A_187, %dma_start3A_188] : memref<64x128xi32, #tpu.memory_space<vmem>> -> memref<1x128xi32, #tpu.memory_space<vmem>>
    %dma_start3A_190 = tpu.memref_squeeze %dma_start3A_189 : memref<1x128xi32, #tpu.memory_space<vmem>> -> memref<128xi32, #tpu.memory_space<vmem>>
    %dma_start3A_191 = tpu.memref_slice %arg2[%dma_start3A_186, %mul3A_185] : memref<64x2048xi32, #tpu.memory_space<hbm>> -> memref<1x128xi32, #tpu.memory_space<hbm>>
    %dma_start3A_192 = tpu.memref_squeeze %dma_start3A_191 : memref<1x128xi32, #tpu.memory_space<hbm>> -> memref<128xi32, #tpu.memory_space<hbm>>
    %dma_start3A_193 = arith.constant 0 : i32
    %dma_start3A_194 = tpu.memref_slice %arg6[%dma_start3A_187, %dma_start3A_193] : memref<64x128xi32, #tpu.memory_space<vmem>> -> memref<1x128xi32, #tpu.memory_space<vmem>>
    %dma_start3A_195 = tpu.memref_squeeze %dma_start3A_194 : memref<1x128xi32, #tpu.memory_space<vmem>> -> memref<128xi32, #tpu.memory_space<vmem>>
    %dma_start3A_196 = tpu.memref_slice %arg2[%dma_start3A_186, %mul3A_185] : memref<64x2048xi32, #tpu.memory_space<hbm>> -> memref<1x128xi32, #tpu.memory_space<hbm>>
    %dma_start3A_197 = tpu.memref_squeeze %dma_start3A_196 : memref<1x128xi32, #tpu.memory_space<hbm>> -> memref<128xi32, #tpu.memory_space<hbm>>
    tpu.enqueue_dma source(%dma_start3A_197 : memref<128xi32, #tpu.memory_space<hbm>>) target(%dma_start3A_195 : memref<128xi32, #tpu.memory_space<vmem>>) target_semaphore(%arg12 : memref<!tpu.dma_semaphore, #tpu.memory_space<semaphore_mem>>)
    %mul3A_198 = arith.constant 128 : i32
    %mul3A_199 = arith.muli %arg1, %mul3A_198 : i32
    %dma_start3A_200 = arith.constant 14 : i32
    %dma_start3A_201 = arith.constant 14 : i32
    %dma_start3A_202 = arith.constant 0 : i32
    %dma_start3A_203 = tpu.memref_slice %arg6[%dma_start3A_201, %dma_start3A_202] : memref<64x128xi32, #tpu.memory_space<vmem>> -> memref<1x128xi32, #tpu.memory_space<vmem>>
    %dma_start3A_204 = tpu.memref_squeeze %dma_start3A_203 : memref<1x128xi32, #tpu.memory_space<vmem>> -> memref<128xi32, #tpu.memory_space<vmem>>
    %dma_start3A_205 = tpu.memref_slice %arg2[%dma_start3A_200, %mul3A_199] : memref<64x2048xi32, #tpu.memory_space<hbm>> -> memref<1x128xi32, #tpu.memory_space<hbm>>
    %dma_start3A_206 = tpu.memref_squeeze %dma_start3A_205 : memref<1x128xi32, #tpu.memory_space<hbm>> -> memref<128xi32, #tpu.memory_space<hbm>>
    %dma_start3A_207 = arith.constant 0 : i32
    %dma_start3A_208 = tpu.memref_slice %arg6[%dma_start3A_201, %dma_start3A_207] : memref<64x128xi32, #tpu.memory_space<vmem>> -> memref<1x128xi32, #tpu.memory_space<vmem>>
    %dma_start3A_209 = tpu.memref_squeeze %dma_start3A_208 : memref<1x128xi32, #tpu.memory_space<vmem>> -> memref<128xi32, #tpu.memory_space<vmem>>
    %dma_start3A_210 = tpu.memref_slice %arg2[%dma_start3A_200, %mul3A_199] : memref<64x2048xi32, #tpu.memory_space<hbm>> -> memref<1x128xi32, #tpu.memory_space<hbm>>
    %dma_start3A_211 = tpu.memref_squeeze %dma_start3A_210 : memref<1x128xi32, #tpu.memory_space<hbm>> -> memref<128xi32, #tpu.memory_space<hbm>>
    tpu.enqueue_dma source(%dma_start3A_211 : memref<128xi32, #tpu.memory_space<hbm>>) target(%dma_start3A_209 : memref<128xi32, #tpu.memory_space<vmem>>) target_semaphore(%arg12 : memref<!tpu.dma_semaphore, #tpu.memory_space<semaphore_mem>>)
    %mul3A_212 = arith.constant 128 : i32
    %mul3A_213 = arith.muli %arg1, %mul3A_212 : i32
    %dma_start3A_214 = arith.constant 15 : i32
    %dma_start3A_215 = arith.constant 15 : i32
    %dma_start3A_216 = arith.constant 0 : i32
    %dma_start3A_217 = tpu.memref_slice %arg6[%dma_start3A_215, %dma_start3A_216] : memref<64x128xi32, #tpu.memory_space<vmem>> -> memref<1x128xi32, #tpu.memory_space<vmem>>
    %dma_start3A_218 = tpu.memref_squeeze %dma_start3A_217 : memref<1x128xi32, #tpu.memory_space<vmem>> -> memref<128xi32, #tpu.memory_space<vmem>>
    %dma_start3A_219 = tpu.memref_slice %arg2[%dma_start3A_214, %mul3A_213] : memref<64x2048xi32, #tpu.memory_space<hbm>> -> memref<1x128xi32, #tpu.memory_space<hbm>>
    %dma_start3A_220 = tpu.memref_squeeze %dma_start3A_219 : memref<1x128xi32, #tpu.memory_space<hbm>> -> memref<128xi32, #tpu.memory_space<hbm>>
    %dma_start3A_221 = arith.constant 0 : i32
    %dma_start3A_222 = tpu.memref_slice %arg6[%dma_start3A_215, %dma_start3A_221] : memref<64x128xi32, #tpu.memory_space<vmem>> -> memref<1x128xi32, #tpu.memory_space<vmem>>
    %dma_start3A_223 = tpu.memref_squeeze %dma_start3A_222 : memref<1x128xi32, #tpu.memory_space<vmem>> -> memref<128xi32, #tpu.memory_space<vmem>>
    %dma_start3A_224 = tpu.memref_slice %arg2[%dma_start3A_214, %mul3A_213] : memref<64x2048xi32, #tpu.memory_space<hbm>> -> memref<1x128xi32, #tpu.memory_space<hbm>>
    %dma_start3A_225 = tpu.memref_squeeze %dma_start3A_224 : memref<1x128xi32, #tpu.memory_space<hbm>> -> memref<128xi32, #tpu.memory_space<hbm>>
    tpu.enqueue_dma source(%dma_start3A_225 : memref<128xi32, #tpu.memory_space<hbm>>) target(%dma_start3A_223 : memref<128xi32, #tpu.memory_space<vmem>>) target_semaphore(%arg12 : memref<!tpu.dma_semaphore, #tpu.memory_space<semaphore_mem>>)
    %mul3A_226 = arith.constant 128 : i32
    %mul3A_227 = arith.muli %arg1, %mul3A_226 : i32
    %dma_start3A_228 = arith.constant 16 : i32
    %dma_start3A_229 = arith.constant 16 : i32
    %dma_start3A_230 = arith.constant 0 : i32
    %dma_start3A_231 = tpu.memref_slice %arg6[%dma_start3A_229, %dma_start3A_230] : memref<64x128xi32, #tpu.memory_space<vmem>> -> memref<1x128xi32, #tpu.memory_space<vmem>>
    %dma_start3A_232 = tpu.memref_squeeze %dma_start3A_231 : memref<1x128xi32, #tpu.memory_space<vmem>> -> memref<128xi32, #tpu.memory_space<vmem>>
    %dma_start3A_233 = tpu.memref_slice %arg2[%dma_start3A_228, %mul3A_227] : memref<64x2048xi32, #tpu.memory_space<hbm>> -> memref<1x128xi32, #tpu.memory_space<hbm>>
    %dma_start3A_234 = tpu.memref_squeeze %dma_start3A_233 : memref<1x128xi32, #tpu.memory_space<hbm>> -> memref<128xi32, #tpu.memory_space<hbm>>
    %dma_start3A_235 = arith.constant 0 : i32
    %dma_start3A_236 = tpu.memref_slice %arg6[%dma_start3A_229, %dma_start3A_235] : memref<64x128xi32, #tpu.memory_space<vmem>> -> memref<1x128xi32, #tpu.memory_space<vmem>>
    %dma_start3A_237 = tpu.memref_squeeze %dma_start3A_236 : memref<1x128xi32, #tpu.memory_space<vmem>> -> memref<128xi32, #tpu.memory_space<vmem>>
    %dma_start3A_238 = tpu.memref_slice %arg2[%dma_start3A_228, %mul3A_227] : memref<64x2048xi32, #tpu.memory_space<hbm>> -> memref<1x128xi32, #tpu.memory_space<hbm>>
    %dma_start3A_239 = tpu.memref_squeeze %dma_start3A_238 : memref<1x128xi32, #tpu.memory_space<hbm>> -> memref<128xi32, #tpu.memory_space<hbm>>
    tpu.enqueue_dma source(%dma_start3A_239 : memref<128xi32, #tpu.memory_space<hbm>>) target(%dma_start3A_237 : memref<128xi32, #tpu.memory_space<vmem>>) target_semaphore(%arg12 : memref<!tpu.dma_semaphore, #tpu.memory_space<semaphore_mem>>)
    %mul3A_240 = arith.constant 128 : i32
    %mul3A_241 = arith.muli %arg1, %mul3A_240 : i32
    %dma_start3A_242 = arith.constant 17 : i32
    %dma_start3A_243 = arith.constant 17 : i32
    %dma_start3A_244 = arith.constant 0 : i32
    %dma_start3A_245 = tpu.memref_slice %arg6[%dma_start3A_243, %dma_start3A_244] : memref<64x128xi32, #tpu.memory_space<vmem>> -> memref<1x128xi32, #tpu.memory_space<vmem>>
    %dma_start3A_246 = tpu.memref_squeeze %dma_start3A_245 : memref<1x128xi32, #tpu.memory_space<vmem>> -> memref<128xi32, #tpu.memory_space<vmem>>
    %dma_start3A_247 = tpu.memref_slice %arg2[%dma_start3A_242, %mul3A_241] : memref<64x2048xi32, #tpu.memory_space<hbm>> -> memref<1x128xi32, #tpu.memory_space<hbm>>
    %dma_start3A_248 = tpu.memref_squeeze %dma_start3A_247 : memref<1x128xi32, #tpu.memory_space<hbm>> -> memref<128xi32, #tpu.memory_space<hbm>>
    %dma_start3A_249 = arith.constant 0 : i32
    %dma_start3A_250 = tpu.memref_slice %arg6[%dma_start3A_243, %dma_start3A_249] : memref<64x128xi32, #tpu.memory_space<vmem>> -> memref<1x128xi32, #tpu.memory_space<vmem>>
    %dma_start3A_251 = tpu.memref_squeeze %dma_start3A_250 : memref<1x128xi32, #tpu.memory_space<vmem>> -> memref<128xi32, #tpu.memory_space<vmem>>
    %dma_start3A_252 = tpu.memref_slice %arg2[%dma_start3A_242, %mul3A_241] : memref<64x2048xi32, #tpu.memory_space<hbm>> -> memref<1x128xi32, #tpu.memory_space<hbm>>
    %dma_start3A_253 = tpu.memref_squeeze %dma_start3A_252 : memref<1x128xi32, #tpu.memory_space<hbm>> -> memref<128xi32, #tpu.memory_space<hbm>>
    tpu.enqueue_dma source(%dma_start3A_253 : memref<128xi32, #tpu.memory_space<hbm>>) target(%dma_start3A_251 : memref<128xi32, #tpu.memory_space<vmem>>) target_semaphore(%arg12 : memref<!tpu.dma_semaphore, #tpu.memory_space<semaphore_mem>>)
    %mul3A_254 = arith.constant 128 : i32
    %mul3A_255 = arith.muli %arg1, %mul3A_254 : i32
    %dma_start3A_256 = arith.constant 18 : i32
    %dma_start3A_257 = arith.constant 18 : i32
    %dma_start3A_258 = arith.constant 0 : i32
    %dma_start3A_259 = tpu.memref_slice %arg6[%dma_start3A_257, %dma_start3A_258] : memref<64x128xi32, #tpu.memory_space<vmem>> -> memref<1x128xi32, #tpu.memory_space<vmem>>
    %dma_start3A_260 = tpu.memref_squeeze %dma_start3A_259 : memref<1x128xi32, #tpu.memory_space<vmem>> -> memref<128xi32, #tpu.memory_space<vmem>>
    %dma_start3A_261 = tpu.memref_slice %arg2[%dma_start3A_256, %mul3A_255] : memref<64x2048xi32, #tpu.memory_space<hbm>> -> memref<1x128xi32, #tpu.memory_space<hbm>>
    %dma_start3A_262 = tpu.memref_squeeze %dma_start3A_261 : memref<1x128xi32, #tpu.memory_space<hbm>> -> memref<128xi32, #tpu.memory_space<hbm>>
    %dma_start3A_263 = arith.constant 0 : i32
    %dma_start3A_264 = tpu.memref_slice %arg6[%dma_start3A_257, %dma_start3A_263] : memref<64x128xi32, #tpu.memory_space<vmem>> -> memref<1x128xi32, #tpu.memory_space<vmem>>
    %dma_start3A_265 = tpu.memref_squeeze %dma_start3A_264 : memref<1x128xi32, #tpu.memory_space<vmem>> -> memref<128xi32, #tpu.memory_space<vmem>>
    %dma_start3A_266 = tpu.memref_slice %arg2[%dma_start3A_256, %mul3A_255] : memref<64x2048xi32, #tpu.memory_space<hbm>> -> memref<1x128xi32, #tpu.memory_space<hbm>>
    %dma_start3A_267 = tpu.memref_squeeze %dma_start3A_266 : memref<1x128xi32, #tpu.memory_space<hbm>> -> memref<128xi32, #tpu.memory_space<hbm>>
    tpu.enqueue_dma source(%dma_start3A_267 : memref<128xi32, #tpu.memory_space<hbm>>) target(%dma_start3A_265 : memref<128xi32, #tpu.memory_space<vmem>>) target_semaphore(%arg12 : memref<!tpu.dma_semaphore, #tpu.memory_space<semaphore_mem>>)
    %mul3A_268 = arith.constant 128 : i32
    %mul3A_269 = arith.muli %arg1, %mul3A_268 : i32
    %dma_start3A_270 = arith.constant 19 : i32
    %dma_start3A_271 = arith.constant 19 : i32
    %dma_start3A_272 = arith.constant 0 : i32
    %dma_start3A_273 = tpu.memref_slice %arg6[%dma_start3A_271, %dma_start3A_272] : memref<64x128xi32, #tpu.memory_space<vmem>> -> memref<1x128xi32, #tpu.memory_space<vmem>>
    %dma_start3A_274 = tpu.memref_squeeze %dma_start3A_273 : memref<1x128xi32, #tpu.memory_space<vmem>> -> memref<128xi32, #tpu.memory_space<vmem>>
    %dma_start3A_275 = tpu.memref_slice %arg2[%dma_start3A_270, %mul3A_269] : memref<64x2048xi32, #tpu.memory_space<hbm>> -> memref<1x128xi32, #tpu.memory_space<hbm>>
    %dma_start3A_276 = tpu.memref_squeeze %dma_start3A_275 : memref<1x128xi32, #tpu.memory_space<hbm>> -> memref<128xi32, #tpu.memory_space<hbm>>
    %dma_start3A_277 = arith.constant 0 : i32
    %dma_start3A_278 = tpu.memref_slice %arg6[%dma_start3A_271, %dma_start3A_277] : memref<64x128xi32, #tpu.memory_space<vmem>> -> memref<1x128xi32, #tpu.memory_space<vmem>>
    %dma_start3A_279 = tpu.memref_squeeze %dma_start3A_278 : memref<1x128xi32, #tpu.memory_space<vmem>> -> memref<128xi32, #tpu.memory_space<vmem>>
    %dma_start3A_280 = tpu.memref_slice %arg2[%dma_start3A_270, %mul3A_269] : memref<64x2048xi32, #tpu.memory_space<hbm>> -> memref<1x128xi32, #tpu.memory_space<hbm>>
    %dma_start3A_281 = tpu.memref_squeeze %dma_start3A_280 : memref<1x128xi32, #tpu.memory_space<hbm>> -> memref<128xi32, #tpu.memory_space<hbm>>
    tpu.enqueue_dma source(%dma_start3A_281 : memref<128xi32, #tpu.memory_space<hbm>>) target(%dma_start3A_279 : memref<128xi32, #tpu.memory_space<vmem>>) target_semaphore(%arg12 : memref<!tpu.dma_semaphore, #tpu.memory_space<semaphore_mem>>)
    %mul3A_282 = arith.constant 128 : i32
    %mul3A_283 = arith.muli %arg1, %mul3A_282 : i32
    %dma_start3A_284 = arith.constant 20 : i32
    %dma_start3A_285 = arith.constant 20 : i32
    %dma_start3A_286 = arith.constant 0 : i32
    %dma_start3A_287 = tpu.memref_slice %arg6[%dma_start3A_285, %dma_start3A_286] : memref<64x128xi32, #tpu.memory_space<vmem>> -> memref<1x128xi32, #tpu.memory_space<vmem>>
    %dma_start3A_288 = tpu.memref_squeeze %dma_start3A_287 : memref<1x128xi32, #tpu.memory_space<vmem>> -> memref<128xi32, #tpu.memory_space<vmem>>
    %dma_start3A_289 = tpu.memref_slice %arg2[%dma_start3A_284, %mul3A_283] : memref<64x2048xi32, #tpu.memory_space<hbm>> -> memref<1x128xi32, #tpu.memory_space<hbm>>
    %dma_start3A_290 = tpu.memref_squeeze %dma_start3A_289 : memref<1x128xi32, #tpu.memory_space<hbm>> -> memref<128xi32, #tpu.memory_space<hbm>>
    %dma_start3A_291 = arith.constant 0 : i32
    %dma_start3A_292 = tpu.memref_slice %arg6[%dma_start3A_285, %dma_start3A_291] : memref<64x128xi32, #tpu.memory_space<vmem>> -> memref<1x128xi32, #tpu.memory_space<vmem>>
    %dma_start3A_293 = tpu.memref_squeeze %dma_start3A_292 : memref<1x128xi32, #tpu.memory_space<vmem>> -> memref<128xi32, #tpu.memory_space<vmem>>
    %dma_start3A_294 = tpu.memref_slice %arg2[%dma_start3A_284, %mul3A_283] : memref<64x2048xi32, #tpu.memory_space<hbm>> -> memref<1x128xi32, #tpu.memory_space<hbm>>
    %dma_start3A_295 = tpu.memref_squeeze %dma_start3A_294 : memref<1x128xi32, #tpu.memory_space<hbm>> -> memref<128xi32, #tpu.memory_space<hbm>>
    tpu.enqueue_dma source(%dma_start3A_295 : memref<128xi32, #tpu.memory_space<hbm>>) target(%dma_start3A_293 : memref<128xi32, #tpu.memory_space<vmem>>) target_semaphore(%arg12 : memref<!tpu.dma_semaphore, #tpu.memory_space<semaphore_mem>>)
    %mul3A_296 = arith.constant 128 : i32
    %mul3A_297 = arith.muli %arg1, %mul3A_296 : i32
    %dma_start3A_298 = arith.constant 21 : i32
    %dma_start3A_299 = arith.constant 21 : i32
    %dma_start3A_300 = arith.constant 0 : i32
    %dma_start3A_301 = tpu.memref_slice %arg6[%dma_start3A_299, %dma_start3A_300] : memref<64x128xi32, #tpu.memory_space<vmem>> -> memref<1x128xi32, #tpu.memory_space<vmem>>
    %dma_start3A_302 = tpu.memref_squeeze %dma_start3A_301 : memref<1x128xi32, #tpu.memory_space<vmem>> -> memref<128xi32, #tpu.memory_space<vmem>>
    %dma_start3A_303 = tpu.memref_slice %arg2[%dma_start3A_298, %mul3A_297] : memref<64x2048xi32, #tpu.memory_space<hbm>> -> memref<1x128xi32, #tpu.memory_space<hbm>>
    %dma_start3A_304 = tpu.memref_squeeze %dma_start3A_303 : memref<1x128xi32, #tpu.memory_space<hbm>> -> memref<128xi32, #tpu.memory_space<hbm>>
    %dma_start3A_305 = arith.constant 0 : i32
    %dma_start3A_306 = tpu.memref_slice %arg6[%dma_start3A_299, %dma_start3A_305] : memref<64x128xi32, #tpu.memory_space<vmem>> -> memref<1x128xi32, #tpu.memory_space<vmem>>
    %dma_start3A_307 = tpu.memref_squeeze %dma_start3A_306 : memref<1x128xi32, #tpu.memory_space<vmem>> -> memref<128xi32, #tpu.memory_space<vmem>>
    %dma_start3A_308 = tpu.memref_slice %arg2[%dma_start3A_298, %mul3A_297] : memref<64x2048xi32, #tpu.memory_space<hbm>> -> memref<1x128xi32, #tpu.memory_space<hbm>>
    %dma_start3A_309 = tpu.memref_squeeze %dma_start3A_308 : memref<1x128xi32, #tpu.memory_space<hbm>> -> memref<128xi32, #tpu.memory_space<hbm>>
    tpu.enqueue_dma source(%dma_start3A_309 : memref<128xi32, #tpu.memory_space<hbm>>) target(%dma_start3A_307 : memref<128xi32, #tpu.memory_space<vmem>>) target_semaphore(%arg12 : memref<!tpu.dma_semaphore, #tpu.memory_space<semaphore_mem>>)
    %mul3A_310 = arith.constant 128 : i32
    %mul3A_311 = arith.muli %arg1, %mul3A_310 : i32
    %dma_start3A_312 = arith.constant 22 : i32
    %dma_start3A_313 = arith.constant 22 : i32
    %dma_start3A_314 = arith.constant 0 : i32
    %dma_start3A_315 = tpu.memref_slice %arg6[%dma_start3A_313, %dma_start3A_314] : memref<64x128xi32, #tpu.memory_space<vmem>> -> memref<1x128xi32, #tpu.memory_space<vmem>>
    %dma_start3A_316 = tpu.memref_squeeze %dma_start3A_315 : memref<1x128xi32, #tpu.memory_space<vmem>> -> memref<128xi32, #tpu.memory_space<vmem>>
    %dma_start3A_317 = tpu.memref_slice %arg2[%dma_start3A_312, %mul3A_311] : memref<64x2048xi32, #tpu.memory_space<hbm>> -> memref<1x128xi32, #tpu.memory_space<hbm>>
    %dma_start3A_318 = tpu.memref_squeeze %dma_start3A_317 : memref<1x128xi32, #tpu.memory_space<hbm>> -> memref<128xi32, #tpu.memory_space<hbm>>
    %dma_start3A_319 = arith.constant 0 : i32
    %dma_start3A_320 = tpu.memref_slice %arg6[%dma_start3A_313, %dma_start3A_319] : memref<64x128xi32, #tpu.memory_space<vmem>> -> memref<1x128xi32, #tpu.memory_space<vmem>>
    %dma_start3A_321 = tpu.memref_squeeze %dma_start3A_320 : memref<1x128xi32, #tpu.memory_space<vmem>> -> memref<128xi32, #tpu.memory_space<vmem>>
    %dma_start3A_322 = tpu.memref_slice %arg2[%dma_start3A_312, %mul3A_311] : memref<64x2048xi32, #tpu.memory_space<hbm>> -> memref<1x128xi32, #tpu.memory_space<hbm>>
    %dma_start3A_323 = tpu.memref_squeeze %dma_start3A_322 : memref<1x128xi32, #tpu.memory_space<hbm>> -> memref<128xi32, #tpu.memory_space<hbm>>
    tpu.enqueue_dma source(%dma_start3A_323 : memref<128xi32, #tpu.memory_space<hbm>>) target(%dma_start3A_321 : memref<128xi32, #tpu.memory_space<vmem>>) target_semaphore(%arg12 : memref<!tpu.dma_semaphore, #tpu.memory_space<semaphore_mem>>)
    %mul3A_324 = arith.constant 128 : i32
    %mul3A_325 = arith.muli %arg1, %mul3A_324 : i32
    %dma_start3A_326 = arith.constant 23 : i32
    %dma_start3A_327 = arith.constant 23 : i32
    %dma_start3A_328 = arith.constant 0 : i32
    %dma_start3A_329 = tpu.memref_slice %arg6[%dma_start3A_327, %dma_start3A_328] : memref<64x128xi32, #tpu.memory_space<vmem>> -> memref<1x128xi32, #tpu.memory_space<vmem>>
    %dma_start3A_330 = tpu.memref_squeeze %dma_start3A_329 : memref<1x128xi32, #tpu.memory_space<vmem>> -> memref<128xi32, #tpu.memory_space<vmem>>
    %dma_start3A_331 = tpu.memref_slice %arg2[%dma_start3A_326, %mul3A_325] : memref<64x2048xi32, #tpu.memory_space<hbm>> -> memref<1x128xi32, #tpu.memory_space<hbm>>
    %dma_start3A_332 = tpu.memref_squeeze %dma_start3A_331 : memref<1x128xi32, #tpu.memory_space<hbm>> -> memref<128xi32, #tpu.memory_space<hbm>>
    %dma_start3A_333 = arith.constant 0 : i32
    %dma_start3A_334 = tpu.memref_slice %arg6[%dma_start3A_327, %dma_start3A_333] : memref<64x128xi32, #tpu.memory_space<vmem>> -> memref<1x128xi32, #tpu.memory_space<vmem>>
    %dma_start3A_335 = tpu.memref_squeeze %dma_start3A_334 : memref<1x128xi32, #tpu.memory_space<vmem>> -> memref<128xi32, #tpu.memory_space<vmem>>
    %dma_start3A_336 = tpu.memref_slice %arg2[%dma_start3A_326, %mul3A_325] : memref<64x2048xi32, #tpu.memory_space<hbm>> -> memref<1x128xi32, #tpu.memory_space<hbm>>
    %dma_start3A_337 = tpu.memref_squeeze %dma_start3A_336 : memref<1x128xi32, #tpu.memory_space<hbm>> -> memref<128xi32, #tpu.memory_space<hbm>>
    tpu.enqueue_dma source(%dma_start3A_337 : memref<128xi32, #tpu.memory_space<hbm>>) target(%dma_start3A_335 : memref<128xi32, #tpu.memory_space<vmem>>) target_semaphore(%arg12 : memref<!tpu.dma_semaphore, #tpu.memory_space<semaphore_mem>>)
    %mul3A_338 = arith.constant 128 : i32
    %mul3A_339 = arith.muli %arg1, %mul3A_338 : i32
    %dma_start3A_340 = arith.constant 24 : i32
    %dma_start3A_341 = arith.constant 24 : i32
    %dma_start3A_342 = arith.constant 0 : i32
    %dma_start3A_343 = tpu.memref_slice %arg6[%dma_start3A_341, %dma_start3A_342] : memref<64x128xi32, #tpu.memory_space<vmem>> -> memref<1x128xi32, #tpu.memory_space<vmem>>
    %dma_start3A_344 = tpu.memref_squeeze %dma_start3A_343 : memref<1x128xi32, #tpu.memory_space<vmem>> -> memref<128xi32, #tpu.memory_space<vmem>>
    %dma_start3A_345 = tpu.memref_slice %arg2[%dma_start3A_340, %mul3A_339] : memref<64x2048xi32, #tpu.memory_space<hbm>> -> memref<1x128xi32, #tpu.memory_space<hbm>>
    %dma_start3A_346 = tpu.memref_squeeze %dma_start3A_345 : memref<1x128xi32, #tpu.memory_space<hbm>> -> memref<128xi32, #tpu.memory_space<hbm>>
    %dma_start3A_347 = arith.constant 0 : i32
    %dma_start3A_348 = tpu.memref_slice %arg6[%dma_start3A_341, %dma_start3A_347] : memref<64x128xi32, #tpu.memory_space<vmem>> -> memref<1x128xi32, #tpu.memory_space<vmem>>
    %dma_start3A_349 = tpu.memref_squeeze %dma_start3A_348 : memref<1x128xi32, #tpu.memory_space<vmem>> -> memref<128xi32, #tpu.memory_space<vmem>>
    %dma_start3A_350 = tpu.memref_slice %arg2[%dma_start3A_340, %mul3A_339] : memref<64x2048xi32, #tpu.memory_space<hbm>> -> memref<1x128xi32, #tpu.memory_space<hbm>>
    %dma_start3A_351 = tpu.memref_squeeze %dma_start3A_350 : memref<1x128xi32, #tpu.memory_space<hbm>> -> memref<128xi32, #tpu.memory_space<hbm>>
    tpu.enqueue_dma source(%dma_start3A_351 : memref<128xi32, #tpu.memory_space<hbm>>) target(%dma_start3A_349 : memref<128xi32, #tpu.memory_space<vmem>>) target_semaphore(%arg12 : memref<!tpu.dma_semaphore, #tpu.memory_space<semaphore_mem>>)
    %mul3A_352 = arith.constant 128 : i32
    %mul3A_353 = arith.muli %arg1, %mul3A_352 : i32
    %dma_start3A_354 = arith.constant 25 : i32
    %dma_start3A_355 = arith.constant 25 : i32
    %dma_start3A_356 = arith.constant 0 : i32
    %dma_start3A_357 = tpu.memref_slice %arg6[%dma_start3A_355, %dma_start3A_356] : memref<64x128xi32, #tpu.memory_space<vmem>> -> memref<1x128xi32, #tpu.memory_space<vmem>>
    %dma_start3A_358 = tpu.memref_squeeze %dma_start3A_357 : memref<1x128xi32, #tpu.memory_space<vmem>> -> memref<128xi32, #tpu.memory_space<vmem>>
    %dma_start3A_359 = tpu.memref_slice %arg2[%dma_start3A_354, %mul3A_353] : memref<64x2048xi32, #tpu.memory_space<hbm>> -> memref<1x128xi32, #tpu.memory_space<hbm>>
    %dma_start3A_360 = tpu.memref_squeeze %dma_start3A_359 : memref<1x128xi32, #tpu.memory_space<hbm>> -> memref<128xi32, #tpu.memory_space<hbm>>
    %dma_start3A_361 = arith.constant 0 : i32
    %dma_start3A_362 = tpu.memref_slice %arg6[%dma_start3A_355, %dma_start3A_361] : memref<64x128xi32, #tpu.memory_space<vmem>> -> memref<1x128xi32, #tpu.memory_space<vmem>>
    %dma_start3A_363 = tpu.memref_squeeze %dma_start3A_362 : memref<1x128xi32, #tpu.memory_space<vmem>> -> memref<128xi32, #tpu.memory_space<vmem>>
    %dma_start3A_364 = tpu.memref_slice %arg2[%dma_start3A_354, %mul3A_353] : memref<64x2048xi32, #tpu.memory_space<hbm>> -> memref<1x128xi32, #tpu.memory_space<hbm>>
    %dma_start3A_365 = tpu.memref_squeeze %dma_start3A_364 : memref<1x128xi32, #tpu.memory_space<hbm>> -> memref<128xi32, #tpu.memory_space<hbm>>
    tpu.enqueue_dma source(%dma_start3A_365 : memref<128xi32, #tpu.memory_space<hbm>>) target(%dma_start3A_363 : memref<128xi32, #tpu.memory_space<vmem>>) target_semaphore(%arg12 : memref<!tpu.dma_semaphore, #tpu.memory_space<semaphore_mem>>)
    %mul3A_366 = arith.constant 128 : i32
    %mul3A_367 = arith.muli %arg1, %mul3A_366 : i32
    %dma_start3A_368 = arith.constant 26 : i32
    %dma_start3A_369 = arith.constant 26 : i32
    %dma_start3A_370 = arith.constant 0 : i32
    %dma_start3A_371 = tpu.memref_slice %arg6[%dma_start3A_369, %dma_start3A_370] : memref<64x128xi32, #tpu.memory_space<vmem>> -> memref<1x128xi32, #tpu.memory_space<vmem>>
    %dma_start3A_372 = tpu.memref_squeeze %dma_start3A_371 : memref<1x128xi32, #tpu.memory_space<vmem>> -> memref<128xi32, #tpu.memory_space<vmem>>
    %dma_start3A_373 = tpu.memref_slice %arg2[%dma_start3A_368, %mul3A_367] : memref<64x2048xi32, #tpu.memory_space<hbm>> -> memref<1x128xi32, #tpu.memory_space<hbm>>
    %dma_start3A_374 = tpu.memref_squeeze %dma_start3A_373 : memref<1x128xi32, #tpu.memory_space<hbm>> -> memref<128xi32, #tpu.memory_space<hbm>>
    %dma_start3A_375 = arith.constant 0 : i32
    %dma_start3A_376 = tpu.memref_slice %arg6[%dma_start3A_369, %dma_start3A_375] : memref<64x128xi32, #tpu.memory_space<vmem>> -> memref<1x128xi32, #tpu.memory_space<vmem>>
    %dma_start3A_377 = tpu.memref_squeeze %dma_start3A_376 : memref<1x128xi32, #tpu.memory_space<vmem>> -> memref<128xi32, #tpu.memory_space<vmem>>
    %dma_start3A_378 = tpu.memref_slice %arg2[%dma_start3A_368, %mul3A_367] : memref<64x2048xi32, #tpu.memory_space<hbm>> -> memref<1x128xi32, #tpu.memory_space<hbm>>
    %dma_start3A_379 = tpu.memref_squeeze %dma_start3A_378 : memref<1x128xi32, #tpu.memory_space<hbm>> -> memref<128xi32, #tpu.memory_space<hbm>>
    tpu.enqueue_dma source(%dma_start3A_379 : memref<128xi32, #tpu.memory_space<hbm>>) target(%dma_start3A_377 : memref<128xi32, #tpu.memory_space<vmem>>) target_semaphore(%arg12 : memref<!tpu.dma_semaphore, #tpu.memory_space<semaphore_mem>>)
    %mul3A_380 = arith.constant 128 : i32
    %mul3A_381 = arith.muli %arg1, %mul3A_380 : i32
    %dma_start3A_382 = arith.constant 27 : i32
    %dma_start3A_383 = arith.constant 27 : i32
    %dma_start3A_384 = arith.constant 0 : i32
    %dma_start3A_385 = tpu.memref_slice %arg6[%dma_start3A_383, %dma_start3A_384] : memref<64x128xi32, #tpu.memory_space<vmem>> -> memref<1x128xi32, #tpu.memory_space<vmem>>
    %dma_start3A_386 = tpu.memref_squeeze %dma_start3A_385 : memref<1x128xi32, #tpu.memory_space<vmem>> -> memref<128xi32, #tpu.memory_space<vmem>>
    %dma_start3A_387 = tpu.memref_slice %arg2[%dma_start3A_382, %mul3A_381] : memref<64x2048xi32, #tpu.memory_space<hbm>> -> memref<1x128xi32, #tpu.memory_space<hbm>>
    %dma_start3A_388 = tpu.memref_squeeze %dma_start3A_387 : memref<1x128xi32, #tpu.memory_space<hbm>> -> memref<128xi32, #tpu.memory_space<hbm>>
    %dma_start3A_389 = arith.constant 0 : i32
    %dma_start3A_390 = tpu.memref_slice %arg6[%dma_start3A_383, %dma_start3A_389] : memref<64x128xi32, #tpu.memory_space<vmem>> -> memref<1x128xi32, #tpu.memory_space<vmem>>
    %dma_start3A_391 = tpu.memref_squeeze %dma_start3A_390 : memref<1x128xi32, #tpu.memory_space<vmem>> -> memref<128xi32, #tpu.memory_space<vmem>>
    %dma_start3A_392 = tpu.memref_slice %arg2[%dma_start3A_382, %mul3A_381] : memref<64x2048xi32, #tpu.memory_space<hbm>> -> memref<1x128xi32, #tpu.memory_space<hbm>>
    %dma_start3A_393 = tpu.memref_squeeze %dma_start3A_392 : memref<1x128xi32, #tpu.memory_space<hbm>> -> memref<128xi32, #tpu.memory_space<hbm>>
    tpu.enqueue_dma source(%dma_start3A_393 : memref<128xi32, #tpu.memory_space<hbm>>) target(%dma_start3A_391 : memref<128xi32, #tpu.memory_space<vmem>>) target_semaphore(%arg12 : memref<!tpu.dma_semaphore, #tpu.memory_space<semaphore_mem>>)
    %mul3A_394 = arith.constant 128 : i32
    %mul3A_395 = arith.muli %arg1, %mul3A_394 : i32
    %dma_start3A_396 = arith.constant 28 : i32
    %dma_start3A_397 = arith.constant 28 : i32
    %dma_start3A_398 = arith.constant 0 : i32
    %dma_start3A_399 = tpu.memref_slice %arg6[%dma_start3A_397, %dma_start3A_398] : memref<64x128xi32, #tpu.memory_space<vmem>> -> memref<1x128xi32, #tpu.memory_space<vmem>>
    %dma_start3A_400 = tpu.memref_squeeze %dma_start3A_399 : memref<1x128xi32, #tpu.memory_space<vmem>> -> memref<128xi32, #tpu.memory_space<vmem>>
    %dma_start3A_401 = tpu.memref_slice %arg2[%dma_start3A_396, %mul3A_395] : memref<64x2048xi32, #tpu.memory_space<hbm>> -> memref<1x128xi32, #tpu.memory_space<hbm>>
    %dma_start3A_402 = tpu.memref_squeeze %dma_start3A_401 : memref<1x128xi32, #tpu.memory_space<hbm>> -> memref<128xi32, #tpu.memory_space<hbm>>
    %dma_start3A_403 = arith.constant 0 : i32
    %dma_start3A_404 = tpu.memref_slice %arg6[%dma_start3A_397, %dma_start3A_403] : memref<64x128xi32, #tpu.memory_space<vmem>> -> memref<1x128xi32, #tpu.memory_space<vmem>>
    %dma_start3A_405 = tpu.memref_squeeze %dma_start3A_404 : memref<1x128xi32, #tpu.memory_space<vmem>> -> memref<128xi32, #tpu.memory_space<vmem>>
    %dma_start3A_406 = tpu.memref_slice %arg2[%dma_start3A_396, %mul3A_395] : memref<64x2048xi32, #tpu.memory_space<hbm>> -> memref<1x128xi32, #tpu.memory_space<hbm>>
    %dma_start3A_407 = tpu.memref_squeeze %dma_start3A_406 : memref<1x128xi32, #tpu.memory_space<hbm>> -> memref<128xi32, #tpu.memory_space<hbm>>
    tpu.enqueue_dma source(%dma_start3A_407 : memref<128xi32, #tpu.memory_space<hbm>>) target(%dma_start3A_405 : memref<128xi32, #tpu.memory_space<vmem>>) target_semaphore(%arg12 : memref<!tpu.dma_semaphore, #tpu.memory_space<semaphore_mem>>)
    %mul3A_408 = arith.constant 128 : i32
    %mul3A_409 = arith.muli %arg1, %mul3A_408 : i32
    %dma_start3A_410 = arith.constant 29 : i32
    %dma_start3A_411 = arith.constant 29 : i32
    %dma_start3A_412 = arith.constant 0 : i32
    %dma_start3A_413 = tpu.memref_slice %arg6[%dma_start3A_411, %dma_start3A_412] : memref<64x128xi32, #tpu.memory_space<vmem>> -> memref<1x128xi32, #tpu.memory_space<vmem>>
    %dma_start3A_414 = tpu.memref_squeeze %dma_start3A_413 : memref<1x128xi32, #tpu.memory_space<vmem>> -> memref<128xi32, #tpu.memory_space<vmem>>
    %dma_start3A_415 = tpu.memref_slice %arg2[%dma_start3A_410, %mul3A_409] : memref<64x2048xi32, #tpu.memory_space<hbm>> -> memref<1x128xi32, #tpu.memory_space<hbm>>
    %dma_start3A_416 = tpu.memref_squeeze %dma_start3A_415 : memref<1x128xi32, #tpu.memory_space<hbm>> -> memref<128xi32, #tpu.memory_space<hbm>>
    %dma_start3A_417 = arith.constant 0 : i32
    %dma_start3A_418 = tpu.memref_slice %arg6[%dma_start3A_411, %dma_start3A_417] : memref<64x128xi32, #tpu.memory_space<vmem>> -> memref<1x128xi32, #tpu.memory_space<vmem>>
    %dma_start3A_419 = tpu.memref_squeeze %dma_start3A_418 : memref<1x128xi32, #tpu.memory_space<vmem>> -> memref<128xi32, #tpu.memory_space<vmem>>
    %dma_start3A_420 = tpu.memref_slice %arg2[%dma_start3A_410, %mul3A_409] : memref<64x2048xi32, #tpu.memory_space<hbm>> -> memref<1x128xi32, #tpu.memory_space<hbm>>
    %dma_start3A_421 = tpu.memref_squeeze %dma_start3A_420 : memref<1x128xi32, #tpu.memory_space<hbm>> -> memref<128xi32, #tpu.memory_space<hbm>>
    tpu.enqueue_dma source(%dma_start3A_421 : memref<128xi32, #tpu.memory_space<hbm>>) target(%dma_start3A_419 : memref<128xi32, #tpu.memory_space<vmem>>) target_semaphore(%arg12 : memref<!tpu.dma_semaphore, #tpu.memory_space<semaphore_mem>>)
    %mul3A_422 = arith.constant 128 : i32
    %mul3A_423 = arith.muli %arg1, %mul3A_422 : i32
    %dma_start3A_424 = arith.constant 30 : i32
    %dma_start3A_425 = arith.constant 30 : i32
    %dma_start3A_426 = arith.constant 0 : i32
    %dma_start3A_427 = tpu.memref_slice %arg6[%dma_start3A_425, %dma_start3A_426] : memref<64x128xi32, #tpu.memory_space<vmem>> -> memref<1x128xi32, #tpu.memory_space<vmem>>
    %dma_start3A_428 = tpu.memref_squeeze %dma_start3A_427 : memref<1x128xi32, #tpu.memory_space<vmem>> -> memref<128xi32, #tpu.memory_space<vmem>>
    %dma_start3A_429 = tpu.memref_slice %arg2[%dma_start3A_424, %mul3A_423] : memref<64x2048xi32, #tpu.memory_space<hbm>> -> memref<1x128xi32, #tpu.memory_space<hbm>>
    %dma_start3A_430 = tpu.memref_squeeze %dma_start3A_429 : memref<1x128xi32, #tpu.memory_space<hbm>> -> memref<128xi32, #tpu.memory_space<hbm>>
    %dma_start3A_431 = arith.constant 0 : i32
    %dma_start3A_432 = tpu.memref_slice %arg6[%dma_start3A_425, %dma_start3A_431] : memref<64x128xi32, #tpu.memory_space<vmem>> -> memref<1x128xi32, #tpu.memory_space<vmem>>
    %dma_start3A_433 = tpu.memref_squeeze %dma_start3A_432 : memref<1x128xi32, #tpu.memory_space<vmem>> -> memref<128xi32, #tpu.memory_space<vmem>>
    %dma_start3A_434 = tpu.memref_slice %arg2[%dma_start3A_424, %mul3A_423] : memref<64x2048xi32, #tpu.memory_space<hbm>> -> memref<1x128xi32, #tpu.memory_space<hbm>>
    %dma_start3A_435 = tpu.memref_squeeze %dma_start3A_434 : memref<1x128xi32, #tpu.memory_space<hbm>> -> memref<128xi32, #tpu.memory_space<hbm>>
    tpu.enqueue_dma source(%dma_start3A_435 : memref<128xi32, #tpu.memory_space<hbm>>) target(%dma_start3A_433 : memref<128xi32, #tpu.memory_space<vmem>>) target_semaphore(%arg12 : memref<!tpu.dma_semaphore, #tpu.memory_space<semaphore_mem>>)
    %mul3A_436 = arith.constant 128 : i32
    %mul3A_437 = arith.muli %arg1, %mul3A_436 : i32
    %dma_start3A_438 = arith.constant 31 : i32
    %dma_start3A_439 = arith.constant 31 : i32
    %dma_start3A_440 = arith.constant 0 : i32
    %dma_start3A_441 = tpu.memref_slice %arg6[%dma_start3A_439, %dma_start3A_440] : memref<64x128xi32, #tpu.memory_space<vmem>> -> memref<1x128xi32, #tpu.memory_space<vmem>>
    %dma_start3A_442 = tpu.memref_squeeze %dma_start3A_441 : memref<1x128xi32, #tpu.memory_space<vmem>> -> memref<128xi32, #tpu.memory_space<vmem>>
    %dma_start3A_443 = tpu.memref_slice %arg2[%dma_start3A_438, %mul3A_437] : memref<64x2048xi32, #tpu.memory_space<hbm>> -> memref<1x128xi32, #tpu.memory_space<hbm>>
    %dma_start3A_444 = tpu.memref_squeeze %dma_start3A_443 : memref<1x128xi32, #tpu.memory_space<hbm>> -> memref<128xi32, #tpu.memory_space<hbm>>
    %dma_start3A_445 = arith.constant 0 : i32
    %dma_start3A_446 = tpu.memref_slice %arg6[%dma_start3A_439, %dma_start3A_445] : memref<64x128xi32, #tpu.memory_space<vmem>> -> memref<1x128xi32, #tpu.memory_space<vmem>>
    %dma_start3A_447 = tpu.memref_squeeze %dma_start3A_446 : memref<1x128xi32, #tpu.memory_space<vmem>> -> memref<128xi32, #tpu.memory_space<vmem>>
    %dma_start3A_448 = tpu.memref_slice %arg2[%dma_start3A_438, %mul3A_437] : memref<64x2048xi32, #tpu.memory_space<hbm>> -> memref<1x128xi32, #tpu.memory_space<hbm>>
    %dma_start3A_449 = tpu.memref_squeeze %dma_start3A_448 : memref<1x128xi32, #tpu.memory_space<hbm>> -> memref<128xi32, #tpu.memory_space<hbm>>
    tpu.enqueue_dma source(%dma_start3A_449 : memref<128xi32, #tpu.memory_space<hbm>>) target(%dma_start3A_447 : memref<128xi32, #tpu.memory_space<vmem>>) target_semaphore(%arg12 : memref<!tpu.dma_semaphore, #tpu.memory_space<semaphore_mem>>)
    %mul3A_450 = arith.constant 128 : i32
    %mul3A_451 = arith.muli %arg1, %mul3A_450 : i32
    %dma_start3A_452 = arith.constant 32 : i32
    %dma_start3A_453 = arith.constant 32 : i32
    %dma_start3A_454 = arith.constant 0 : i32
    %dma_start3A_455 = tpu.memref_slice %arg6[%dma_start3A_453, %dma_start3A_454] : memref<64x128xi32, #tpu.memory_space<vmem>> -> memref<1x128xi32, #tpu.memory_space<vmem>>
    %dma_start3A_456 = tpu.memref_squeeze %dma_start3A_455 : memref<1x128xi32, #tpu.memory_space<vmem>> -> memref<128xi32, #tpu.memory_space<vmem>>
    %dma_start3A_457 = tpu.memref_slice %arg2[%dma_start3A_452, %mul3A_451] : memref<64x2048xi32, #tpu.memory_space<hbm>> -> memref<1x128xi32, #tpu.memory_space<hbm>>
    %dma_start3A_458 = tpu.memref_squeeze %dma_start3A_457 : memref<1x128xi32, #tpu.memory_space<hbm>> -> memref<128xi32, #tpu.memory_space<hbm>>
    %dma_start3A_459 = arith.constant 0 : i32
    %dma_start3A_460 = tpu.memref_slice %arg6[%dma_start3A_453, %dma_start3A_459] : memref<64x128xi32, #tpu.memory_space<vmem>> -> memref<1x128xi32, #tpu.memory_space<vmem>>
    %dma_start3A_461 = tpu.memref_squeeze %dma_start3A_460 : memref<1x128xi32, #tpu.memory_space<vmem>> -> memref<128xi32, #tpu.memory_space<vmem>>
    %dma_start3A_462 = tpu.memref_slice %arg2[%dma_start3A_452, %mul3A_451] : memref<64x2048xi32, #tpu.memory_space<hbm>> -> memref<1x128xi32, #tpu.memory_space<hbm>>
    %dma_start3A_463 = tpu.memref_squeeze %dma_start3A_462 : memref<1x128xi32, #tpu.memory_space<hbm>> -> memref<128xi32, #tpu.memory_space<hbm>>
    tpu.enqueue_dma source(%dma_start3A_463 : memref<128xi32, #tpu.memory_space<hbm>>) target(%dma_start3A_461 : memref<128xi32, #tpu.memory_space<vmem>>) target_semaphore(%arg12 : memref<!tpu.dma_semaphore, #tpu.memory_space<semaphore_mem>>)
    %mul3A_464 = arith.constant 128 : i32
    %mul3A_465 = arith.muli %arg1, %mul3A_464 : i32
    %dma_start3A_466 = arith.constant 33 : i32
    %dma_start3A_467 = arith.constant 33 : i32
    %dma_start3A_468 = arith.constant 0 : i32
    %dma_start3A_469 = tpu.memref_slice %arg6[%dma_start3A_467, %dma_start3A_468] : memref<64x128xi32, #tpu.memory_space<vmem>> -> memref<1x128xi32, #tpu.memory_space<vmem>>
    %dma_start3A_470 = tpu.memref_squeeze %dma_start3A_469 : memref<1x128xi32, #tpu.memory_space<vmem>> -> memref<128xi32, #tpu.memory_space<vmem>>
    %dma_start3A_471 = tpu.memref_slice %arg2[%dma_start3A_466, %mul3A_465] : memref<64x2048xi32, #tpu.memory_space<hbm>> -> memref<1x128xi32, #tpu.memory_space<hbm>>
    %dma_start3A_472 = tpu.memref_squeeze %dma_start3A_471 : memref<1x128xi32, #tpu.memory_space<hbm>> -> memref<128xi32, #tpu.memory_space<hbm>>
    %dma_start3A_473 = arith.constant 0 : i32
    %dma_start3A_474 = tpu.memref_slice %arg6[%dma_start3A_467, %dma_start3A_473] : memref<64x128xi32, #tpu.memory_space<vmem>> -> memref<1x128xi32, #tpu.memory_space<vmem>>
    %dma_start3A_475 = tpu.memref_squeeze %dma_start3A_474 : memref<1x128xi32, #tpu.memory_space<vmem>> -> memref<128xi32, #tpu.memory_space<vmem>>
    %dma_start3A_476 = tpu.memref_slice %arg2[%dma_start3A_466, %mul3A_465] : memref<64x2048xi32, #tpu.memory_space<hbm>> -> memref<1x128xi32, #tpu.memory_space<hbm>>
    %dma_start3A_477 = tpu.memref_squeeze %dma_start3A_476 : memref<1x128xi32, #tpu.memory_space<hbm>> -> memref<128xi32, #tpu.memory_space<hbm>>
    tpu.enqueue_dma source(%dma_start3A_477 : memref<128xi32, #tpu.memory_space<hbm>>) target(%dma_start3A_475 : memref<128xi32, #tpu.memory_space<vmem>>) target_semaphore(%arg12 : memref<!tpu.dma_semaphore, #tpu.memory_space<semaphore_mem>>)
    %mul3A_478 = arith.constant 128 : i32
    %mul3A_479 = arith.muli %arg1, %mul3A_478 : i32
    %dma_start3A_480 = arith.constant 34 : i32
    %dma_start3A_481 = arith.constant 34 : i32
    %dma_start3A_482 = arith.constant 0 : i32
    %dma_start3A_483 = tpu.memref_slice %arg6[%dma_start3A_481, %dma_start3A_482] : memref<64x128xi32, #tpu.memory_space<vmem>> -> memref<1x128xi32, #tpu.memory_space<vmem>>
    %dma_start3A_484 = tpu.memref_squeeze %dma_start3A_483 : memref<1x128xi32, #tpu.memory_space<vmem>> -> memref<128xi32, #tpu.memory_space<vmem>>
    %dma_start3A_485 = tpu.memref_slice %arg2[%dma_start3A_480, %mul3A_479] : memref<64x2048xi32, #tpu.memory_space<hbm>> -> memref<1x128xi32, #tpu.memory_space<hbm>>
    %dma_start3A_486 = tpu.memref_squeeze %dma_start3A_485 : memref<1x128xi32, #tpu.memory_space<hbm>> -> memref<128xi32, #tpu.memory_space<hbm>>
    %dma_start3A_487 = arith.constant 0 : i32
    %dma_start3A_488 = tpu.memref_slice %arg6[%dma_start3A_481, %dma_start3A_487] : memref<64x128xi32, #tpu.memory_space<vmem>> -> memref<1x128xi32, #tpu.memory_space<vmem>>
    %dma_start3A_489 = tpu.memref_squeeze %dma_start3A_488 : memref<1x128xi32, #tpu.memory_space<vmem>> -> memref<128xi32, #tpu.memory_space<vmem>>
    %dma_start3A_490 = tpu.memref_slice %arg2[%dma_start3A_480, %mul3A_479] : memref<64x2048xi32, #tpu.memory_space<hbm>> -> memref<1x128xi32, #tpu.memory_space<hbm>>
    %dma_start3A_491 = tpu.memref_squeeze %dma_start3A_490 : memref<1x128xi32, #tpu.memory_space<hbm>> -> memref<128xi32, #tpu.memory_space<hbm>>
    tpu.enqueue_dma source(%dma_start3A_491 : memref<128xi32, #tpu.memory_space<hbm>>) target(%dma_start3A_489 : memref<128xi32, #tpu.memory_space<vmem>>) target_semaphore(%arg12 : memref<!tpu.dma_semaphore, #tpu.memory_space<semaphore_mem>>)
    %mul3A_492 = arith.constant 128 : i32
    %mul3A_493 = arith.muli %arg1, %mul3A_492 : i32
    %dma_start3A_494 = arith.constant 35 : i32
    %dma_start3A_495 = arith.constant 35 : i32
    %dma_start3A_496 = arith.constant 0 : i32
    %dma_start3A_497 = tpu.memref_slice %arg6[%dma_start3A_495, %dma_start3A_496] : memref<64x128xi32, #tpu.memory_space<vmem>> -> memref<1x128xi32, #tpu.memory_space<vmem>>
    %dma_start3A_498 = tpu.memref_squeeze %dma_start3A_497 : memref<1x128xi32, #tpu.memory_space<vmem>> -> memref<128xi32, #tpu.memory_space<vmem>>
    %dma_start3A_499 = tpu.memref_slice %arg2[%dma_start3A_494, %mul3A_493] : memref<64x2048xi32, #tpu.memory_space<hbm>> -> memref<1x128xi32, #tpu.memory_space<hbm>>
    %dma_start3A_500 = tpu.memref_squeeze %dma_start3A_499 : memref<1x128xi32, #tpu.memory_space<hbm>> -> memref<128xi32, #tpu.memory_space<hbm>>
    %dma_start3A_501 = arith.constant 0 : i32
    %dma_start3A_502 = tpu.memref_slice %arg6[%dma_start3A_495, %dma_start3A_501] : memref<64x128xi32, #tpu.memory_space<vmem>> -> memref<1x128xi32, #tpu.memory_space<vmem>>
    %dma_start3A_503 = tpu.memref_squeeze %dma_start3A_502 : memref<1x128xi32, #tpu.memory_space<vmem>> -> memref<128xi32, #tpu.memory_space<vmem>>
    %dma_start3A_504 = tpu.memref_slice %arg2[%dma_start3A_494, %mul3A_493] : memref<64x2048xi32, #tpu.memory_space<hbm>> -> memref<1x128xi32, #tpu.memory_space<hbm>>
    %dma_start3A_505 = tpu.memref_squeeze %dma_start3A_504 : memref<1x128xi32, #tpu.memory_space<hbm>> -> memref<128xi32, #tpu.memory_space<hbm>>
    tpu.enqueue_dma source(%dma_start3A_505 : memref<128xi32, #tpu.memory_space<hbm>>) target(%dma_start3A_503 : memref<128xi32, #tpu.memory_space<vmem>>) target_semaphore(%arg12 : memref<!tpu.dma_semaphore, #tpu.memory_space<semaphore_mem>>)
    %mul3A_506 = arith.constant 128 : i32
    %mul3A_507 = arith.muli %arg1, %mul3A_506 : i32
    %dma_start3A_508 = arith.constant 36 : i32
    %dma_start3A_509 = arith.constant 36 : i32
    %dma_start3A_510 = arith.constant 0 : i32
    %dma_start3A_511 = tpu.memref_slice %arg6[%dma_start3A_509, %dma_start3A_510] : memref<64x128xi32, #tpu.memory_space<vmem>> -> memref<1x128xi32, #tpu.memory_space<vmem>>
    %dma_start3A_512 = tpu.memref_squeeze %dma_start3A_511 : memref<1x128xi32, #tpu.memory_space<vmem>> -> memref<128xi32, #tpu.memory_space<vmem>>
    %dma_start3A_513 = tpu.memref_slice %arg2[%dma_start3A_508, %mul3A_507] : memref<64x2048xi32, #tpu.memory_space<hbm>> -> memref<1x128xi32, #tpu.memory_space<hbm>>
    %dma_start3A_514 = tpu.memref_squeeze %dma_start3A_513 : memref<1x128xi32, #tpu.memory_space<hbm>> -> memref<128xi32, #tpu.memory_space<hbm>>
    %dma_start3A_515 = arith.constant 0 : i32
    %dma_start3A_516 = tpu.memref_slice %arg6[%dma_start3A_509, %dma_start3A_515] : memref<64x128xi32, #tpu.memory_space<vmem>> -> memref<1x128xi32, #tpu.memory_space<vmem>>
    %dma_start3A_517 = tpu.memref_squeeze %dma_start3A_516 : memref<1x128xi32, #tpu.memory_space<vmem>> -> memref<128xi32, #tpu.memory_space<vmem>>
    %dma_start3A_518 = tpu.memref_slice %arg2[%dma_start3A_508, %mul3A_507] : memref<64x2048xi32, #tpu.memory_space<hbm>> -> memref<1x128xi32, #tpu.memory_space<hbm>>
    %dma_start3A_519 = tpu.memref_squeeze %dma_start3A_518 : memref<1x128xi32, #tpu.memory_space<hbm>> -> memref<128xi32, #tpu.memory_space<hbm>>
    tpu.enqueue_dma source(%dma_start3A_519 : memref<128xi32, #tpu.memory_space<hbm>>) target(%dma_start3A_517 : memref<128xi32, #tpu.memory_space<vmem>>) target_semaphore(%arg12 : memref<!tpu.dma_semaphore, #tpu.memory_space<semaphore_mem>>)
    %mul3A_520 = arith.constant 128 : i32
    %mul3A_521 = arith.muli %arg1, %mul3A_520 : i32
    %dma_start3A_522 = arith.constant 37 : i32
    %dma_start3A_523 = arith.constant 37 : i32
    %dma_start3A_524 = arith.constant 0 : i32
    %dma_start3A_525 = tpu.memref_slice %arg6[%dma_start3A_523, %dma_start3A_524] : memref<64x128xi32, #tpu.memory_space<vmem>> -> memref<1x128xi32, #tpu.memory_space<vmem>>
    %dma_start3A_526 = tpu.memref_squeeze %dma_start3A_525 : memref<1x128xi32, #tpu.memory_space<vmem>> -> memref<128xi32, #tpu.memory_space<vmem>>
    %dma_start3A_527 = tpu.memref_slice %arg2[%dma_start3A_522, %mul3A_521] : memref<64x2048xi32, #tpu.memory_space<hbm>> -> memref<1x128xi32, #tpu.memory_space<hbm>>
    %dma_start3A_528 = tpu.memref_squeeze %dma_start3A_527 : memref<1x128xi32, #tpu.memory_space<hbm>> -> memref<128xi32, #tpu.memory_space<hbm>>
    %dma_start3A_529 = arith.constant 0 : i32
    %dma_start3A_530 = tpu.memref_slice %arg6[%dma_start3A_523, %dma_start3A_529] : memref<64x128xi32, #tpu.memory_space<vmem>> -> memref<1x128xi32, #tpu.memory_space<vmem>>
    %dma_start3A_531 = tpu.memref_squeeze %dma_start3A_530 : memref<1x128xi32, #tpu.memory_space<vmem>> -> memref<128xi32, #tpu.memory_space<vmem>>
    %dma_start3A_532 = tpu.memref_slice %arg2[%dma_start3A_522, %mul3A_521] : memref<64x2048xi32, #tpu.memory_space<hbm>> -> memref<1x128xi32, #tpu.memory_space<hbm>>
    %dma_start3A_533 = tpu.memref_squeeze %dma_start3A_532 : memref<1x128xi32, #tpu.memory_space<hbm>> -> memref<128xi32, #tpu.memory_space<hbm>>
    tpu.enqueue_dma source(%dma_start3A_533 : memref<128xi32, #tpu.memory_space<hbm>>) target(%dma_start3A_531 : memref<128xi32, #tpu.memory_space<vmem>>) target_semaphore(%arg12 : memref<!tpu.dma_semaphore, #tpu.memory_space<semaphore_mem>>)
    %mul3A_534 = arith.constant 128 : i32
    %mul3A_535 = arith.muli %arg1, %mul3A_534 : i32
    %dma_start3A_536 = arith.constant 38 : i32
    %dma_start3A_537 = arith.constant 38 : i32
    %dma_start3A_538 = arith.constant 0 : i32
    %dma_start3A_539 = tpu.memref_slice %arg6[%dma_start3A_537, %dma_start3A_538] : memref<64x128xi32, #tpu.memory_space<vmem>> -> memref<1x128xi32, #tpu.memory_space<vmem>>
    %dma_start3A_540 = tpu.memref_squeeze %dma_start3A_539 : memref<1x128xi32, #tpu.memory_space<vmem>> -> memref<128xi32, #tpu.memory_space<vmem>>
    %dma_start3A_541 = tpu.memref_slice %arg2[%dma_start3A_536, %mul3A_535] : memref<64x2048xi32, #tpu.memory_space<hbm>> -> memref<1x128xi32, #tpu.memory_space<hbm>>
    %dma_start3A_542 = tpu.memref_squeeze %dma_start3A_541 : memref<1x128xi32, #tpu.memory_space<hbm>> -> memref<128xi32, #tpu.memory_space<hbm>>
    %dma_start3A_543 = arith.constant 0 : i32
    %dma_start3A_544 = tpu.memref_slice %arg6[%dma_start3A_537, %dma_start3A_543] : memref<64x128xi32, #tpu.memory_space<vmem>> -> memref<1x128xi32, #tpu.memory_space<vmem>>
    %dma_start3A_545 = tpu.memref_squeeze %dma_start3A_544 : memref<1x128xi32, #tpu.memory_space<vmem>> -> memref<128xi32, #tpu.memory_space<vmem>>
    %dma_start3A_546 = tpu.memref_slice %arg2[%dma_start3A_536, %mul3A_535] : memref<64x2048xi32, #tpu.memory_space<hbm>> -> memref<1x128xi32, #tpu.memory_space<hbm>>
    %dma_start3A_547 = tpu.memref_squeeze %dma_start3A_546 : memref<1x128xi32, #tpu.memory_space<hbm>> -> memref<128xi32, #tpu.memory_space<hbm>>
    tpu.enqueue_dma source(%dma_start3A_547 : memref<128xi32, #tpu.memory_space<hbm>>) target(%dma_start3A_545 : memref<128xi32, #tpu.memory_space<vmem>>) target_semaphore(%arg12 : memref<!tpu.dma_semaphore, #tpu.memory_space<semaphore_mem>>)
    %mul3A_548 = arith.constant 128 : i32
    %mul3A_549 = arith.muli %arg1, %mul3A_548 : i32
    %dma_start3A_550 = arith.constant 39 : i32
    %dma_start3A_551 = arith.constant 39 : i32
    %dma_start3A_552 = arith.constant 0 : i32
    %dma_start3A_553 = tpu.memref_slice %arg6[%dma_start3A_551, %dma_start3A_552] : memref<64x128xi32, #tpu.memory_space<vmem>> -> memref<1x128xi32, #tpu.memory_space<vmem>>
    %dma_start3A_554 = tpu.memref_squeeze %dma_start3A_553 : memref<1x128xi32, #tpu.memory_space<vmem>> -> memref<128xi32, #tpu.memory_space<vmem>>
    %dma_start3A_555 = tpu.memref_slice %arg2[%dma_start3A_550, %mul3A_549] : memref<64x2048xi32, #tpu.memory_space<hbm>> -> memref<1x128xi32, #tpu.memory_space<hbm>>
    %dma_start3A_556 = tpu.memref_squeeze %dma_start3A_555 : memref<1x128xi32, #tpu.memory_space<hbm>> -> memref<128xi32, #tpu.memory_space<hbm>>
    %dma_start3A_557 = arith.constant 0 : i32
    %dma_start3A_558 = tpu.memref_slice %arg6[%dma_start3A_551, %dma_start3A_557] : memref<64x128xi32, #tpu.memory_space<vmem>> -> memref<1x128xi32, #tpu.memory_space<vmem>>
    %dma_start3A_559 = tpu.memref_squeeze %dma_start3A_558 : memref<1x128xi32, #tpu.memory_space<vmem>> -> memref<128xi32, #tpu.memory_space<vmem>>
    %dma_start3A_560 = tpu.memref_slice %arg2[%dma_start3A_550, %mul3A_549] : memref<64x2048xi32, #tpu.memory_space<hbm>> -> memref<1x128xi32, #tpu.memory_space<hbm>>
    %dma_start3A_561 = tpu.memref_squeeze %dma_start3A_560 : memref<1x128xi32, #tpu.memory_space<hbm>> -> memref<128xi32, #tpu.memory_space<hbm>>
    tpu.enqueue_dma source(%dma_start3A_561 : memref<128xi32, #tpu.memory_space<hbm>>) target(%dma_start3A_559 : memref<128xi32, #tpu.memory_space<vmem>>) target_semaphore(%arg12 : memref<!tpu.dma_semaphore, #tpu.memory_space<semaphore_mem>>)
    %mul3A_562 = arith.constant 128 : i32
    %mul3A_563 = arith.muli %arg1, %mul3A_562 : i32
    %dma_start3A_564 = arith.constant 40 : i32
    %dma_start3A_565 = arith.constant 40 : i32
    %dma_start3A_566 = arith.constant 0 : i32
    %dma_start3A_567 = tpu.memref_slice %arg6[%dma_start3A_565, %dma_start3A_566] : memref<64x128xi32, #tpu.memory_space<vmem>> -> memref<1x128xi32, #tpu.memory_space<vmem>>
    %dma_start3A_568 = tpu.memref_squeeze %dma_start3A_567 : memref<1x128xi32, #tpu.memory_space<vmem>> -> memref<128xi32, #tpu.memory_space<vmem>>
    %dma_start3A_569 = tpu.memref_slice %arg2[%dma_start3A_564, %mul3A_563] : memref<64x2048xi32, #tpu.memory_space<hbm>> -> memref<1x128xi32, #tpu.memory_space<hbm>>
    %dma_start3A_570 = tpu.memref_squeeze %dma_start3A_569 : memref<1x128xi32, #tpu.memory_space<hbm>> -> memref<128xi32, #tpu.memory_space<hbm>>
    %dma_start3A_571 = arith.constant 0 : i32
    %dma_start3A_572 = tpu.memref_slice %arg6[%dma_start3A_565, %dma_start3A_571] : memref<64x128xi32, #tpu.memory_space<vmem>> -> memref<1x128xi32, #tpu.memory_space<vmem>>
    %dma_start3A_573 = tpu.memref_squeeze %dma_start3A_572 : memref<1x128xi32, #tpu.memory_space<vmem>> -> memref<128xi32, #tpu.memory_space<vmem>>
    %dma_start3A_574 = tpu.memref_slice %arg2[%dma_start3A_564, %mul3A_563] : memref<64x2048xi32, #tpu.memory_space<hbm>> -> memref<1x128xi32, #tpu.memory_space<hbm>>
    %dma_start3A_575 = tpu.memref_squeeze %dma_start3A_574 : memref<1x128xi32, #tpu.memory_space<hbm>> -> memref<128xi32, #tpu.memory_space<hbm>>
    tpu.enqueue_dma source(%dma_start3A_575 : memref<128xi32, #tpu.memory_space<hbm>>) target(%dma_start3A_573 : memref<128xi32, #tpu.memory_space<vmem>>) target_semaphore(%arg12 : memref<!tpu.dma_semaphore, #tpu.memory_space<semaphore_mem>>)
    %mul3A_576 = arith.constant 128 : i32
    %mul3A_577 = arith.muli %arg1, %mul3A_576 : i32
    %dma_start3A_578 = arith.constant 41 : i32
    %dma_start3A_579 = arith.constant 41 : i32
    %dma_start3A_580 = arith.constant 0 : i32
    %dma_start3A_581 = tpu.memref_slice %arg6[%dma_start3A_579, %dma_start3A_580] : memref<64x128xi32, #tpu.memory_space<vmem>> -> memref<1x128xi32, #tpu.memory_space<vmem>>
    %dma_start3A_582 = tpu.memref_squeeze %dma_start3A_581 : memref<1x128xi32, #tpu.memory_space<vmem>> -> memref<128xi32, #tpu.memory_space<vmem>>
    %dma_start3A_583 = tpu.memref_slice %arg2[%dma_start3A_578, %mul3A_577] : memref<64x2048xi32, #tpu.memory_space<hbm>> -> memref<1x128xi32, #tpu.memory_space<hbm>>
    %dma_start3A_584 = tpu.memref_squeeze %dma_start3A_583 : memref<1x128xi32, #tpu.memory_space<hbm>> -> memref<128xi32, #tpu.memory_space<hbm>>
    %dma_start3A_585 = arith.constant 0 : i32
    %dma_start3A_586 = tpu.memref_slice %arg6[%dma_start3A_579, %dma_start3A_585] : memref<64x128xi32, #tpu.memory_space<vmem>> -> memref<1x128xi32, #tpu.memory_space<vmem>>
    %dma_start3A_587 = tpu.memref_squeeze %dma_start3A_586 : memref<1x128xi32, #tpu.memory_space<vmem>> -> memref<128xi32, #tpu.memory_space<vmem>>
    %dma_start3A_588 = tpu.memref_slice %arg2[%dma_start3A_578, %mul3A_577] : memref<64x2048xi32, #tpu.memory_space<hbm>> -> memref<1x128xi32, #tpu.memory_space<hbm>>
    %dma_start3A_589 = tpu.memref_squeeze %dma_start3A_588 : memref<1x128xi32, #tpu.memory_space<hbm>> -> memref<128xi32, #tpu.memory_space<hbm>>
    tpu.enqueue_dma source(%dma_start3A_589 : memref<128xi32, #tpu.memory_space<hbm>>) target(%dma_start3A_587 : memref<128xi32, #tpu.memory_space<vmem>>) target_semaphore(%arg12 : memref<!tpu.dma_semaphore, #tpu.memory_space<semaphore_mem>>)
    %mul3A_590 = arith.constant 128 : i32
    %mul3A_591 = arith.muli %arg1, %mul3A_590 : i32
    %dma_start3A_592 = arith.constant 42 : i32
    %dma_start3A_593 = arith.constant 42 : i32
    %dma_start3A_594 = arith.constant 0 : i32
    %dma_start3A_595 = tpu.memref_slice %arg6[%dma_start3A_593, %dma_start3A_594] : memref<64x128xi32, #tpu.memory_space<vmem>> -> memref<1x128xi32, #tpu.memory_space<vmem>>
    %dma_start3A_596 = tpu.memref_squeeze %dma_start3A_595 : memref<1x128xi32, #tpu.memory_space<vmem>> -> memref<128xi32, #tpu.memory_space<vmem>>
    %dma_start3A_597 = tpu.memref_slice %arg2[%dma_start3A_592, %mul3A_591] : memref<64x2048xi32, #tpu.memory_space<hbm>> -> memref<1x128xi32, #tpu.memory_space<hbm>>
    %dma_start3A_598 = tpu.memref_squeeze %dma_start3A_597 : memref<1x128xi32, #tpu.memory_space<hbm>> -> memref<128xi32, #tpu.memory_space<hbm>>
    %dma_start3A_599 = arith.constant 0 : i32
    %dma_start3A_600 = tpu.memref_slice %arg6[%dma_start3A_593, %dma_start3A_599] : memref<64x128xi32, #tpu.memory_space<vmem>> -> memref<1x128xi32, #tpu.memory_space<vmem>>
    %dma_start3A_601 = tpu.memref_squeeze %dma_start3A_600 : memref<1x128xi32, #tpu.memory_space<vmem>> -> memref<128xi32, #tpu.memory_space<vmem>>
    %dma_start3A_602 = tpu.memref_slice %arg2[%dma_start3A_592, %mul3A_591] : memref<64x2048xi32, #tpu.memory_space<hbm>> -> memref<1x128xi32, #tpu.memory_space<hbm>>
    %dma_start3A_603 = tpu.memref_squeeze %dma_start3A_602 : memref<1x128xi32, #tpu.memory_space<hbm>> -> memref<128xi32, #tpu.memory_space<hbm>>
    tpu.enqueue_dma source(%dma_start3A_603 : memref<128xi32, #tpu.memory_space<hbm>>) target(%dma_start3A_601 : memref<128xi32, #tpu.memory_space<vmem>>) target_semaphore(%arg12 : memref<!tpu.dma_semaphore, #tpu.memory_space<semaphore_mem>>)
    %mul3A_604 = arith.constant 128 : i32
    %mul3A_605 = arith.muli %arg1, %mul3A_604 : i32
    %dma_start3A_606 = arith.constant 43 : i32
    %dma_start3A_607 = arith.constant 43 : i32
    %dma_start3A_608 = arith.constant 0 : i32
    %dma_start3A_609 = tpu.memref_slice %arg6[%dma_start3A_607, %dma_start3A_608] : memref<64x128xi32, #tpu.memory_space<vmem>> -> memref<1x128xi32, #tpu.memory_space<vmem>>
    %dma_start3A_610 = tpu.memref_squeeze %dma_start3A_609 : memref<1x128xi32, #tpu.memory_space<vmem>> -> memref<128xi32, #tpu.memory_space<vmem>>
    %dma_start3A_611 = tpu.memref_slice %arg2[%dma_start3A_606, %mul3A_605] : memref<64x2048xi32, #tpu.memory_space<hbm>> -> memref<1x128xi32, #tpu.memory_space<hbm>>
    %dma_start3A_612 = tpu.memref_squeeze %dma_start3A_611 : memref<1x128xi32, #tpu.memory_space<hbm>> -> memref<128xi32, #tpu.memory_space<hbm>>
    %dma_start3A_613 = arith.constant 0 : i32
    %dma_start3A_614 = tpu.memref_slice %arg6[%dma_start3A_607, %dma_start3A_613] : memref<64x128xi32, #tpu.memory_space<vmem>> -> memref<1x128xi32, #tpu.memory_space<vmem>>
    %dma_start3A_615 = tpu.memref_squeeze %dma_start3A_614 : memref<1x128xi32, #tpu.memory_space<vmem>> -> memref<128xi32, #tpu.memory_space<vmem>>
    %dma_start3A_616 = tpu.memref_slice %arg2[%dma_start3A_606, %mul3A_605] : memref<64x2048xi32, #tpu.memory_space<hbm>> -> memref<1x128xi32, #tpu.memory_space<hbm>>
    %dma_start3A_617 = tpu.memref_squeeze %dma_start3A_616 : memref<1x128xi32, #tpu.memory_space<hbm>> -> memref<128xi32, #tpu.memory_space<hbm>>
    tpu.enqueue_dma source(%dma_start3A_617 : memref<128xi32, #tpu.memory_space<hbm>>) target(%dma_start3A_615 : memref<128xi32, #tpu.memory_space<vmem>>) target_semaphore(%arg12 : memref<!tpu.dma_semaphore, #tpu.memory_space<semaphore_mem>>)
    %mul3A_618 = arith.constant 128 : i32
    %mul3A_619 = arith.muli %arg1, %mul3A_618 : i32
    %dma_start3A_620 = arith.constant 44 : i32
    %dma_start3A_621 = arith.constant 44 : i32
    %dma_start3A_622 = arith.constant 0 : i32
    %dma_start3A_623 = tpu.memref_slice %arg6[%dma_start3A_621, %dma_start3A_622] : memref<64x128xi32, #tpu.memory_space<vmem>> -> memref<1x128xi32, #tpu.memory_space<vmem>>
    %dma_start3A_624 = tpu.memref_squeeze %dma_start3A_623 : memref<1x128xi32, #tpu.memory_space<vmem>> -> memref<128xi32, #tpu.memory_space<vmem>>
    %dma_start3A_625 = tpu.memref_slice %arg2[%dma_start3A_620, %mul3A_619] : memref<64x2048xi32, #tpu.memory_space<hbm>> -> memref<1x128xi32, #tpu.memory_space<hbm>>
    %dma_start3A_626 = tpu.memref_squeeze %dma_start3A_625 : memref<1x128xi32, #tpu.memory_space<hbm>> -> memref<128xi32, #tpu.memory_space<hbm>>
    %dma_start3A_627 = arith.constant 0 : i32
    %dma_start3A_628 = tpu.memref_slice %arg6[%dma_start3A_621, %dma_start3A_627] : memref<64x128xi32, #tpu.memory_space<vmem>> -> memref<1x128xi32, #tpu.memory_space<vmem>>
    %dma_start3A_629 = tpu.memref_squeeze %dma_start3A_628 : memref<1x128xi32, #tpu.memory_space<vmem>> -> memref<128xi32, #tpu.memory_space<vmem>>
    %dma_start3A_630 = tpu.memref_slice %arg2[%dma_start3A_620, %mul3A_619] : memref<64x2048xi32, #tpu.memory_space<hbm>> -> memref<1x128xi32, #tpu.memory_space<hbm>>
    %dma_start3A_631 = tpu.memref_squeeze %dma_start3A_630 : memref<1x128xi32, #tpu.memory_space<hbm>> -> memref<128xi32, #tpu.memory_space<hbm>>
    tpu.enqueue_dma source(%dma_start3A_631 : memref<128xi32, #tpu.memory_space<hbm>>) target(%dma_start3A_629 : memref<128xi32, #tpu.memory_space<vmem>>) target_semaphore(%arg12 : memref<!tpu.dma_semaphore, #tpu.memory_space<semaphore_mem>>)
    %mul3A_632 = arith.constant 128 : i32
    %mul3A_633 = arith.muli %arg1, %mul3A_632 : i32
    %dma_start3A_634 = arith.constant 45 : i32
    %dma_start3A_635 = arith.constant 45 : i32
    %dma_start3A_636 = arith.constant 0 : i32
    %dma_start3A_637 = tpu.memref_slice %arg6[%dma_start3A_635, %dma_start3A_636] : memref<64x128xi32, #tpu.memory_space<vmem>> -> memref<1x128xi32, #tpu.memory_space<vmem>>
    %dma_start3A_638 = tpu.memref_squeeze %dma_start3A_637 : memref<1x128xi32, #tpu.memory_space<vmem>> -> memref<128xi32, #tpu.memory_space<vmem>>
    %dma_start3A_639 = tpu.memref_slice %arg2[%dma_start3A_634, %mul3A_633] : memref<64x2048xi32, #tpu.memory_space<hbm>> -> memref<1x128xi32, #tpu.memory_space<hbm>>
    %dma_start3A_640 = tpu.memref_squeeze %dma_start3A_639 : memref<1x128xi32, #tpu.memory_space<hbm>> -> memref<128xi32, #tpu.memory_space<hbm>>
    %dma_start3A_641 = arith.constant 0 : i32
    %dma_start3A_642 = tpu.memref_slice %arg6[%dma_start3A_635, %dma_start3A_641] : memref<64x128xi32, #tpu.memory_space<vmem>> -> memref<1x128xi32, #tpu.memory_space<vmem>>
    %dma_start3A_643 = tpu.memref_squeeze %dma_start3A_642 : memref<1x128xi32, #tpu.memory_space<vmem>> -> memref<128xi32, #tpu.memory_space<vmem>>
    %dma_start3A_644 = tpu.memref_slice %arg2[%dma_start3A_634, %mul3A_633] : memref<64x2048xi32, #tpu.memory_space<hbm>> -> memref<1x128xi32, #tpu.memory_space<hbm>>
    %dma_start3A_645 = tpu.memref_squeeze %dma_start3A_644 : memref<1x128xi32, #tpu.memory_space<hbm>> -> memref<128xi32, #tpu.memory_space<hbm>>
    tpu.enqueue_dma source(%dma_start3A_645 : memref<128xi32, #tpu.memory_space<hbm>>) target(%dma_start3A_643 : memref<128xi32, #tpu.memory_space<vmem>>) target_semaphore(%arg12 : memref<!tpu.dma_semaphore, #tpu.memory_space<semaphore_mem>>)
    %mul3A_646 = arith.constant 128 : i32
    %mul3A_647 = arith.muli %arg1, %mul3A_646 : i32
    %dma_start3A_648 = arith.constant 46 : i32
    %dma_start3A_649 = arith.constant 46 : i32
    %dma_start3A_650 = arith.constant 0 : i32
    %dma_start3A_651 = tpu.memref_slice %arg6[%dma_start3A_649, %dma_start3A_650] : memref<64x128xi32, #tpu.memory_space<vmem>> -> memref<1x128xi32, #tpu.memory_space<vmem>>
    %dma_start3A_652 = tpu.memref_squeeze %dma_start3A_651 : memref<1x128xi32, #tpu.memory_space<vmem>> -> memref<128xi32, #tpu.memory_space<vmem>>
    %dma_start3A_653 = tpu.memref_slice %arg2[%dma_start3A_648, %mul3A_647] : memref<64x2048xi32, #tpu.memory_space<hbm>> -> memref<1x128xi32, #tpu.memory_space<hbm>>
    %dma_start3A_654 = tpu.memref_squeeze %dma_start3A_653 : memref<1x128xi32, #tpu.memory_space<hbm>> -> memref<128xi32, #tpu.memory_space<hbm>>
    %dma_start3A_655 = arith.constant 0 : i32
    %dma_start3A_656 = tpu.memref_slice %arg6[%dma_start3A_649, %dma_start3A_655] : memref<64x128xi32, #tpu.memory_space<vmem>> -> memref<1x128xi32, #tpu.memory_space<vmem>>
    %dma_start3A_657 = tpu.memref_squeeze %dma_start3A_656 : memref<1x128xi32, #tpu.memory_space<vmem>> -> memref<128xi32, #tpu.memory_space<vmem>>
    %dma_start3A_658 = tpu.memref_slice %arg2[%dma_start3A_648, %mul3A_647] : memref<64x2048xi32, #tpu.memory_space<hbm>> -> memref<1x128xi32, #tpu.memory_space<hbm>>
    %dma_start3A_659 = tpu.memref_squeeze %dma_start3A_658 : memref<1x128xi32, #tpu.memory_space<hbm>> -> memref<128xi32, #tpu.memory_space<hbm>>
    tpu.enqueue_dma source(%dma_start3A_659 : memref<128xi32, #tpu.memory_space<hbm>>) target(%dma_start3A_657 : memref<128xi32, #tpu.memory_space<vmem>>) target_semaphore(%arg12 : memref<!tpu.dma_semaphore, #tpu.memory_space<semaphore_mem>>)
    %mul3A_660 = arith.constant 128 : i32
    %mul3A_661 = arith.muli %arg1, %mul3A_660 : i32
    %dma_start3A_662 = arith.constant 47 : i32
    %dma_start3A_663 = arith.constant 47 : i32
    %dma_start3A_664 = arith.constant 0 : i32
    %dma_start3A_665 = tpu.memref_slice %arg6[%dma_start3A_663, %dma_start3A_664] : memref<64x128xi32, #tpu.memory_space<vmem>> -> memref<1x128xi32, #tpu.memory_space<vmem>>
    %dma_start3A_666 = tpu.memref_squeeze %dma_start3A_665 : memref<1x128xi32, #tpu.memory_space<vmem>> -> memref<128xi32, #tpu.memory_space<vmem>>
    %dma_start3A_667 = tpu.memref_slice %arg2[%dma_start3A_662, %mul3A_661] : memref<64x2048xi32, #tpu.memory_space<hbm>> -> memref<1x128xi32, #tpu.memory_space<hbm>>
    %dma_start3A_668 = tpu.memref_squeeze %dma_start3A_667 : memref<1x128xi32, #tpu.memory_space<hbm>> -> memref<128xi32, #tpu.memory_space<hbm>>
    %dma_start3A_669 = arith.constant 0 : i32
    %dma_start3A_670 = tpu.memref_slice %arg6[%dma_start3A_663, %dma_start3A_669] : memref<64x128xi32, #tpu.memory_space<vmem>> -> memref<1x128xi32, #tpu.memory_space<vmem>>
    %dma_start3A_671 = tpu.memref_squeeze %dma_start3A_670 : memref<1x128xi32, #tpu.memory_space<vmem>> -> memref<128xi32, #tpu.memory_space<vmem>>
    %dma_start3A_672 = tpu.memref_slice %arg2[%dma_start3A_662, %mul3A_661] : memref<64x2048xi32, #tpu.memory_space<hbm>> -> memref<1x128xi32, #tpu.memory_space<hbm>>
    %dma_start3A_673 = tpu.memref_squeeze %dma_start3A_672 : memref<1x128xi32, #tpu.memory_space<hbm>> -> memref<128xi32, #tpu.memory_space<hbm>>
    tpu.enqueue_dma source(%dma_start3A_673 : memref<128xi32, #tpu.memory_space<hbm>>) target(%dma_start3A_671 : memref<128xi32, #tpu.memory_space<vmem>>) target_semaphore(%arg12 : memref<!tpu.dma_semaphore, #tpu.memory_space<semaphore_mem>>)
    %mul3A_674 = arith.constant 128 : i32
    %mul3A_675 = arith.muli %arg1, %mul3A_674 : i32
    %dma_start3A_676 = arith.constant 48 : i32
    %dma_start3A_677 = arith.constant 48 : i32
    %dma_start3A_678 = arith.constant 0 : i32
    %dma_start3A_679 = tpu.memref_slice %arg6[%dma_start3A_677, %dma_start3A_678] : memref<64x128xi32, #tpu.memory_space<vmem>> -> memref<1x128xi32, #tpu.memory_space<vmem>>
    %dma_start3A_680 = tpu.memref_squeeze %dma_start3A_679 : memref<1x128xi32, #tpu.memory_space<vmem>> -> memref<128xi32, #tpu.memory_space<vmem>>
    %dma_start3A_681 = tpu.memref_slice %arg2[%dma_start3A_676, %mul3A_675] : memref<64x2048xi32, #tpu.memory_space<hbm>> -> memref<1x128xi32, #tpu.memory_space<hbm>>
    %dma_start3A_682 = tpu.memref_squeeze %dma_start3A_681 : memref<1x128xi32, #tpu.memory_space<hbm>> -> memref<128xi32, #tpu.memory_space<hbm>>
    %dma_start3A_683 = arith.constant 0 : i32
    %dma_start3A_684 = tpu.memref_slice %arg6[%dma_start3A_677, %dma_start3A_683] : memref<64x128xi32, #tpu.memory_space<vmem>> -> memref<1x128xi32, #tpu.memory_space<vmem>>
    %dma_start3A_685 = tpu.memref_squeeze %dma_start3A_684 : memref<1x128xi32, #tpu.memory_space<vmem>> -> memref<128xi32, #tpu.memory_space<vmem>>
    %dma_start3A_686 = tpu.memref_slice %arg2[%dma_start3A_676, %mul3A_675] : memref<64x2048xi32, #tpu.memory_space<hbm>> -> memref<1x128xi32, #tpu.memory_space<hbm>>
    %dma_start3A_687 = tpu.memref_squeeze %dma_start3A_686 : memref<1x128xi32, #tpu.memory_space<hbm>> -> memref<128xi32, #tpu.memory_space<hbm>>
    tpu.enqueue_dma source(%dma_start3A_687 : memref<128xi32, #tpu.memory_space<hbm>>) target(%dma_start3A_685 : memref<128xi32, #tpu.memory_space<vmem>>) target_semaphore(%arg12 : memref<!tpu.dma_semaphore, #tpu.memory_space<semaphore_mem>>)
    %mul3A_688 = arith.constant 128 : i32
    %mul3A_689 = arith.muli %arg1, %mul3A_688 : i32
    %dma_start3A_690 = arith.constant 49 : i32
    %dma_start3A_691 = arith.constant 49 : i32
    %dma_start3A_692 = arith.constant 0 : i32
    %dma_start3A_693 = tpu.memref_slice %arg6[%dma_start3A_691, %dma_start3A_692] : memref<64x128xi32, #tpu.memory_space<vmem>> -> memref<1x128xi32, #tpu.memory_space<vmem>>
    %dma_start3A_694 = tpu.memref_squeeze %dma_start3A_693 : memref<1x128xi32, #tpu.memory_space<vmem>> -> memref<128xi32, #tpu.memory_space<vmem>>
    %dma_start3A_695 = tpu.memref_slice %arg2[%dma_start3A_690, %mul3A_689] : memref<64x2048xi32, #tpu.memory_space<hbm>> -> memref<1x128xi32, #tpu.memory_space<hbm>>
    %dma_start3A_696 = tpu.memref_squeeze %dma_start3A_695 : memref<1x128xi32, #tpu.memory_space<hbm>> -> memref<128xi32, #tpu.memory_space<hbm>>
    %dma_start3A_697 = arith.constant 0 : i32
    %dma_start3A_698 = tpu.memref_slice %arg6[%dma_start3A_691, %dma_start3A_697] : memref<64x128xi32, #tpu.memory_space<vmem>> -> memref<1x128xi32, #tpu.memory_space<vmem>>
    %dma_start3A_699 = tpu.memref_squeeze %dma_start3A_698 : memref<1x128xi32, #tpu.memory_space<vmem>> -> memref<128xi32, #tpu.memory_space<vmem>>
    %dma_start3A_700 = tpu.memref_slice %arg2[%dma_start3A_690, %mul3A_689] : memref<64x2048xi32, #tpu.memory_space<hbm>> -> memref<1x128xi32, #tpu.memory_space<hbm>>
    %dma_start3A_701 = tpu.memref_squeeze %dma_start3A_700 : memref<1x128xi32, #tpu.memory_space<hbm>> -> memref<128xi32, #tpu.memory_space<hbm>>
    tpu.enqueue_dma source(%dma_start3A_701 : memref<128xi32, #tpu.memory_space<hbm>>) target(%dma_start3A_699 : memref<128xi32, #tpu.memory_space<vmem>>) target_semaphore(%arg12 : memref<!tpu.dma_semaphore, #tpu.memory_space<semaphore_mem>>)
    %mul3A_702 = arith.constant 128 : i32
    %mul3A_703 = arith.muli %arg1, %mul3A_702 : i32
    %dma_start3A_704 = arith.constant 50 : i32
    %dma_start3A_705 = arith.constant 50 : i32
    %dma_start3A_706 = arith.constant 0 : i32
    %dma_start3A_707 = tpu.memref_slice %arg6[%dma_start3A_705, %dma_start3A_706] : memref<64x128xi32, #tpu.memory_space<vmem>> -> memref<1x128xi32, #tpu.memory_space<vmem>>
    %dma_start3A_708 = tpu.memref_squeeze %dma_start3A_707 : memref<1x128xi32, #tpu.memory_space<vmem>> -> memref<128xi32, #tpu.memory_space<vmem>>
    %dma_start3A_709 = tpu.memref_slice %arg2[%dma_start3A_704, %mul3A_703] : memref<64x2048xi32, #tpu.memory_space<hbm>> -> memref<1x128xi32, #tpu.memory_space<hbm>>
    %dma_start3A_710 = tpu.memref_squeeze %dma_start3A_709 : memref<1x128xi32, #tpu.memory_space<hbm>> -> memref<128xi32, #tpu.memory_space<hbm>>
    %dma_start3A_711 = arith.constant 0 : i32
    %dma_start3A_712 = tpu.memref_slice %arg6[%dma_start3A_705, %dma_start3A_711] : memref<64x128xi32, #tpu.memory_space<vmem>> -> memref<1x128xi32, #tpu.memory_space<vmem>>
    %dma_start3A_713 = tpu.memref_squeeze %dma_start3A_712 : memref<1x128xi32, #tpu.memory_space<vmem>> -> memref<128xi32, #tpu.memory_space<vmem>>
    %dma_start3A_714 = tpu.memref_slice %arg2[%dma_start3A_704, %mul3A_703] : memref<64x2048xi32, #tpu.memory_space<hbm>> -> memref<1x128xi32, #tpu.memory_space<hbm>>
    %dma_start3A_715 = tpu.memref_squeeze %dma_start3A_714 : memref<1x128xi32, #tpu.memory_space<hbm>> -> memref<128xi32, #tpu.memory_space<hbm>>
    tpu.enqueue_dma source(%dma_start3A_715 : memref<128xi32, #tpu.memory_space<hbm>>) target(%dma_start3A_713 : memref<128xi32, #tpu.memory_space<vmem>>) target_semaphore(%arg12 : memref<!tpu.dma_semaphore, #tpu.memory_space<semaphore_mem>>)
    %mul3A_716 = arith.constant 128 : i32
    %mul3A_717 = arith.muli %arg1, %mul3A_716 : i32
    %dma_start3A_718 = arith.constant 51 : i32
    %dma_start3A_719 = arith.constant 51 : i32
    %dma_start3A_720 = arith.constant 0 : i32
    %dma_start3A_721 = tpu.memref_slice %arg6[%dma_start3A_719, %dma_start3A_720] : memref<64x128xi32, #tpu.memory_space<vmem>> -> memref<1x128xi32, #tpu.memory_space<vmem>>
    %dma_start3A_722 = tpu.memref_squeeze %dma_start3A_721 : memref<1x128xi32, #tpu.memory_space<vmem>> -> memref<128xi32, #tpu.memory_space<vmem>>
    %dma_start3A_723 = tpu.memref_slice %arg2[%dma_start3A_718, %mul3A_717] : memref<64x2048xi32, #tpu.memory_space<hbm>> -> memref<1x128xi32, #tpu.memory_space<hbm>>
    %dma_start3A_724 = tpu.memref_squeeze %dma_start3A_723 : memref<1x128xi32, #tpu.memory_space<hbm>> -> memref<128xi32, #tpu.memory_space<hbm>>
    %dma_start3A_725 = arith.constant 0 : i32
    %dma_start3A_726 = tpu.memref_slice %arg6[%dma_start3A_719, %dma_start3A_725] : memref<64x128xi32, #tpu.memory_space<vmem>> -> memref<1x128xi32, #tpu.memory_space<vmem>>
    %dma_start3A_727 = tpu.memref_squeeze %dma_start3A_726 : memref<1x128xi32, #tpu.memory_space<vmem>> -> memref<128xi32, #tpu.memory_space<vmem>>
    %dma_start3A_728 = tpu.memref_slice %arg2[%dma_start3A_718, %mul3A_717] : memref<64x2048xi32, #tpu.memory_space<hbm>> -> memref<1x128xi32, #tpu.memory_space<hbm>>
    %dma_start3A_729 = tpu.memref_squeeze %dma_start3A_728 : memref<1x128xi32, #tpu.memory_space<hbm>> -> memref<128xi32, #tpu.memory_space<hbm>>
    tpu.enqueue_dma source(%dma_start3A_729 : memref<128xi32, #tpu.memory_space<hbm>>) target(%dma_start3A_727 : memref<128xi32, #tpu.memory_space<vmem>>) target_semaphore(%arg12 : memref<!tpu.dma_semaphore, #tpu.memory_space<semaphore_mem>>)
    %mul3A_730 = arith.constant 128 : i32
    %mul3A_731 = arith.muli %arg1, %mul3A_730 : i32
    %dma_start3A_732 = arith.constant 52 : i32
    %dma_start3A_733 = arith.constant 52 : i32
    %dma_start3A_734 = arith.constant 0 : i32
    %dma_start3A_735 = tpu.memref_slice %arg6[%dma_start3A_733, %dma_start3A_734] : memref<64x128xi32, #tpu.memory_space<vmem>> -> memref<1x128xi32, #tpu.memory_space<vmem>>
    %dma_start3A_736 = tpu.memref_squeeze %dma_start3A_735 : memref<1x128xi32, #tpu.memory_space<vmem>> -> memref<128xi32, #tpu.memory_space<vmem>>
    %dma_start3A_737 = tpu.memref_slice %arg2[%dma_start3A_732, %mul3A_731] : memref<64x2048xi32, #tpu.memory_space<hbm>> -> memref<1x128xi32, #tpu.memory_space<hbm>>
    %dma_start3A_738 = tpu.memref_squeeze %dma_start3A_737 : memref<1x128xi32, #tpu.memory_space<hbm>> -> memref<128xi32, #tpu.memory_space<hbm>>
    %dma_start3A_739 = arith.constant 0 : i32
    %dma_start3A_740 = tpu.memref_slice %arg6[%dma_start3A_733, %dma_start3A_739] : memref<64x128xi32, #tpu.memory_space<vmem>> -> memref<1x128xi32, #tpu.memory_space<vmem>>
    %dma_start3A_741 = tpu.memref_squeeze %dma_start3A_740 : memref<1x128xi32, #tpu.memory_space<vmem>> -> memref<128xi32, #tpu.memory_space<vmem>>
    %dma_start3A_742 = tpu.memref_slice %arg2[%dma_start3A_732, %mul3A_731] : memref<64x2048xi32, #tpu.memory_space<hbm>> -> memref<1x128xi32, #tpu.memory_space<hbm>>
    %dma_start3A_743 = tpu.memref_squeeze %dma_start3A_742 : memref<1x128xi32, #tpu.memory_space<hbm>> -> memref<128xi32, #tpu.memory_space<hbm>>
    tpu.enqueue_dma source(%dma_start3A_743 : memref<128xi32, #tpu.memory_space<hbm>>) target(%dma_start3A_741 : memref<128xi32, #tpu.memory_space<vmem>>) target_semaphore(%arg12 : memref<!tpu.dma_semaphore, #tpu.memory_space<semaphore_mem>>)
    %mul3A_744 = arith.constant 128 : i32
    %mul3A_745 = arith.muli %arg1, %mul3A_744 : i32
    %dma_start3A_746 = arith.constant 53 : i32
    %dma_start3A_747 = arith.constant 53 : i32
    %dma_start3A_748 = arith.constant 0 : i32
    %dma_start3A_749 = tpu.memref_slice %arg6[%dma_start3A_747, %dma_start3A_748] : memref<64x128xi32, #tpu.memory_space<vmem>> -> memref<1x128xi32, #tpu.memory_space<vmem>>
    %dma_start3A_750 = tpu.memref_squeeze %dma_start3A_749 : memref<1x128xi32, #tpu.memory_space<vmem>> -> memref<128xi32, #tpu.memory_space<vmem>>
    %dma_start3A_751 = tpu.memref_slice %arg2[%dma_start3A_746, %mul3A_745] : memref<64x2048xi32, #tpu.memory_space<hbm>> -> memref<1x128xi32, #tpu.memory_space<hbm>>
    %dma_start3A_752 = tpu.memref_squeeze %dma_start3A_751 : memref<1x128xi32, #tpu.memory_space<hbm>> -> memref<128xi32, #tpu.memory_space<hbm>>
    %dma_start3A_753 = arith.constant 0 : i32
    %dma_start3A_754 = tpu.memref_slice %arg6[%dma_start3A_747, %dma_start3A_753] : memref<64x128xi32, #tpu.memory_space<vmem>> -> memref<1x128xi32, #tpu.memory_space<vmem>>
    %dma_start3A_755 = tpu.memref_squeeze %dma_start3A_754 : memref<1x128xi32, #tpu.memory_space<vmem>> -> memref<128xi32, #tpu.memory_space<vmem>>
    %dma_start3A_756 = tpu.memref_slice %arg2[%dma_start3A_746, %mul3A_745] : memref<64x2048xi32, #tpu.memory_space<hbm>> -> memref<1x128xi32, #tpu.memory_space<hbm>>
    %dma_start3A_757 = tpu.memref_squeeze %dma_start3A_756 : memref<1x128xi32, #tpu.memory_space<hbm>> -> memref<128xi32, #tpu.memory_space<hbm>>
    tpu.enqueue_dma source(%dma_start3A_757 : memref<128xi32, #tpu.memory_space<hbm>>) target(%dma_start3A_755 : memref<128xi32, #tpu.memory_space<vmem>>) target_semaphore(%arg12 : memref<!tpu.dma_semaphore, #tpu.memory_space<semaphore_mem>>)
    %mul3A_758 = arith.constant 128 : i32
    %mul3A_759 = arith.muli %arg1, %mul3A_758 : i32
    %dma_start3A_760 = arith.constant 54 : i32
    %dma_start3A_761 = arith.constant 54 : i32
    %dma_start3A_762 = arith.constant 0 : i32
    %dma_start3A_763 = tpu.memref_slice %arg6[%dma_start3A_761, %dma_start3A_762] : memref<64x128xi32, #tpu.memory_space<vmem>> -> memref<1x128xi32, #tpu.memory_space<vmem>>
    %dma_start3A_764 = tpu.memref_squeeze %dma_start3A_763 : memref<1x128xi32, #tpu.memory_space<vmem>> -> memref<128xi32, #tpu.memory_space<vmem>>
    %dma_start3A_765 = tpu.memref_slice %arg2[%dma_start3A_760, %mul3A_759] : memref<64x2048xi32, #tpu.memory_space<hbm>> -> memref<1x128xi32, #tpu.memory_space<hbm>>
    %dma_start3A_766 = tpu.memref_squeeze %dma_start3A_765 : memref<1x128xi32, #tpu.memory_space<hbm>> -> memref<128xi32, #tpu.memory_space<hbm>>
    %dma_start3A_767 = arith.constant 0 : i32
    %dma_start3A_768 = tpu.memref_slice %arg6[%dma_start3A_761, %dma_start3A_767] : memref<64x128xi32, #tpu.memory_space<vmem>> -> memref<1x128xi32, #tpu.memory_space<vmem>>
    %dma_start3A_769 = tpu.memref_squeeze %dma_start3A_768 : memref<1x128xi32, #tpu.memory_space<vmem>> -> memref<128xi32, #tpu.memory_space<vmem>>
    %dma_start3A_770 = tpu.memref_slice %arg2[%dma_start3A_760, %mul3A_759] : memref<64x2048xi32, #tpu.memory_space<hbm>> -> memref<1x128xi32, #tpu.memory_space<hbm>>
    %dma_start3A_771 = tpu.memref_squeeze %dma_start3A_770 : memref<1x128xi32, #tpu.memory_space<hbm>> -> memref<128xi32, #tpu.memory_space<hbm>>
    tpu.enqueue_dma source(%dma_start3A_771 : memref<128xi32, #tpu.memory_space<hbm>>) target(%dma_start3A_769 : memref<128xi32, #tpu.memory_space<vmem>>) target_semaphore(%arg12 : memref<!tpu.dma_semaphore, #tpu.memory_space<semaphore_mem>>)
    %mul3A_772 = arith.constant 128 : i32
    %mul3A_773 = arith.muli %arg1, %mul3A_772 : i32
    %dma_start3A_774 = arith.constant 55 : i32
    %dma_start3A_775 = arith.constant 55 : i32
    %dma_start3A_776 = arith.constant 0 : i32
    %dma_start3A_777 = tpu.memref_slice %arg6[%dma_start3A_775, %dma_start3A_776] : memref<64x128xi32, #tpu.memory_space<vmem>> -> memref<1x128xi32, #tpu.memory_space<vmem>>
    %dma_start3A_778 = tpu.memref_squeeze %dma_start3A_777 : memref<1x128xi32, #tpu.memory_space<vmem>> -> memref<128xi32, #tpu.memory_space<vmem>>
    %dma_start3A_779 = tpu.memref_slice %arg2[%dma_start3A_774, %mul3A_773] : memref<64x2048xi32, #tpu.memory_space<hbm>> -> memref<1x128xi32, #tpu.memory_space<hbm>>
    %dma_start3A_780 = tpu.memref_squeeze %dma_start3A_779 : memref<1x128xi32, #tpu.memory_space<hbm>> -> memref<128xi32, #tpu.memory_space<hbm>>
    %dma_start3A_781 = arith.constant 0 : i32
    %dma_start3A_782 = tpu.memref_slice %arg6[%dma_start3A_775, %dma_start3A_781] : memref<64x128xi32, #tpu.memory_space<vmem>> -> memref<1x128xi32, #tpu.memory_space<vmem>>
    %dma_start3A_783 = tpu.memref_squeeze %dma_start3A_782 : memref<1x128xi32, #tpu.memory_space<vmem>> -> memref<128xi32, #tpu.memory_space<vmem>>
    %dma_start3A_784 = tpu.memref_slice %arg2[%dma_start3A_774, %mul3A_773] : memref<64x2048xi32, #tpu.memory_space<hbm>> -> memref<1x128xi32, #tpu.memory_space<hbm>>
    %dma_start3A_785 = tpu.memref_squeeze %dma_start3A_784 : memref<1x128xi32, #tpu.memory_space<hbm>> -> memref<128xi32, #tpu.memory_space<hbm>>
    tpu.enqueue_dma source(%dma_start3A_785 : memref<128xi32, #tpu.memory_space<hbm>>) target(%dma_start3A_783 : memref<128xi32, #tpu.memory_space<vmem>>) target_semaphore(%arg12 : memref<!tpu.dma_semaphore, #tpu.memory_space<semaphore_mem>>)
    %mul3A_786 = arith.constant 128 : i32
    %mul3A_787 = arith.muli %arg1, %mul3A_786 : i32
    %dma_start3A_788 = arith.constant 56 : i32
    %dma_start3A_789 = arith.constant 56 : i32
    %dma_start3A_790 = arith.constant 0 : i32
    %dma_start3A_791 = tpu.memref_slice %arg6[%dma_start3A_789, %dma_start3A_790] : memref<64x128xi32, #tpu.memory_space<vmem>> -> memref<1x128xi32, #tpu.memory_space<vmem>>
    %dma_start3A_792 = tpu.memref_squeeze %dma_start3A_791 : memref<1x128xi32, #tpu.memory_space<vmem>> -> memref<128xi32, #tpu.memory_space<vmem>>
    %dma_start3A_793 = tpu.memref_slice %arg2[%dma_start3A_788, %mul3A_787] : memref<64x2048xi32, #tpu.memory_space<hbm>> -> memref<1x128xi32, #tpu.memory_space<hbm>>
    %dma_start3A_794 = tpu.memref_squeeze %dma_start3A_793 : memref<1x128xi32, #tpu.memory_space<hbm>> -> memref<128xi32, #tpu.memory_space<hbm>>
    %dma_start3A_795 = arith.constant 0 : i32
    %dma_start3A_796 = tpu.memref_slice %arg6[%dma_start3A_789, %dma_start3A_795] : memref<64x128xi32, #tpu.memory_space<vmem>> -> memref<1x128xi32, #tpu.memory_space<vmem>>
    %dma_start3A_797 = tpu.memref_squeeze %dma_start3A_796 : memref<1x128xi32, #tpu.memory_space<vmem>> -> memref<128xi32, #tpu.memory_space<vmem>>
    %dma_start3A_798 = tpu.memref_slice %arg2[%dma_start3A_788, %mul3A_787] : memref<64x2048xi32, #tpu.memory_space<hbm>> -> memref<1x128xi32, #tpu.memory_space<hbm>>
    %dma_start3A_799 = tpu.memref_squeeze %dma_start3A_798 : memref<1x128xi32, #tpu.memory_space<hbm>> -> memref<128xi32, #tpu.memory_space<hbm>>
    tpu.enqueue_dma source(%dma_start3A_799 : memref<128xi32, #tpu.memory_space<hbm>>) target(%dma_start3A_797 : memref<128xi32, #tpu.memory_space<vmem>>) target_semaphore(%arg12 : memref<!tpu.dma_semaphore, #tpu.memory_space<semaphore_mem>>)
    %mul3A_800 = arith.constant 128 : i32
    %mul3A_801 = arith.muli %arg1, %mul3A_800 : i32
    %dma_start3A_802 = arith.constant 57 : i32
    %dma_start3A_803 = arith.constant 57 : i32
    %dma_start3A_804 = arith.constant 0 : i32
    %dma_start3A_805 = tpu.memref_slice %arg6[%dma_start3A_803, %dma_start3A_804] : memref<64x128xi32, #tpu.memory_space<vmem>> -> memref<1x128xi32, #tpu.memory_space<vmem>>
    %dma_start3A_806 = tpu.memref_squeeze %dma_start3A_805 : memref<1x128xi32, #tpu.memory_space<vmem>> -> memref<128xi32, #tpu.memory_space<vmem>>
    %dma_start3A_807 = tpu.memref_slice %arg2[%dma_start3A_802, %mul3A_801] : memref<64x2048xi32, #tpu.memory_space<hbm>> -> memref<1x128xi32, #tpu.memory_space<hbm>>
    %dma_start3A_808 = tpu.memref_squeeze %dma_start3A_807 : memref<1x128xi32, #tpu.memory_space<hbm>> -> memref<128xi32, #tpu.memory_space<hbm>>
    %dma_start3A_809 = arith.constant 0 : i32
    %dma_start3A_810 = tpu.memref_slice %arg6[%dma_start3A_803, %dma_start3A_809] : memref<64x128xi32, #tpu.memory_space<vmem>> -> memref<1x128xi32, #tpu.memory_space<vmem>>
    %dma_start3A_811 = tpu.memref_squeeze %dma_start3A_810 : memref<1x128xi32, #tpu.memory_space<vmem>> -> memref<128xi32, #tpu.memory_space<vmem>>
    %dma_start3A_812 = tpu.memref_slice %arg2[%dma_start3A_802, %mul3A_801] : memref<64x2048xi32, #tpu.memory_space<hbm>> -> memref<1x128xi32, #tpu.memory_space<hbm>>
    %dma_start3A_813 = tpu.memref_squeeze %dma_start3A_812 : memref<1x128xi32, #tpu.memory_space<hbm>> -> memref<128xi32, #tpu.memory_space<hbm>>
    tpu.enqueue_dma source(%dma_start3A_813 : memref<128xi32, #tpu.memory_space<hbm>>) target(%dma_start3A_811 : memref<128xi32, #tpu.memory_space<vmem>>) target_semaphore(%arg12 : memref<!tpu.dma_semaphore, #tpu.memory_space<semaphore_mem>>)
    %mul3A_814 = arith.constant 128 : i32
    %mul3A_815 = arith.muli %arg1, %mul3A_814 : i32
    %dma_start3A_816 = arith.constant 58 : i32
    %dma_start3A_817 = arith.constant 58 : i32
    %dma_start3A_818 = arith.constant 0 : i32
    %dma_start3A_819 = tpu.memref_slice %arg6[%dma_start3A_817, %dma_start3A_818] : memref<64x128xi32, #tpu.memory_space<vmem>> -> memref<1x128xi32, #tpu.memory_space<vmem>>
    %dma_start3A_820 = tpu.memref_squeeze %dma_start3A_819 : memref<1x128xi32, #tpu.memory_space<vmem>> -> memref<128xi32, #tpu.memory_space<vmem>>
    %dma_start3A_821 = tpu.memref_slice %arg2[%dma_start3A_816, %mul3A_815] : memref<64x2048xi32, #tpu.memory_space<hbm>> -> memref<1x128xi32, #tpu.memory_space<hbm>>
    %dma_start3A_822 = tpu.memref_squeeze %dma_start3A_821 : memref<1x128xi32, #tpu.memory_space<hbm>> -> memref<128xi32, #tpu.memory_space<hbm>>
    %dma_start3A_823 = arith.constant 0 : i32
    %dma_start3A_824 = tpu.memref_slice %arg6[%dma_start3A_817, %dma_start3A_823] : memref<64x128xi32, #tpu.memory_space<vmem>> -> memref<1x128xi32, #tpu.memory_space<vmem>>
    %dma_start3A_825 = tpu.memref_squeeze %dma_start3A_824 : memref<1x128xi32, #tpu.memory_space<vmem>> -> memref<128xi32, #tpu.memory_space<vmem>>
    %dma_start3A_826 = tpu.memref_slice %arg2[%dma_start3A_816, %mul3A_815] : memref<64x2048xi32, #tpu.memory_space<hbm>> -> memref<1x128xi32, #tpu.memory_space<hbm>>
    %dma_start3A_827 = tpu.memref_squeeze %dma_start3A_826 : memref<1x128xi32, #tpu.memory_space<hbm>> -> memref<128xi32, #tpu.memory_space<hbm>>
    tpu.enqueue_dma source(%dma_start3A_827 : memref<128xi32, #tpu.memory_space<hbm>>) target(%dma_start3A_825 : memref<128xi32, #tpu.memory_space<vmem>>) target_semaphore(%arg12 : memref<!tpu.dma_semaphore, #tpu.memory_space<semaphore_mem>>)
    %mul3A_828 = arith.constant 128 : i32
    %mul3A_829 = arith.muli %arg1, %mul3A_828 : i32
    %dma_start3A_830 = arith.constant 59 : i32
    %dma_start3A_831 = arith.constant 59 : i32
    %dma_start3A_832 = arith.constant 0 : i32
    %dma_start3A_833 = tpu.memref_slice %arg6[%dma_start3A_831, %dma_start3A_832] : memref<64x128xi32, #tpu.memory_space<vmem>> -> memref<1x128xi32, #tpu.memory_space<vmem>>
    %dma_start3A_834 = tpu.memref_squeeze %dma_start3A_833 : memref<1x128xi32, #tpu.memory_space<vmem>> -> memref<128xi32, #tpu.memory_space<vmem>>
    %dma_start3A_835 = tpu.memref_slice %arg2[%dma_start3A_830, %mul3A_829] : memref<64x2048xi32, #tpu.memory_space<hbm>> -> memref<1x128xi32, #tpu.memory_space<hbm>>
    %dma_start3A_836 = tpu.memref_squeeze %dma_start3A_835 : memref<1x128xi32, #tpu.memory_space<hbm>> -> memref<128xi32, #tpu.memory_space<hbm>>
    %dma_start3A_837 = arith.constant 0 : i32
    %dma_start3A_838 = tpu.memref_slice %arg6[%dma_start3A_831, %dma_start3A_837] : memref<64x128xi32, #tpu.memory_space<vmem>> -> memref<1x128xi32, #tpu.memory_space<vmem>>
    %dma_start3A_839 = tpu.memref_squeeze %dma_start3A_838 : memref<1x128xi32, #tpu.memory_space<vmem>> -> memref<128xi32, #tpu.memory_space<vmem>>
    %dma_start3A_840 = tpu.memref_slice %arg2[%dma_start3A_830, %mul3A_829] : memref<64x2048xi32, #tpu.memory_space<hbm>> -> memref<1x128xi32, #tpu.memory_space<hbm>>
    %dma_start3A_841 = tpu.memref_squeeze %dma_start3A_840 : memref<1x128xi32, #tpu.memory_space<hbm>> -> memref<128xi32, #tpu.memory_space<hbm>>
    tpu.enqueue_dma source(%dma_start3A_841 : memref<128xi32, #tpu.memory_space<hbm>>) target(%dma_start3A_839 : memref<128xi32, #tpu.memory_space<vmem>>) target_semaphore(%arg12 : memref<!tpu.dma_semaphore, #tpu.memory_space<semaphore_mem>>)
    %mul3A_842 = arith.constant 128 : i32
    %mul3A_843 = arith.muli %arg1, %mul3A_842 : i32
    %dma_start3A_844 = arith.constant 60 : i32
    %dma_start3A_845 = arith.constant 60 : i32
    %dma_start3A_846 = arith.constant 0 : i32
    %dma_start3A_847 = tpu.memref_slice %arg6[%dma_start3A_845, %dma_start3A_846] : memref<64x128xi32, #tpu.memory_space<vmem>> -> memref<1x128xi32, #tpu.memory_space<vmem>>
    %dma_start3A_848 = tpu.memref_squeeze %dma_start3A_847 : memref<1x128xi32, #tpu.memory_space<vmem>> -> memref<128xi32, #tpu.memory_space<vmem>>
    %dma_start3A_849 = tpu.memref_slice %arg2[%dma_start3A_844, %mul3A_843] : memref<64x2048xi32, #tpu.memory_space<hbm>> -> memref<1x128xi32, #tpu.memory_space<hbm>>
    %dma_start3A_850 = tpu.memref_squeeze %dma_start3A_849 : memref<1x128xi32, #tpu.memory_space<hbm>> -> memref<128xi32, #tpu.memory_space<hbm>>
    %dma_start3A_851 = arith.constant 0 : i32
    %dma_start3A_852 = tpu.memref_slice %arg6[%dma_start3A_845, %dma_start3A_851] : memref<64x128xi32, #tpu.memory_space<vmem>> -> memref<1x128xi32, #tpu.memory_space<vmem>>
    %dma_start3A_853 = tpu.memref_squeeze %dma_start3A_852 : memref<1x128xi32, #tpu.memory_space<vmem>> -> memref<128xi32, #tpu.memory_space<vmem>>
    %dma_start3A_854 = tpu.memref_slice %arg2[%dma_start3A_844, %mul3A_843] : memref<64x2048xi32, #tpu.memory_space<hbm>> -> memref<1x128xi32, #tpu.memory_space<hbm>>
    %dma_start3A_855 = tpu.memref_squeeze %dma_start3A_854 : memref<1x128xi32, #tpu.memory_space<hbm>> -> memref<128xi32, #tpu.memory_space<hbm>>
    tpu.enqueue_dma source(%dma_start3A_855 : memref<128xi32, #tpu.memory_space<hbm>>) target(%dma_start3A_853 : memref<128xi32, #tpu.memory_space<vmem>>) target_semaphore(%arg12 : memref<!tpu.dma_semaphore, #tpu.memory_space<semaphore_mem>>)
    %mul3A_856 = arith.constant 128 : i32
    %mul3A_857 = arith.muli %arg1, %mul3A_856 : i32
    %dma_start3A_858 = arith.constant 61 : i32
    %dma_start3A_859 = arith.constant 61 : i32
    %dma_start3A_860 = arith.constant 0 : i32
    %dma_start3A_861 = tpu.memref_slice %arg6[%dma_start3A_859, %dma_start3A_860] : memref<64x128xi32, #tpu.memory_space<vmem>> -> memref<1x128xi32, #tpu.memory_space<vmem>>
    %dma_start3A_862 = tpu.memref_squeeze %dma_start3A_861 : memref<1x128xi32, #tpu.memory_space<vmem>> -> memref<128xi32, #tpu.memory_space<vmem>>
    %dma_start3A_863 = tpu.memref_slice %arg2[%dma_start3A_858, %mul3A_857] : memref<64x2048xi32, #tpu.memory_space<hbm>> -> memref<1x128xi32, #tpu.memory_space<hbm>>
    %dma_start3A_864 = tpu.memref_squeeze %dma_start3A_863 : memref<1x128xi32, #tpu.memory_space<hbm>> -> memref<128xi32, #tpu.memory_space<hbm>>
    %dma_start3A_865 = arith.constant 0 : i32
    %dma_start3A_866 = tpu.memref_slice %arg6[%dma_start3A_859, %dma_start3A_865] : memref<64x128xi32, #tpu.memory_space<vmem>> -> memref<1x128xi32, #tpu.memory_space<vmem>>
    %dma_start3A_867 = tpu.memref_squeeze %dma_start3A_866 : memref<1x128xi32, #tpu.memory_space<vmem>> -> memref<128xi32, #tpu.memory_space<vmem>>
    %dma_start3A_868 = tpu.memref_slice %arg2[%dma_start3A_858, %mul3A_857] : memref<64x2048xi32, #tpu.memory_space<hbm>> -> memref<1x128xi32, #tpu.memory_space<hbm>>
    %dma_start3A_869 = tpu.memref_squeeze %dma_start3A_868 : memref<1x128xi32, #tpu.memory_space<hbm>> -> memref<128xi32, #tpu.memory_space<hbm>>
    tpu.enqueue_dma source(%dma_start3A_869 : memref<128xi32, #tpu.memory_space<hbm>>) target(%dma_start3A_867 : memref<128xi32, #tpu.memory_space<vmem>>) target_semaphore(%arg12 : memref<!tpu.dma_semaphore, #tpu.memory_space<semaphore_mem>>)
    %mul3A_870 = arith.constant 128 : i32
    %mul3A_871 = arith.muli %arg1, %mul3A_870 : i32
    %dma_start3A_872 = arith.constant 62 : i32
    %dma_start3A_873 = arith.constant 62 : i32
    %dma_start3A_874 = arith.constant 0 : i32
    %dma_start3A_875 = tpu.memref_slice %arg6[%dma_start3A_873, %dma_start3A_874] : memref<64x128xi32, #tpu.memory_space<vmem>> -> memref<1x128xi32, #tpu.memory_space<vmem>>
    %dma_start3A_876 = tpu.memref_squeeze %dma_start3A_875 : memref<1x128xi32, #tpu.memory_space<vmem>> -> memref<128xi32, #tpu.memory_space<vmem>>
    %dma_start3A_877 = tpu.memref_slice %arg2[%dma_start3A_872, %mul3A_871] : memref<64x2048xi32, #tpu.memory_space<hbm>> -> memref<1x128xi32, #tpu.memory_space<hbm>>
    %dma_start3A_878 = tpu.memref_squeeze %dma_start3A_877 : memref<1x128xi32, #tpu.memory_space<hbm>> -> memref<128xi32, #tpu.memory_space<hbm>>
    %dma_start3A_879 = arith.constant 0 : i32
    %dma_start3A_880 = tpu.memref_slice %arg6[%dma_start3A_873, %dma_start3A_879] : memref<64x128xi32, #tpu.memory_space<vmem>> -> memref<1x128xi32, #tpu.memory_space<vmem>>
    %dma_start3A_881 = tpu.memref_squeeze %dma_start3A_880 : memref<1x128xi32, #tpu.memory_space<vmem>> -> memref<128xi32, #tpu.memory_space<vmem>>
    %dma_start3A_882 = tpu.memref_slice %arg2[%dma_start3A_872, %mul3A_871] : memref<64x2048xi32, #tpu.memory_space<hbm>> -> memref<1x128xi32, #tpu.memory_space<hbm>>
    %dma_start3A_883 = tpu.memref_squeeze %dma_start3A_882 : memref<1x128xi32, #tpu.memory_space<hbm>> -> memref<128xi32, #tpu.memory_space<hbm>>
    tpu.enqueue_dma source(%dma_start3A_883 : memref<128xi32, #tpu.memory_space<hbm>>) target(%dma_start3A_881 : memref<128xi32, #tpu.memory_space<vmem>>) target_semaphore(%arg12 : memref<!tpu.dma_semaphore, #tpu.memory_space<semaphore_mem>>)
    %mul3A_884 = arith.constant 128 : i32
    %mul3A_885 = arith.muli %arg1, %mul3A_884 : i32
    %dma_start3A_886 = arith.constant 63 : i32
    %dma_start3A_887 = arith.constant 63 : i32
    %dma_start3A_888 = arith.constant 0 : i32
    %dma_start3A_889 = tpu.memref_slice %arg6[%dma_start3A_887, %dma_start3A_888] : memref<64x128xi32, #tpu.memory_space<vmem>> -> memref<1x128xi32, #tpu.memory_space<vmem>>
    %dma_start3A_890 = tpu.memref_squeeze %dma_start3A_889 : memref<1x128xi32, #tpu.memory_space<vmem>> -> memref<128xi32, #tpu.memory_space<vmem>>
    %dma_start3A_891 = tpu.memref_slice %arg2[%dma_start3A_886, %mul3A_885] : memref<64x2048xi32, #tpu.memory_space<hbm>> -> memref<1x128xi32, #tpu.memory_space<hbm>>
    %dma_start3A_892 = tpu.memref_squeeze %dma_start3A_891 : memref<1x128xi32, #tpu.memory_space<hbm>> -> memref<128xi32, #tpu.memory_space<hbm>>
    %dma_start3A_893 = arith.constant 0 : i32
    %dma_start3A_894 = tpu.memref_slice %arg6[%dma_start3A_887, %dma_start3A_893] : memref<64x128xi32, #tpu.memory_space<vmem>> -> memref<1x128xi32, #tpu.memory_space<vmem>>
    %dma_start3A_895 = tpu.memref_squeeze %dma_start3A_894 : memref<1x128xi32, #tpu.memory_space<vmem>> -> memref<128xi32, #tpu.memory_space<vmem>>
    %dma_start3A_896 = tpu.memref_slice %arg2[%dma_start3A_886, %mul3A_885] : memref<64x2048xi32, #tpu.memory_space<hbm>> -> memref<1x128xi32, #tpu.memory_space<hbm>>
    %dma_start3A_897 = tpu.memref_squeeze %dma_start3A_896 : memref<1x128xi32, #tpu.memory_space<hbm>> -> memref<128xi32, #tpu.memory_space<hbm>>
    tpu.enqueue_dma source(%dma_start3A_897 : memref<128xi32, #tpu.memory_space<hbm>>) target(%dma_start3A_895 : memref<128xi32, #tpu.memory_space<vmem>>) target_semaphore(%arg12 : memref<!tpu.dma_semaphore, #tpu.memory_space<semaphore_mem>>)
    "tpu.region"() ({
      %run_scoped3A = tpu.sem_alloc : memref<!tpu.dma_semaphore, #tpu.memory_space<semaphore_mem>>
      %dma_start3A_1031 = arith.constant 0 : i32
      %dma_start3A_1032 = tpu.memref_slice %arg4[%add3A, %dma_start3A_1031] : memref<2048x128xf32, #tpu.memory_space<hbm>> -> memref<64x128xf32, #tpu.memory_space<hbm>>
      %dma_start3A_1033 = arith.constant 0 : i32
      %dma_start3A_1034 = tpu.memref_slice %arg4[%add3A, %dma_start3A_1033] : memref<2048x128xf32, #tpu.memory_space<hbm>> -> memref<64x128xf32, #tpu.memory_space<hbm>>
      tpu.enqueue_dma source(%dma_start3A_1034 : memref<64x128xf32, #tpu.memory_space<hbm>>) target(%arg7 : memref<64x128xf32, #tpu.memory_space<vmem>>) target_semaphore(%run_scoped3A : memref<!tpu.dma_semaphore, #tpu.memory_space<semaphore_mem>>)
      %dma_wait3A_1035 = arith.constant 0 : i32
      %dma_wait3A_1036 = tpu.memref_slice %arg4[%add3A, %dma_wait3A_1035] : memref<2048x128xf32, #tpu.memory_space<hbm>> -> memref<64x128xf32, #tpu.memory_space<hbm>>
      %dma_wait3A_1037 = arith.constant 0 : i32
      %dma_wait3A_1038 = tpu.memref_slice %arg4[%add3A, %dma_wait3A_1037] : memref<2048x128xf32, #tpu.memory_space<hbm>> -> memref<64x128xf32, #tpu.memory_space<hbm>>
      tpu.wait_dma2 semaphore(%run_scoped3A : memref<!tpu.dma_semaphore, #tpu.memory_space<semaphore_mem>>) src(%dma_wait3A_1038 : memref<64x128xf32, #tpu.memory_space<hbm>>) dst(%arg7 : memref<64x128xf32, #tpu.memory_space<vmem>>)
      tpu.yield
    }) : () -> ()
    %dma_wait3A = arith.constant 0 : i32
    %dma_wait3A_898 = arith.constant 0 : i32
    %dma_wait3A_899 = tpu.memref_slice %arg2[%dma_wait3A, %dma_wait3A_898] : memref<64x2048xi32, #tpu.memory_space<hbm>> -> memref<64x128xi32, #tpu.memory_space<hbm>>
    %dma_wait3A_900 = arith.constant 0 : i32
    %dma_wait3A_901 = arith.constant 0 : i32
    %dma_wait3A_902 = tpu.memref_slice %arg2[%dma_wait3A_900, %dma_wait3A_901] : memref<64x2048xi32, #tpu.memory_space<hbm>> -> memref<64x128xi32, #tpu.memory_space<hbm>>
    tpu.wait_dma2 semaphore(%arg12 : memref<!tpu.dma_semaphore, #tpu.memory_space<semaphore_mem>>) src(%dma_wait3A_902 : memref<64x128xi32, #tpu.memory_space<hbm>>) dst(%arg6 : memref<64x128xi32, #tpu.memory_space<vmem>>)
    %mul3A_903 = arith.constant 64 : i32
    %mul3A_904 = arith.muli %arg0, %mul3A_903 : i32
    %dma_start3A_905 = arith.constant 0 : i32
    %dma_start3A_906 = tpu.memref_slice %arg6[%dma_start3A_905, %mul3A_904] : memref<64x128xi32, #tpu.memory_space<vmem>> -> memref<1x64xi32, #tpu.memory_space<vmem>>
    %dma_start3A_907 = tpu.memref_squeeze %dma_start3A_906 : memref<1x64xi32, #tpu.memory_space<vmem>> -> memref<64xi32, #tpu.memory_space<vmem>>
    %dma_start3A_908 = arith.constant 0 : i32
    %dma_start3A_909 = arith.constant 0 : i32
    %dma_start3A_910 = tpu.memref_slice %arg3[%dma_start3A_908, %dma_start3A_909] : memref<100000x128xf32, #tpu.memory_space<hbm>> -> memref<100000x128xf32, #tpu.memory_space<hbm>>
    tpu.enqueue_indirect_dma source(%dma_start3A_910 : memref<100000x128xf32, #tpu.memory_space<hbm>>) target(%arg8 : memref<64x128xf32, #tpu.memory_space<vmem>>) offsets(%dma_start3A_907 : memref<64xi32, #tpu.memory_space<vmem>>) semaphore(%arg13 : memref<!tpu.dma_semaphore, #tpu.memory_space<semaphore_mem>>)
    %mul3A_911 = arith.constant 64 : i32
    %mul3A_912 = arith.muli %arg0, %mul3A_911 : i32
    %dma_start3A_913 = arith.constant 1 : i32
    %dma_start3A_914 = tpu.memref_slice %arg6[%dma_start3A_913, %mul3A_912] : memref<64x128xi32, #tpu.memory_space<vmem>> -> memref<1x64xi32, #tpu.memory_space<vmem>>
    %dma_start3A_915 = tpu.memref_squeeze %dma_start3A_914 : memref<1x64xi32, #tpu.memory_space<vmem>> -> memref<64xi32, #tpu.memory_space<vmem>>
    %dma_start3A_916 = arith.constant 0 : i32
    %dma_start3A_917 = arith.constant 0 : i32
    %dma_start3A_918 = tpu.memref_slice %arg3[%dma_start3A_916, %dma_start3A_917] : memref<100000x128xf32, #tpu.memory_space<hbm>> -> memref<100000x128xf32, #tpu.memory_space<hbm>>
    tpu.enqueue_indirect_dma source(%dma_start3A_918 : memref<100000x128xf32, #tpu.memory_space<hbm>>) target(%arg9 : memref<64x128xf32, #tpu.memory_space<vmem>>) offsets(%dma_start3A_915 : memref<64xi32, #tpu.memory_space<vmem>>) semaphore(%arg14 : memref<!tpu.dma_semaphore, #tpu.memory_space<semaphore_mem>>)
    %mul3A_919 = arith.constant 64 : i32
    %mul3A_920 = arith.muli %arg0, %mul3A_919 : i32
    %dma_start3A_921 = arith.constant 2 : i32
    %dma_start3A_922 = tpu.memref_slice %arg6[%dma_start3A_921, %mul3A_920] : memref<64x128xi32, #tpu.memory_space<vmem>> -> memref<1x64xi32, #tpu.memory_space<vmem>>
    %dma_start3A_923 = tpu.memref_squeeze %dma_start3A_922 : memref<1x64xi32, #tpu.memory_space<vmem>> -> memref<64xi32, #tpu.memory_space<vmem>>
    %dma_start3A_924 = arith.constant 0 : i32
    %dma_start3A_925 = arith.constant 0 : i32
    %dma_start3A_926 = tpu.memref_slice %arg3[%dma_start3A_924, %dma_start3A_925] : memref<100000x128xf32, #tpu.memory_space<hbm>> -> memref<100000x128xf32, #tpu.memory_space<hbm>>
    tpu.enqueue_indirect_dma source(%dma_start3A_926 : memref<100000x128xf32, #tpu.memory_space<hbm>>) target(%arg10 : memref<64x128xf32, #tpu.memory_space<vmem>>) offsets(%dma_start3A_923 : memref<64xi32, #tpu.memory_space<vmem>>) semaphore(%arg15 : memref<!tpu.dma_semaphore, #tpu.memory_space<semaphore_mem>>)
    %mul3A_927 = arith.constant 64 : i32
    %mul3A_928 = arith.muli %arg0, %mul3A_927 : i32
    %dma_wait3A_929 = arith.constant 0 : i32
    %dma_wait3A_930 = tpu.memref_slice %arg6[%dma_wait3A_929, %mul3A_928] : memref<64x128xi32, #tpu.memory_space<vmem>> -> memref<1x64xi32, #tpu.memory_space<vmem>>
    %dma_wait3A_931 = tpu.memref_squeeze %dma_wait3A_930 : memref<1x64xi32, #tpu.memory_space<vmem>> -> memref<64xi32, #tpu.memory_space<vmem>>
    %dma_wait3A_932 = arith.constant 0 : i32
    %dma_wait3A_933 = arith.constant 0 : i32
    %dma_wait3A_934 = tpu.memref_slice %arg3[%dma_wait3A_932, %dma_wait3A_933] : memref<100000x128xf32, #tpu.memory_space<hbm>> -> memref<100000x128xf32, #tpu.memory_space<hbm>>
    tpu.wait_indirect_dma semaphore(%arg13 : memref<!tpu.dma_semaphore, #tpu.memory_space<semaphore_mem>>) src(%dma_wait3A_934 : memref<100000x128xf32, #tpu.memory_space<hbm>>) dst(%arg8 : memref<64x128xf32, #tpu.memory_space<vmem>>)
    %parallel_loop3A = arith.constant 0 : i32
    %parallel_loop3A_935 = arith.constant 64 : i32
    %parallel_loop3A_936 = arith.constant 1 : i32
    scf.for %parallel_loop3A_1031 = %parallel_loop3A to %parallel_loop3A_935 step %parallel_loop3A_936  : i32 {
      %parallel_loop3A_1032 = arith.index_cast %parallel_loop3A_1031 : i32 to index
      %parallel_loop3A_1033 = arith.constant 0 : index
      %parallel_loop3A_1034 = tpu.vector_load %arg7[%parallel_loop3A_1032, %parallel_loop3A_1033] {strides = array<i32>} : memref<64x128xf32, #tpu.memory_space<vmem>>, vector<1x16xf32>,
      %parallel_loop3A_1035 = vector.shape_cast %parallel_loop3A_1034 : vector<1x16xf32> to vector<16xf32>
      %parallel_loop3A_1036 = arith.index_cast %parallel_loop3A_1031 : i32 to index
      %parallel_loop3A_1037 = arith.constant 0 : index
      %parallel_loop3A_1038 = tpu.vector_load %arg8[%parallel_loop3A_1036, %parallel_loop3A_1037] {strides = array<i32>} : memref<64x128xf32, #tpu.memory_space<vmem>>, vector<1x16xf32>,
      %parallel_loop3A_1039 = vector.shape_cast %parallel_loop3A_1038 : vector<1x16xf32> to vector<16xf32>
      %parallel_loop3A_1040 = vector.shape_cast %parallel_loop3A_1035 : vector<16xf32> to vector<1x16xf32>
      tpu.vector_store %arg8[%parallel_loop3A_1036, %parallel_loop3A_1037], %parallel_loop3A_1040 {add = true, strides = array<i32>} : memref<64x128xf32, #tpu.memory_space<vmem>>, vector<1x16xf32>,
      %parallel_loop3A_1041 = arith.index_cast %parallel_loop3A_1031 : i32 to index
      %parallel_loop3A_1042 = arith.constant 16 : index
      %parallel_loop3A_1043 = tpu.vector_load %arg7[%parallel_loop3A_1041, %parallel_loop3A_1042] {strides = array<i32>} : memref<64x128xf32, #tpu.memory_space<vmem>>, vector<1x16xf32>,
      %parallel_loop3A_1044 = vector.shape_cast %parallel_loop3A_1043 : vector<1x16xf32> to vector<16xf32>
      %parallel_loop3A_1045 = arith.index_cast %parallel_loop3A_1031 : i32 to index
      %parallel_loop3A_1046 = arith.constant 16 : index
      %parallel_loop3A_1047 = tpu.vector_load %arg8[%parallel_loop3A_1045, %parallel_loop3A_1046] {strides = array<i32>} : memref<64x128xf32, #tpu.memory_space<vmem>>, vector<1x16xf32>,
      %parallel_loop3A_1048 = vector.shape_cast %parallel_loop3A_1047 : vector<1x16xf32> to vector<16xf32>
      %parallel_loop3A_1049 = vector.shape_cast %parallel_loop3A_1044 : vector<16xf32> to vector<1x16xf32>
      tpu.vector_store %arg8[%parallel_loop3A_1045, %parallel_loop3A_1046], %parallel_loop3A_1049 {add = true, strides = array<i32>} : memref<64x128xf32, #tpu.memory_space<vmem>>, vector<1x16xf32>,
      %parallel_loop3A_1050 = arith.index_cast %parallel_loop3A_1031 : i32 to index
      %parallel_loop3A_1051 = arith.constant 32 : index
      %parallel_loop3A_1052 = tpu.vector_load %arg7[%parallel_loop3A_1050, %parallel_loop3A_1051] {strides = array<i32>} : memref<64x128xf32, #tpu.memory_space<vmem>>, vector<1x16xf32>,
      %parallel_loop3A_1053 = vector.shape_cast %parallel_loop3A_1052 : vector<1x16xf32> to vector<16xf32>
      %parallel_loop3A_1054 = arith.index_cast %parallel_loop3A_1031 : i32 to index
      %parallel_loop3A_1055 = arith.constant 32 : index
      %parallel_loop3A_1056 = tpu.vector_load %arg8[%parallel_loop3A_1054, %parallel_loop3A_1055] {strides = array<i32>} : memref<64x128xf32, #tpu.memory_space<vmem>>, vector<1x16xf32>,
      %parallel_loop3A_1057 = vector.shape_cast %parallel_loop3A_1056 : vector<1x16xf32> to vector<16xf32>
      %parallel_loop3A_1058 = vector.shape_cast %parallel_loop3A_1053 : vector<16xf32> to vector<1x16xf32>
      tpu.vector_store %arg8[%parallel_loop3A_1054, %parallel_loop3A_1055], %parallel_loop3A_1058 {add = true, strides = array<i32>} : memref<64x128xf32, #tpu.memory_space<vmem>>, vector<1x16xf32>,
      %parallel_loop3A_1059 = arith.index_cast %parallel_loop3A_1031 : i32 to index
      %parallel_loop3A_1060 = arith.constant 48 : index
      %parallel_loop3A_1061 = tpu.vector_load %arg7[%parallel_loop3A_1059, %parallel_loop3A_1060] {strides = array<i32>} : memref<64x128xf32, #tpu.memory_space<vmem>>, vector<1x16xf32>,
      %parallel_loop3A_1062 = vector.shape_cast %parallel_loop3A_1061 : vector<1x16xf32> to vector<16xf32>
      %parallel_loop3A_1063 = arith.index_cast %parallel_loop3A_1031 : i32 to index
      %parallel_loop3A_1064 = arith.constant 48 : index
      %parallel_loop3A_1065 = tpu.vector_load %arg8[%parallel_loop3A_1063, %parallel_loop3A_1064] {strides = array<i32>} : memref<64x128xf32, #tpu.memory_space<vmem>>, vector<1x16xf32>,
      %parallel_loop3A_1066 = vector.shape_cast %parallel_loop3A_1065 : vector<1x16xf32> to vector<16xf32>
      %parallel_loop3A_1067 = vector.shape_cast %parallel_loop3A_1062 : vector<16xf32> to vector<1x16xf32>
      tpu.vector_store %arg8[%parallel_loop3A_1063, %parallel_loop3A_1064], %parallel_loop3A_1067 {add = true, strides = array<i32>} : memref<64x128xf32, #tpu.memory_space<vmem>>, vector<1x16xf32>,
      %parallel_loop3A_1068 = arith.index_cast %parallel_loop3A_1031 : i32 to index
      %parallel_loop3A_1069 = arith.constant 64 : index
      %parallel_loop3A_1070 = tpu.vector_load %arg7[%parallel_loop3A_1068, %parallel_loop3A_1069] {strides = array<i32>} : memref<64x128xf32, #tpu.memory_space<vmem>>, vector<1x16xf32>,
      %parallel_loop3A_1071 = vector.shape_cast %parallel_loop3A_1070 : vector<1x16xf32> to vector<16xf32>
      %parallel_loop3A_1072 = arith.index_cast %parallel_loop3A_1031 : i32 to index
      %parallel_loop3A_1073 = arith.constant 64 : index
      %parallel_loop3A_1074 = tpu.vector_load %arg8[%parallel_loop3A_1072, %parallel_loop3A_1073] {strides = array<i32>} : memref<64x128xf32, #tpu.memory_space<vmem>>, vector<1x16xf32>,
      %parallel_loop3A_1075 = vector.shape_cast %parallel_loop3A_1074 : vector<1x16xf32> to vector<16xf32>
      %parallel_loop3A_1076 = vector.shape_cast %parallel_loop3A_1071 : vector<16xf32> to vector<1x16xf32>
      tpu.vector_store %arg8[%parallel_loop3A_1072, %parallel_loop3A_1073], %parallel_loop3A_1076 {add = true, strides = array<i32>} : memref<64x128xf32, #tpu.memory_space<vmem>>, vector<1x16xf32>,
      %parallel_loop3A_1077 = arith.index_cast %parallel_loop3A_1031 : i32 to index
      %parallel_loop3A_1078 = arith.constant 80 : index
      %parallel_loop3A_1079 = tpu.vector_load %arg7[%parallel_loop3A_1077, %parallel_loop3A_1078] {strides = array<i32>} : memref<64x128xf32, #tpu.memory_space<vmem>>, vector<1x16xf32>,
      %parallel_loop3A_1080 = vector.shape_cast %parallel_loop3A_1079 : vector<1x16xf32> to vector<16xf32>
      %parallel_loop3A_1081 = arith.index_cast %parallel_loop3A_1031 : i32 to index
      %parallel_loop3A_1082 = arith.constant 80 : index
      %parallel_loop3A_1083 = tpu.vector_load %arg8[%parallel_loop3A_1081, %parallel_loop3A_1082] {strides = array<i32>} : memref<64x128xf32, #tpu.memory_space<vmem>>, vector<1x16xf32>,
      %parallel_loop3A_1084 = vector.shape_cast %parallel_loop3A_1083 : vector<1x16xf32> to vector<16xf32>
      %parallel_loop3A_1085 = vector.shape_cast %parallel_loop3A_1080 : vector<16xf32> to vector<1x16xf32>
      tpu.vector_store %arg8[%parallel_loop3A_1081, %parallel_loop3A_1082], %parallel_loop3A_1085 {add = true, strides = array<i32>} : memref<64x128xf32, #tpu.memory_space<vmem>>, vector<1x16xf32>,
      %parallel_loop3A_1086 = arith.index_cast %parallel_loop3A_1031 : i32 to index
      %parallel_loop3A_1087 = arith.constant 96 : index
      %parallel_loop3A_1088 = tpu.vector_load %arg7[%parallel_loop3A_1086, %parallel_loop3A_1087] {strides = array<i32>} : memref<64x128xf32, #tpu.memory_space<vmem>>, vector<1x16xf32>,
      %parallel_loop3A_1089 = vector.shape_cast %parallel_loop3A_1088 : vector<1x16xf32> to vector<16xf32>
      %parallel_loop3A_1090 = arith.index_cast %parallel_loop3A_1031 : i32 to index
      %parallel_loop3A_1091 = arith.constant 96 : index
      %parallel_loop3A_1092 = tpu.vector_load %arg8[%parallel_loop3A_1090, %parallel_loop3A_1091] {strides = array<i32>} : memref<64x128xf32, #tpu.memory_space<vmem>>, vector<1x16xf32>,
      %parallel_loop3A_1093 = vector.shape_cast %parallel_loop3A_1092 : vector<1x16xf32> to vector<16xf32>
      %parallel_loop3A_1094 = vector.shape_cast %parallel_loop3A_1089 : vector<16xf32> to vector<1x16xf32>
      tpu.vector_store %arg8[%parallel_loop3A_1090, %parallel_loop3A_1091], %parallel_loop3A_1094 {add = true, strides = array<i32>} : memref<64x128xf32, #tpu.memory_space<vmem>>, vector<1x16xf32>,
      %parallel_loop3A_1095 = arith.index_cast %parallel_loop3A_1031 : i32 to index
      %parallel_loop3A_1096 = arith.constant 112 : index
      %parallel_loop3A_1097 = tpu.vector_load %arg7[%parallel_loop3A_1095, %parallel_loop3A_1096] {strides = array<i32>} : memref<64x128xf32, #tpu.memory_space<vmem>>, vector<1x16xf32>,
      %parallel_loop3A_1098 = vector.shape_cast %parallel_loop3A_1097 : vector<1x16xf32> to vector<16xf32>
      %parallel_loop3A_1099 = arith.index_cast %parallel_loop3A_1031 : i32 to index
      %parallel_loop3A_1100 = arith.constant 112 : index
      %parallel_loop3A_1101 = tpu.vector_load %arg8[%parallel_loop3A_1099, %parallel_loop3A_1100] {strides = array<i32>} : memref<64x128xf32, #tpu.memory_space<vmem>>, vector<1x16xf32>,
      %parallel_loop3A_1102 = vector.shape_cast %parallel_loop3A_1101 : vector<1x16xf32> to vector<16xf32>
      %parallel_loop3A_1103 = vector.shape_cast %parallel_loop3A_1098 : vector<16xf32> to vector<1x16xf32>
      tpu.vector_store %arg8[%parallel_loop3A_1099, %parallel_loop3A_1100], %parallel_loop3A_1103 {add = true, strides = array<i32>} : memref<64x128xf32, #tpu.memory_space<vmem>>, vector<1x16xf32>,
    } {sc.loop_unroll_factor = 2 : i64, sc.parallel_access}
    %add3A_937 = arith.constant 0 : i32
    %add3A_938 = arith.addi %add3A_937, %add3A : i32
    %dma_start3A_939 = arith.constant 0 : i32
    %dma_start3A_940 = tpu.memref_slice %arg5[%add3A_938, %dma_start3A_939] : memref<131072x128xf32, #tpu.memory_space<hbm>> -> memref<64x128xf32, #tpu.memory_space<hbm>>
    %dma_start3A_941 = arith.constant 0 : i32
    %dma_start3A_942 = tpu.memref_slice %arg5[%add3A_938, %dma_start3A_941] : memref<131072x128xf32, #tpu.memory_space<hbm>> -> memref<64x128xf32, #tpu.memory_space<hbm>>
    tpu.enqueue_dma source(%arg8 : memref<64x128xf32, #tpu.memory_space<vmem>>) target(%dma_start3A_942 : memref<64x128xf32, #tpu.memory_space<hbm>>) target_semaphore(%arg17 : memref<!tpu.dma_semaphore, #tpu.memory_space<semaphore_mem>>)
    %mul3A_943 = arith.constant 64 : i32
    %mul3A_944 = arith.muli %arg0, %mul3A_943 : i32
    %dma_start3A_945 = arith.constant 3 : i32
    %dma_start3A_946 = tpu.memref_slice %arg6[%dma_start3A_945, %mul3A_944] : memref<64x128xi32, #tpu.memory_space<vmem>> -> memref<1x64xi32, #tpu.memory_space<vmem>>
    %dma_start3A_947 = tpu.memref_squeeze %dma_start3A_946 : memref<1x64xi32, #tpu.memory_space<vmem>> -> memref<64xi32, #tpu.memory_space<vmem>>
    %dma_start3A_948 = arith.constant 0 : i32
    %dma_start3A_949 = arith.constant 0 : i32
    %dma_start3A_950 = tpu.memref_slice %arg3[%dma_start3A_948, %dma_start3A_949] : memref<100000x128xf32, #tpu.memory_space<hbm>> -> memref<100000x128xf32, #tpu.memory_space<hbm>>
    tpu.enqueue_indirect_dma source(%dma_start3A_950 : memref<100000x128xf32, #tpu.memory_space<hbm>>) target(%arg11 : memref<64x128xf32, #tpu.memory_space<vmem>>) offsets(%dma_start3A_947 : memref<64xi32, #tpu.memory_space<vmem>>) semaphore(%arg16 : memref<!tpu.dma_semaphore, #tpu.memory_space<semaphore_mem>>)
    %mul3A_951 = arith.constant 64 : i32
    %mul3A_952 = arith.muli %arg0, %mul3A_951 : i32
    %dma_wait3A_953 = arith.constant 1 : i32
    %dma_wait3A_954 = tpu.memref_slice %arg6[%dma_wait3A_953, %mul3A_952] : memref<64x128xi32, #tpu.memory_space<vmem>> -> memref<1x64xi32, #tpu.memory_space<vmem>>
    %dma_wait3A_955 = tpu.memref_squeeze %dma_wait3A_954 : memref<1x64xi32, #tpu.memory_space<vmem>> -> memref<64xi32, #tpu.memory_space<vmem>>
    %dma_wait3A_956 = arith.constant 0 : i32
    %dma_wait3A_957 = arith.constant 0 : i32
    %dma_wait3A_958 = tpu.memref_slice %arg3[%dma_wait3A_956, %dma_wait3A_957] : memref<100000x128xf32, #tpu.memory_space<hbm>> -> memref<100000x128xf32, #tpu.memory_space<hbm>>
    tpu.wait_indirect_dma semaphore(%arg14 : memref<!tpu.dma_semaphore, #tpu.memory_space<semaphore_mem>>) src(%dma_wait3A_958 : memref<100000x128xf32, #tpu.memory_space<hbm>>) dst(%arg9 : memref<64x128xf32, #tpu.memory_space<vmem>>)
    %parallel_loop3A_959 = arith.constant 0 : i32
    %parallel_loop3A_960 = arith.constant 64 : i32
    %parallel_loop3A_961 = arith.constant 1 : i32
    scf.for %parallel_loop3A_1031 = %parallel_loop3A_959 to %parallel_loop3A_960 step %parallel_loop3A_961  : i32 {
      %parallel_loop3A_1032 = arith.index_cast %parallel_loop3A_1031 : i32 to index
      %parallel_loop3A_1033 = arith.constant 0 : index
      %parallel_loop3A_1034 = tpu.vector_load %arg7[%parallel_loop3A_1032, %parallel_loop3A_1033] {strides = array<i32>} : memref<64x128xf32, #tpu.memory_space<vmem>>, vector<1x16xf32>,
      %parallel_loop3A_1035 = vector.shape_cast %parallel_loop3A_1034 : vector<1x16xf32> to vector<16xf32>
      %parallel_loop3A_1036 = arith.index_cast %parallel_loop3A_1031 : i32 to index
      %parallel_loop3A_1037 = arith.constant 0 : index
      %parallel_loop3A_1038 = tpu.vector_load %arg9[%parallel_loop3A_1036, %parallel_loop3A_1037] {strides = array<i32>} : memref<64x128xf32, #tpu.memory_space<vmem>>, vector<1x16xf32>,
      %parallel_loop3A_1039 = vector.shape_cast %parallel_loop3A_1038 : vector<1x16xf32> to vector<16xf32>
      %parallel_loop3A_1040 = vector.shape_cast %parallel_loop3A_1035 : vector<16xf32> to vector<1x16xf32>
      tpu.vector_store %arg9[%parallel_loop3A_1036, %parallel_loop3A_1037], %parallel_loop3A_1040 {add = true, strides = array<i32>} : memref<64x128xf32, #tpu.memory_space<vmem>>, vector<1x16xf32>,
      %parallel_loop3A_1041 = arith.index_cast %parallel_loop3A_1031 : i32 to index
      %parallel_loop3A_1042 = arith.constant 16 : index
      %parallel_loop3A_1043 = tpu.vector_load %arg7[%parallel_loop3A_1041, %parallel_loop3A_1042] {strides = array<i32>} : memref<64x128xf32, #tpu.memory_space<vmem>>, vector<1x16xf32>,
      %parallel_loop3A_1044 = vector.shape_cast %parallel_loop3A_1043 : vector<1x16xf32> to vector<16xf32>
      %parallel_loop3A_1045 = arith.index_cast %parallel_loop3A_1031 : i32 to index
      %parallel_loop3A_1046 = arith.constant 16 : index
      %parallel_loop3A_1047 = tpu.vector_load %arg9[%parallel_loop3A_1045, %parallel_loop3A_1046] {strides = array<i32>} : memref<64x128xf32, #tpu.memory_space<vmem>>, vector<1x16xf32>,
      %parallel_loop3A_1048 = vector.shape_cast %parallel_loop3A_1047 : vector<1x16xf32> to vector<16xf32>
      %parallel_loop3A_1049 = vector.shape_cast %parallel_loop3A_1044 : vector<16xf32> to vector<1x16xf32>
      tpu.vector_store %arg9[%parallel_loop3A_1045, %parallel_loop3A_1046], %parallel_loop3A_1049 {add = true, strides = array<i32>} : memref<64x128xf32, #tpu.memory_space<vmem>>, vector<1x16xf32>,
      %parallel_loop3A_1050 = arith.index_cast %parallel_loop3A_1031 : i32 to index
      %parallel_loop3A_1051 = arith.constant 32 : index
      %parallel_loop3A_1052 = tpu.vector_load %arg7[%parallel_loop3A_1050, %parallel_loop3A_1051] {strides = array<i32>} : memref<64x128xf32, #tpu.memory_space<vmem>>, vector<1x16xf32>,
      %parallel_loop3A_1053 = vector.shape_cast %parallel_loop3A_1052 : vector<1x16xf32> to vector<16xf32>
      %parallel_loop3A_1054 = arith.index_cast %parallel_loop3A_1031 : i32 to index
      %parallel_loop3A_1055 = arith.constant 32 : index
      %parallel_loop3A_1056 = tpu.vector_load %arg9[%parallel_loop3A_1054, %parallel_loop3A_1055] {strides = array<i32>} : memref<64x128xf32, #tpu.memory_space<vmem>>, vector<1x16xf32>,
      %parallel_loop3A_1057 = vector.shape_cast %parallel_loop3A_1056 : vector<1x16xf32> to vector<16xf32>
      %parallel_loop3A_1058 = vector.shape_cast %parallel_loop3A_1053 : vector<16xf32> to vector<1x16xf32>
      tpu.vector_store %arg9[%parallel_loop3A_1054, %parallel_loop3A_1055], %parallel_loop3A_1058 {add = true, strides = array<i32>} : memref<64x128xf32, #tpu.memory_space<vmem>>, vector<1x16xf32>,
      %parallel_loop3A_1059 = arith.index_cast %parallel_loop3A_1031 : i32 to index
      %parallel_loop3A_1060 = arith.constant 48 : index
      %parallel_loop3A_1061 = tpu.vector_load %arg7[%parallel_loop3A_1059, %parallel_loop3A_1060] {strides = array<i32>} : memref<64x128xf32, #tpu.memory_space<vmem>>, vector<1x16xf32>,
      %parallel_loop3A_1062 = vector.shape_cast %parallel_loop3A_1061 : vector<1x16xf32> to vector<16xf32>
      %parallel_loop3A_1063 = arith.index_cast %parallel_loop3A_1031 : i32 to index
      %parallel_loop3A_1064 = arith.constant 48 : index
      %parallel_loop3A_1065 = tpu.vector_load %arg9[%parallel_loop3A_1063, %parallel_loop3A_1064] {strides = array<i32>} : memref<64x128xf32, #tpu.memory_space<vmem>>, vector<1x16xf32>,
      %parallel_loop3A_1066 = vector.shape_cast %parallel_loop3A_1065 : vector<1x16xf32> to vector<16xf32>
      %parallel_loop3A_1067 = vector.shape_cast %parallel_loop3A_1062 : vector<16xf32> to vector<1x16xf32>
      tpu.vector_store %arg9[%parallel_loop3A_1063, %parallel_loop3A_1064], %parallel_loop3A_1067 {add = true, strides = array<i32>} : memref<64x128xf32, #tpu.memory_space<vmem>>, vector<1x16xf32>,
      %parallel_loop3A_1068 = arith.index_cast %parallel_loop3A_1031 : i32 to index
      %parallel_loop3A_1069 = arith.constant 64 : index
      %parallel_loop3A_1070 = tpu.vector_load %arg7[%parallel_loop3A_1068, %parallel_loop3A_1069] {strides = array<i32>} : memref<64x128xf32, #tpu.memory_space<vmem>>, vector<1x16xf32>,
      %parallel_loop3A_1071 = vector.shape_cast %parallel_loop3A_1070 : vector<1x16xf32> to vector<16xf32>
      %parallel_loop3A_1072 = arith.index_cast %parallel_loop3A_1031 : i32 to index
      %parallel_loop3A_1073 = arith.constant 64 : index
      %parallel_loop3A_1074 = tpu.vector_load %arg9[%parallel_loop3A_1072, %parallel_loop3A_1073] {strides = array<i32>} : memref<64x128xf32, #tpu.memory_space<vmem>>, vector<1x16xf32>,
      %parallel_loop3A_1075 = vector.shape_cast %parallel_loop3A_1074 : vector<1x16xf32> to vector<16xf32>
      %parallel_loop3A_1076 = vector.shape_cast %parallel_loop3A_1071 : vector<16xf32> to vector<1x16xf32>
      tpu.vector_store %arg9[%parallel_loop3A_1072, %parallel_loop3A_1073], %parallel_loop3A_1076 {add = true, strides = array<i32>} : memref<64x128xf32, #tpu.memory_space<vmem>>, vector<1x16xf32>,
      %parallel_loop3A_1077 = arith.index_cast %parallel_loop3A_1031 : i32 to index
      %parallel_loop3A_1078 = arith.constant 80 : index
      %parallel_loop3A_1079 = tpu.vector_load %arg7[%parallel_loop3A_1077, %parallel_loop3A_1078] {strides = array<i32>} : memref<64x128xf32, #tpu.memory_space<vmem>>, vector<1x16xf32>,
      %parallel_loop3A_1080 = vector.shape_cast %parallel_loop3A_1079 : vector<1x16xf32> to vector<16xf32>
      %parallel_loop3A_1081 = arith.index_cast %parallel_loop3A_1031 : i32 to index
      %parallel_loop3A_1082 = arith.constant 80 : index
      %parallel_loop3A_1083 = tpu.vector_load %arg9[%parallel_loop3A_1081, %parallel_loop3A_1082] {strides = array<i32>} : memref<64x128xf32, #tpu.memory_space<vmem>>, vector<1x16xf32>,
      %parallel_loop3A_1084 = vector.shape_cast %parallel_loop3A_1083 : vector<1x16xf32> to vector<16xf32>
      %parallel_loop3A_1085 = vector.shape_cast %parallel_loop3A_1080 : vector<16xf32> to vector<1x16xf32>
      tpu.vector_store %arg9[%parallel_loop3A_1081, %parallel_loop3A_1082], %parallel_loop3A_1085 {add = true, strides = array<i32>} : memref<64x128xf32, #tpu.memory_space<vmem>>, vector<1x16xf32>,
      %parallel_loop3A_1086 = arith.index_cast %parallel_loop3A_1031 : i32 to index
      %parallel_loop3A_1087 = arith.constant 96 : index
      %parallel_loop3A_1088 = tpu.vector_load %arg7[%parallel_loop3A_1086, %parallel_loop3A_1087] {strides = array<i32>} : memref<64x128xf32, #tpu.memory_space<vmem>>, vector<1x16xf32>,
      %parallel_loop3A_1089 = vector.shape_cast %parallel_loop3A_1088 : vector<1x16xf32> to vector<16xf32>
      %parallel_loop3A_1090 = arith.index_cast %parallel_loop3A_1031 : i32 to index
      %parallel_loop3A_1091 = arith.constant 96 : index
      %parallel_loop3A_1092 = tpu.vector_load %arg9[%parallel_loop3A_1090, %parallel_loop3A_1091] {strides = array<i32>} : memref<64x128xf32, #tpu.memory_space<vmem>>, vector<1x16xf32>,
      %parallel_loop3A_1093 = vector.shape_cast %parallel_loop3A_1092 : vector<1x16xf32> to vector<16xf32>
      %parallel_loop3A_1094 = vector.shape_cast %parallel_loop3A_1089 : vector<16xf32> to vector<1x16xf32>
      tpu.vector_store %arg9[%parallel_loop3A_1090, %parallel_loop3A_1091], %parallel_loop3A_1094 {add = true, strides = array<i32>} : memref<64x128xf32, #tpu.memory_space<vmem>>, vector<1x16xf32>,
      %parallel_loop3A_1095 = arith.index_cast %parallel_loop3A_1031 : i32 to index
      %parallel_loop3A_1096 = arith.constant 112 : index
      %parallel_loop3A_1097 = tpu.vector_load %arg7[%parallel_loop3A_1095, %parallel_loop3A_1096] {strides = array<i32>} : memref<64x128xf32, #tpu.memory_space<vmem>>, vector<1x16xf32>,
      %parallel_loop3A_1098 = vector.shape_cast %parallel_loop3A_1097 : vector<1x16xf32> to vector<16xf32>
      %parallel_loop3A_1099 = arith.index_cast %parallel_loop3A_1031 : i32 to index
      %parallel_loop3A_1100 = arith.constant 112 : index
      %parallel_loop3A_1101 = tpu.vector_load %arg9[%parallel_loop3A_1099, %parallel_loop3A_1100] {strides = array<i32>} : memref<64x128xf32, #tpu.memory_space<vmem>>, vector<1x16xf32>,
      %parallel_loop3A_1102 = vector.shape_cast %parallel_loop3A_1101 : vector<1x16xf32> to vector<16xf32>
      %parallel_loop3A_1103 = vector.shape_cast %parallel_loop3A_1098 : vector<16xf32> to vector<1x16xf32>
      tpu.vector_store %arg9[%parallel_loop3A_1099, %parallel_loop3A_1100], %parallel_loop3A_1103 {add = true, strides = array<i32>} : memref<64x128xf32, #tpu.memory_space<vmem>>, vector<1x16xf32>,
    } {sc.loop_unroll_factor = 2 : i64, sc.parallel_access}
    %add3A_962 = arith.constant 2048 : i32
    %add3A_963 = arith.addi %add3A_962, %add3A : i32
    %dma_start3A_964 = arith.constant 0 : i32
    %dma_start3A_965 = tpu.memref_slice %arg5[%add3A_963, %dma_start3A_964] : memref<131072x128xf32, #tpu.memory_space<hbm>> -> memref<64x128xf32, #tpu.memory_space<hbm>>
    %dma_start3A_966 = arith.constant 0 : i32
    %dma_start3A_967 = tpu.memref_slice %arg5[%add3A_963, %dma_start3A_966] : memref<131072x128xf32, #tpu.memory_space<hbm>> -> memref<64x128xf32, #tpu.memory_space<hbm>>
    tpu.enqueue_dma source(%arg9 : memref<64x128xf32, #tpu.memory_space<vmem>>) target(%dma_start3A_967 : memref<64x128xf32, #tpu.memory_space<hbm>>) target_semaphore(%arg18 : memref<!tpu.dma_semaphore, #tpu.memory_space<semaphore_mem>>)
    %scan3A = arith.constant 0 : i32
    %scan3A_968 = arith.constant 1 : i32
    %scan3A_969 = arith.constant 15 : i32
    %scan3A_970 = arith.addi %scan3A_968, %scan3A_969 : i32
    %scan3A_971 = arith.constant 1 : i32
    scf.for %scan3A_1031 = %scan3A_968 to %scan3A_970 step %scan3A_971  : i32 {
      %mul3A_1032 = arith.constant 4 : i32
      %mul3A_1033 = arith.muli %mul3A_1032, %scan3A_1031 : i32
      %add3A_1034 = arith.constant 0 : i32
      %add3A_1035 = arith.addi %mul3A_1033, %add3A_1034 : i32
      %sub3A = arith.constant 4 : i32
      %sub3A_1036 = arith.subi %add3A_1035, %sub3A : i32
      %mul3A_1037 = arith.constant 2048 : i32
      %mul3A_1038 = arith.muli %sub3A_1036, %mul3A_1037 : i32
      %add3A_1039 = arith.addi %mul3A_1038, %add3A : i32
      %dma_wait3A_1040 = arith.constant 0 : i32
      %dma_wait3A_1041 = tpu.memref_slice %arg5[%add3A_1039, %dma_wait3A_1040] : memref<131072x128xf32, #tpu.memory_space<hbm>> -> memref<64x128xf32, #tpu.memory_space<hbm>>
      %dma_wait3A_1042 = arith.constant 0 : i32
      %dma_wait3A_1043 = tpu.memref_slice %arg5[%add3A_1039, %dma_wait3A_1042] : memref<131072x128xf32, #tpu.memory_space<hbm>> -> memref<64x128xf32, #tpu.memory_space<hbm>>
      tpu.wait_dma2 semaphore(%arg17 : memref<!tpu.dma_semaphore, #tpu.memory_space<semaphore_mem>>) src(%arg8 : memref<64x128xf32, #tpu.memory_space<vmem>>) dst(%dma_wait3A_1043 : memref<64x128xf32, #tpu.memory_space<hbm>>)
      %mul3A_1044 = arith.constant 64 : i32
      %mul3A_1045 = arith.muli %arg0, %mul3A_1044 : i32
      %dma_start3A_1046 = tpu.memref_slice %arg6[%add3A_1035, %mul3A_1045] : memref<64x128xi32, #tpu.memory_space<vmem>> -> memref<1x64xi32, #tpu.memory_space<vmem>>
      %dma_start3A_1047 = tpu.memref_squeeze %dma_start3A_1046 : memref<1x64xi32, #tpu.memory_space<vmem>> -> memref<64xi32, #tpu.memory_space<vmem>>
      %dma_start3A_1048 = arith.constant 0 : i32
      %dma_start3A_1049 = arith.constant 0 : i32
      %dma_start3A_1050 = tpu.memref_slice %arg3[%dma_start3A_1048, %dma_start3A_1049] : memref<100000x128xf32, #tpu.memory_space<hbm>> -> memref<100000x128xf32, #tpu.memory_space<hbm>>
      tpu.enqueue_indirect_dma source(%dma_start3A_1050 : memref<100000x128xf32, #tpu.memory_space<hbm>>) target(%arg8 : memref<64x128xf32, #tpu.memory_space<vmem>>) offsets(%dma_start3A_1047 : memref<64xi32, #tpu.memory_space<vmem>>) semaphore(%arg13 : memref<!tpu.dma_semaphore, #tpu.memory_space<semaphore_mem>>)
      %sub3A_1051 = arith.constant 2 : i32
      %sub3A_1052 = arith.subi %add3A_1035, %sub3A_1051 : i32
      %mul3A_1053 = arith.constant 64 : i32
      %mul3A_1054 = arith.muli %arg0, %mul3A_1053 : i32
      %dma_wait3A_1055 = tpu.memref_slice %arg6[%sub3A_1052, %mul3A_1054] : memref<64x128xi32, #tpu.memory_space<vmem>> -> memref<1x64xi32, #tpu.memory_space<vmem>>
      %dma_wait3A_1056 = tpu.memref_squeeze %dma_wait3A_1055 : memref<1x64xi32, #tpu.memory_space<vmem>> -> memref<64xi32, #tpu.memory_space<vmem>>
      %dma_wait3A_1057 = arith.constant 0 : i32
      %dma_wait3A_1058 = arith.constant 0 : i32
      %dma_wait3A_1059 = tpu.memref_slice %arg3[%dma_wait3A_1057, %dma_wait3A_1058] : memref<100000x128xf32, #tpu.memory_space<hbm>> -> memref<100000x128xf32, #tpu.memory_space<hbm>>
      tpu.wait_indirect_dma semaphore(%arg15 : memref<!tpu.dma_semaphore, #tpu.memory_space<semaphore_mem>>) src(%dma_wait3A_1059 : memref<100000x128xf32, #tpu.memory_space<hbm>>) dst(%arg10 : memref<64x128xf32, #tpu.memory_space<vmem>>)
      %parallel_loop3A_1060 = arith.constant 0 : i32
      %parallel_loop3A_1061 = arith.constant 64 : i32
      %parallel_loop3A_1062 = arith.constant 1 : i32
      scf.for %parallel_loop3A_1187 = %parallel_loop3A_1060 to %parallel_loop3A_1061 step %parallel_loop3A_1062  : i32 {
        %parallel_loop3A_1188 = arith.index_cast %parallel_loop3A_1187 : i32 to index
        %parallel_loop3A_1189 = arith.constant 0 : index
        %parallel_loop3A_1190 = tpu.vector_load %arg7[%parallel_loop3A_1188, %parallel_loop3A_1189] {strides = array<i32>} : memref<64x128xf32, #tpu.memory_space<vmem>>, vector<1x16xf32>,
        %parallel_loop3A_1191 = vector.shape_cast %parallel_loop3A_1190 : vector<1x16xf32> to vector<16xf32>
        %parallel_loop3A_1192 = arith.index_cast %parallel_loop3A_1187 : i32 to index
        %parallel_loop3A_1193 = arith.constant 0 : index
        %parallel_loop3A_1194 = tpu.vector_load %arg10[%parallel_loop3A_1192, %parallel_loop3A_1193] {strides = array<i32>} : memref<64x128xf32, #tpu.memory_space<vmem>>, vector<1x16xf32>,
        %parallel_loop3A_1195 = vector.shape_cast %parallel_loop3A_1194 : vector<1x16xf32> to vector<16xf32>
        %parallel_loop3A_1196 = vector.shape_cast %parallel_loop3A_1191 : vector<16xf32> to vector<1x16xf32>
        tpu.vector_store %arg10[%parallel_loop3A_1192, %parallel_loop3A_1193], %parallel_loop3A_1196 {add = true, strides = array<i32>} : memref<64x128xf32, #tpu.memory_space<vmem>>, vector<1x16xf32>,
        %parallel_loop3A_1197 = arith.index_cast %parallel_loop3A_1187 : i32 to index
        %parallel_loop3A_1198 = arith.constant 16 : index
        %parallel_loop3A_1199 = tpu.vector_load %arg7[%parallel_loop3A_1197, %parallel_loop3A_1198] {strides = array<i32>} : memref<64x128xf32, #tpu.memory_space<vmem>>, vector<1x16xf32>,
        %parallel_loop3A_1200 = vector.shape_cast %parallel_loop3A_1199 : vector<1x16xf32> to vector<16xf32>
        %parallel_loop3A_1201 = arith.index_cast %parallel_loop3A_1187 : i32 to index
        %parallel_loop3A_1202 = arith.constant 16 : index
        %parallel_loop3A_1203 = tpu.vector_load %arg10[%parallel_loop3A_1201, %parallel_loop3A_1202] {strides = array<i32>} : memref<64x128xf32, #tpu.memory_space<vmem>>, vector<1x16xf32>,
        %parallel_loop3A_1204 = vector.shape_cast %parallel_loop3A_1203 : vector<1x16xf32> to vector<16xf32>
        %parallel_loop3A_1205 = vector.shape_cast %parallel_loop3A_1200 : vector<16xf32> to vector<1x16xf32>
        tpu.vector_store %arg10[%parallel_loop3A_1201, %parallel_loop3A_1202], %parallel_loop3A_1205 {add = true, strides = array<i32>} : memref<64x128xf32, #tpu.memory_space<vmem>>, vector<1x16xf32>,
        %parallel_loop3A_1206 = arith.index_cast %parallel_loop3A_1187 : i32 to index
        %parallel_loop3A_1207 = arith.constant 32 : index
        %parallel_loop3A_1208 = tpu.vector_load %arg7[%parallel_loop3A_1206, %parallel_loop3A_1207] {strides = array<i32>} : memref<64x128xf32, #tpu.memory_space<vmem>>, vector<1x16xf32>,
        %parallel_loop3A_1209 = vector.shape_cast %parallel_loop3A_1208 : vector<1x16xf32> to vector<16xf32>
        %parallel_loop3A_1210 = arith.index_cast %parallel_loop3A_1187 : i32 to index
        %parallel_loop3A_1211 = arith.constant 32 : index
        %parallel_loop3A_1212 = tpu.vector_load %arg10[%parallel_loop3A_1210, %parallel_loop3A_1211] {strides = array<i32>} : memref<64x128xf32, #tpu.memory_space<vmem>>, vector<1x16xf32>,
        %parallel_loop3A_1213 = vector.shape_cast %parallel_loop3A_1212 : vector<1x16xf32> to vector<16xf32>
        %parallel_loop3A_1214 = vector.shape_cast %parallel_loop3A_1209 : vector<16xf32> to vector<1x16xf32>
        tpu.vector_store %arg10[%parallel_loop3A_1210, %parallel_loop3A_1211], %parallel_loop3A_1214 {add = true, strides = array<i32>} : memref<64x128xf32, #tpu.memory_space<vmem>>, vector<1x16xf32>,
        %parallel_loop3A_1215 = arith.index_cast %parallel_loop3A_1187 : i32 to index
        %parallel_loop3A_1216 = arith.constant 48 : index
        %parallel_loop3A_1217 = tpu.vector_load %arg7[%parallel_loop3A_1215, %parallel_loop3A_1216] {strides = array<i32>} : memref<64x128xf32, #tpu.memory_space<vmem>>, vector<1x16xf32>,
        %parallel_loop3A_1218 = vector.shape_cast %parallel_loop3A_1217 : vector<1x16xf32> to vector<16xf32>
        %parallel_loop3A_1219 = arith.index_cast %parallel_loop3A_1187 : i32 to index
        %parallel_loop3A_1220 = arith.constant 48 : index
        %parallel_loop3A_1221 = tpu.vector_load %arg10[%parallel_loop3A_1219, %parallel_loop3A_1220] {strides = array<i32>} : memref<64x128xf32, #tpu.memory_space<vmem>>, vector<1x16xf32>,
        %parallel_loop3A_1222 = vector.shape_cast %parallel_loop3A_1221 : vector<1x16xf32> to vector<16xf32>
        %parallel_loop3A_1223 = vector.shape_cast %parallel_loop3A_1218 : vector<16xf32> to vector<1x16xf32>
        tpu.vector_store %arg10[%parallel_loop3A_1219, %parallel_loop3A_1220], %parallel_loop3A_1223 {add = true, strides = array<i32>} : memref<64x128xf32, #tpu.memory_space<vmem>>, vector<1x16xf32>,
        %parallel_loop3A_1224 = arith.index_cast %parallel_loop3A_1187 : i32 to index
        %parallel_loop3A_1225 = arith.constant 64 : index
        %parallel_loop3A_1226 = tpu.vector_load %arg7[%parallel_loop3A_1224, %parallel_loop3A_1225] {strides = array<i32>} : memref<64x128xf32, #tpu.memory_space<vmem>>, vector<1x16xf32>,
        %parallel_loop3A_1227 = vector.shape_cast %parallel_loop3A_1226 : vector<1x16xf32> to vector<16xf32>
        %parallel_loop3A_1228 = arith.index_cast %parallel_loop3A_1187 : i32 to index
        %parallel_loop3A_1229 = arith.constant 64 : index
        %parallel_loop3A_1230 = tpu.vector_load %arg10[%parallel_loop3A_1228, %parallel_loop3A_1229] {strides = array<i32>} : memref<64x128xf32, #tpu.memory_space<vmem>>, vector<1x16xf32>,
        %parallel_loop3A_1231 = vector.shape_cast %parallel_loop3A_1230 : vector<1x16xf32> to vector<16xf32>
        %parallel_loop3A_1232 = vector.shape_cast %parallel_loop3A_1227 : vector<16xf32> to vector<1x16xf32>
        tpu.vector_store %arg10[%parallel_loop3A_1228, %parallel_loop3A_1229], %parallel_loop3A_1232 {add = true, strides = array<i32>} : memref<64x128xf32, #tpu.memory_space<vmem>>, vector<1x16xf32>,
        %parallel_loop3A_1233 = arith.index_cast %parallel_loop3A_1187 : i32 to index
        %parallel_loop3A_1234 = arith.constant 80 : index
        %parallel_loop3A_1235 = tpu.vector_load %arg7[%parallel_loop3A_1233, %parallel_loop3A_1234] {strides = array<i32>} : memref<64x128xf32, #tpu.memory_space<vmem>>, vector<1x16xf32>,
        %parallel_loop3A_1236 = vector.shape_cast %parallel_loop3A_1235 : vector<1x16xf32> to vector<16xf32>
        %parallel_loop3A_1237 = arith.index_cast %parallel_loop3A_1187 : i32 to index
        %parallel_loop3A_1238 = arith.constant 80 : index
        %parallel_loop3A_1239 = tpu.vector_load %arg10[%parallel_loop3A_1237, %parallel_loop3A_1238] {strides = array<i32>} : memref<64x128xf32, #tpu.memory_space<vmem>>, vector<1x16xf32>,
        %parallel_loop3A_1240 = vector.shape_cast %parallel_loop3A_1239 : vector<1x16xf32> to vector<16xf32>
        %parallel_loop3A_1241 = vector.shape_cast %parallel_loop3A_1236 : vector<16xf32> to vector<1x16xf32>
        tpu.vector_store %arg10[%parallel_loop3A_1237, %parallel_loop3A_1238], %parallel_loop3A_1241 {add = true, strides = array<i32>} : memref<64x128xf32, #tpu.memory_space<vmem>>, vector<1x16xf32>,
        %parallel_loop3A_1242 = arith.index_cast %parallel_loop3A_1187 : i32 to index
        %parallel_loop3A_1243 = arith.constant 96 : index
        %parallel_loop3A_1244 = tpu.vector_load %arg7[%parallel_loop3A_1242, %parallel_loop3A_1243] {strides = array<i32>} : memref<64x128xf32, #tpu.memory_space<vmem>>, vector<1x16xf32>,
        %parallel_loop3A_1245 = vector.shape_cast %parallel_loop3A_1244 : vector<1x16xf32> to vector<16xf32>
        %parallel_loop3A_1246 = arith.index_cast %parallel_loop3A_1187 : i32 to index
        %parallel_loop3A_1247 = arith.constant 96 : index
        %parallel_loop3A_1248 = tpu.vector_load %arg10[%parallel_loop3A_1246, %parallel_loop3A_1247] {strides = array<i32>} : memref<64x128xf32, #tpu.memory_space<vmem>>, vector<1x16xf32>,
        %parallel_loop3A_1249 = vector.shape_cast %parallel_loop3A_1248 : vector<1x16xf32> to vector<16xf32>
        %parallel_loop3A_1250 = vector.shape_cast %parallel_loop3A_1245 : vector<16xf32> to vector<1x16xf32>
        tpu.vector_store %arg10[%parallel_loop3A_1246, %parallel_loop3A_1247], %parallel_loop3A_1250 {add = true, strides = array<i32>} : memref<64x128xf32, #tpu.memory_space<vmem>>, vector<1x16xf32>,
        %parallel_loop3A_1251 = arith.index_cast %parallel_loop3A_1187 : i32 to index
        %parallel_loop3A_1252 = arith.constant 112 : index
        %parallel_loop3A_1253 = tpu.vector_load %arg7[%parallel_loop3A_1251, %parallel_loop3A_1252] {strides = array<i32>} : memref<64x128xf32, #tpu.memory_space<vmem>>, vector<1x16xf32>,
        %parallel_loop3A_1254 = vector.shape_cast %parallel_loop3A_1253 : vector<1x16xf32> to vector<16xf32>
        %parallel_loop3A_1255 = arith.index_cast %parallel_loop3A_1187 : i32 to index
        %parallel_loop3A_1256 = arith.constant 112 : index
        %parallel_loop3A_1257 = tpu.vector_load %arg10[%parallel_loop3A_1255, %parallel_loop3A_1256] {strides = array<i32>} : memref<64x128xf32, #tpu.memory_space<vmem>>, vector<1x16xf32>,
        %parallel_loop3A_1258 = vector.shape_cast %parallel_loop3A_1257 : vector<1x16xf32> to vector<16xf32>
        %parallel_loop3A_1259 = vector.shape_cast %parallel_loop3A_1254 : vector<16xf32> to vector<1x16xf32>
        tpu.vector_store %arg10[%parallel_loop3A_1255, %parallel_loop3A_1256], %parallel_loop3A_1259 {add = true, strides = array<i32>} : memref<64x128xf32, #tpu.memory_space<vmem>>, vector<1x16xf32>,
      } {sc.loop_unroll_factor = 2 : i64, sc.parallel_access}
      %mul3A_1063 = arith.constant 2048 : i32
      %mul3A_1064 = arith.muli %sub3A_1052, %mul3A_1063 : i32
      %add3A_1065 = arith.addi %mul3A_1064, %add3A : i32
      %dma_start3A_1066 = arith.constant 0 : i32
      %dma_start3A_1067 = tpu.memref_slice %arg5[%add3A_1065, %dma_start3A_1066] : memref<131072x128xf32, #tpu.memory_space<hbm>> -> memref<64x128xf32, #tpu.memory_space<hbm>>
      %dma_start3A_1068 = arith.constant 0 : i32
      %dma_start3A_1069 = tpu.memref_slice %arg5[%add3A_1065, %dma_start3A_1068] : memref<131072x128xf32, #tpu.memory_space<hbm>> -> memref<64x128xf32, #tpu.memory_space<hbm>>
      tpu.enqueue_dma source(%arg10 : memref<64x128xf32, #tpu.memory_space<vmem>>) target(%dma_start3A_1069 : memref<64x128xf32, #tpu.memory_space<hbm>>) target_semaphore(%arg19 : memref<!tpu.dma_semaphore, #tpu.memory_space<semaphore_mem>>)
      %mul3A_1070 = arith.constant 4 : i32
      %mul3A_1071 = arith.muli %mul3A_1070, %scan3A_1031 : i32
      %add3A_1072 = arith.constant 1 : i32
      %add3A_1073 = arith.addi %mul3A_1071, %add3A_1072 : i32
      %sub3A_1074 = arith.constant 4 : i32
      %sub3A_1075 = arith.subi %add3A_1073, %sub3A_1074 : i32
      %mul3A_1076 = arith.constant 2048 : i32
      %mul3A_1077 = arith.muli %sub3A_1075, %mul3A_1076 : i32
      %add3A_1078 = arith.addi %mul3A_1077, %add3A : i32
      %dma_wait3A_1079 = arith.constant 0 : i32
      %dma_wait3A_1080 = tpu.memref_slice %arg5[%add3A_1078, %dma_wait3A_1079] : memref<131072x128xf32, #tpu.memory_space<hbm>> -> memref<64x128xf32, #tpu.memory_space<hbm>>
      %dma_wait3A_1081 = arith.constant 0 : i32
      %dma_wait3A_1082 = tpu.memref_slice %arg5[%add3A_1078, %dma_wait3A_1081] : memref<131072x128xf32, #tpu.memory_space<hbm>> -> memref<64x128xf32, #tpu.memory_space<hbm>>
      tpu.wait_dma2 semaphore(%arg18 : memref<!tpu.dma_semaphore, #tpu.memory_space<semaphore_mem>>) src(%arg9 : memref<64x128xf32, #tpu.memory_space<vmem>>) dst(%dma_wait3A_1082 : memref<64x128xf32, #tpu.memory_space<hbm>>)
      %mul3A_1083 = arith.constant 64 : i32
      %mul3A_1084 = arith.muli %arg0, %mul3A_1083 : i32
      %dma_start3A_1085 = tpu.memref_slice %arg6[%add3A_1073, %mul3A_1084] : memref<64x128xi32, #tpu.memory_space<vmem>> -> memref<1x64xi32, #tpu.memory_space<vmem>>
      %dma_start3A_1086 = tpu.memref_squeeze %dma_start3A_1085 : memref<1x64xi32, #tpu.memory_space<vmem>> -> memref<64xi32, #tpu.memory_space<vmem>>
      %dma_start3A_1087 = arith.constant 0 : i32
      %dma_start3A_1088 = arith.constant 0 : i32
      %dma_start3A_1089 = tpu.memref_slice %arg3[%dma_start3A_1087, %dma_start3A_1088] : memref<100000x128xf32, #tpu.memory_space<hbm>> -> memref<100000x128xf32, #tpu.memory_space<hbm>>
      tpu.enqueue_indirect_dma source(%dma_start3A_1089 : memref<100000x128xf32, #tpu.memory_space<hbm>>) target(%arg9 : memref<64x128xf32, #tpu.memory_space<vmem>>) offsets(%dma_start3A_1086 : memref<64xi32, #tpu.memory_space<vmem>>) semaphore(%arg14 : memref<!tpu.dma_semaphore, #tpu.memory_space<semaphore_mem>>)
      %sub3A_1090 = arith.constant 2 : i32
      %sub3A_1091 = arith.subi %add3A_1073, %sub3A_1090 : i32
      %mul3A_1092 = arith.constant 64 : i32
      %mul3A_1093 = arith.muli %arg0, %mul3A_1092 : i32
      %dma_wait3A_1094 = tpu.memref_slice %arg6[%sub3A_1091, %mul3A_1093] : memref<64x128xi32, #tpu.memory_space<vmem>> -> memref<1x64xi32, #tpu.memory_space<vmem>>
      %dma_wait3A_1095 = tpu.memref_squeeze %dma_wait3A_1094 : memref<1x64xi32, #tpu.memory_space<vmem>> -> memref<64xi32, #tpu.memory_space<vmem>>
      %dma_wait3A_1096 = arith.constant 0 : i32
      %dma_wait3A_1097 = arith.constant 0 : i32
      %dma_wait3A_1098 = tpu.memref_slice %arg3[%dma_wait3A_1096, %dma_wait3A_1097] : memref<100000x128xf32, #tpu.memory_space<hbm>> -> memref<100000x128xf32, #tpu.memory_space<hbm>>
      tpu.wait_indirect_dma semaphore(%arg16 : memref<!tpu.dma_semaphore, #tpu.memory_space<semaphore_mem>>) src(%dma_wait3A_1098 : memref<100000x128xf32, #tpu.memory_space<hbm>>) dst(%arg11 : memref<64x128xf32, #tpu.memory_space<vmem>>)
      %parallel_loop3A_1099 = arith.constant 0 : i32
      %parallel_loop3A_1100 = arith.constant 64 : i32
      %parallel_loop3A_1101 = arith.constant 1 : i32
      scf.for %parallel_loop3A_1187 = %parallel_loop3A_1099 to %parallel_loop3A_1100 step %parallel_loop3A_1101  : i32 {
        %parallel_loop3A_1188 = arith.index_cast %parallel_loop3A_1187 : i32 to index
        %parallel_loop3A_1189 = arith.constant 0 : index
        %parallel_loop3A_1190 = tpu.vector_load %arg7[%parallel_loop3A_1188, %parallel_loop3A_1189] {strides = array<i32>} : memref<64x128xf32, #tpu.memory_space<vmem>>, vector<1x16xf32>,
        %parallel_loop3A_1191 = vector.shape_cast %parallel_loop3A_1190 : vector<1x16xf32> to vector<16xf32>
        %parallel_loop3A_1192 = arith.index_cast %parallel_loop3A_1187 : i32 to index
        %parallel_loop3A_1193 = arith.constant 0 : index
        %parallel_loop3A_1194 = tpu.vector_load %arg11[%parallel_loop3A_1192, %parallel_loop3A_1193] {strides = array<i32>} : memref<64x128xf32, #tpu.memory_space<vmem>>, vector<1x16xf32>,
        %parallel_loop3A_1195 = vector.shape_cast %parallel_loop3A_1194 : vector<1x16xf32> to vector<16xf32>
        %parallel_loop3A_1196 = vector.shape_cast %parallel_loop3A_1191 : vector<16xf32> to vector<1x16xf32>
        tpu.vector_store %arg11[%parallel_loop3A_1192, %parallel_loop3A_1193], %parallel_loop3A_1196 {add = true, strides = array<i32>} : memref<64x128xf32, #tpu.memory_space<vmem>>, vector<1x16xf32>,
        %parallel_loop3A_1197 = arith.index_cast %parallel_loop3A_1187 : i32 to index
        %parallel_loop3A_1198 = arith.constant 16 : index
        %parallel_loop3A_1199 = tpu.vector_load %arg7[%parallel_loop3A_1197, %parallel_loop3A_1198] {strides = array<i32>} : memref<64x128xf32, #tpu.memory_space<vmem>>, vector<1x16xf32>,
        %parallel_loop3A_1200 = vector.shape_cast %parallel_loop3A_1199 : vector<1x16xf32> to vector<16xf32>
        %parallel_loop3A_1201 = arith.index_cast %parallel_loop3A_1187 : i32 to index
        %parallel_loop3A_1202 = arith.constant 16 : index
        %parallel_loop3A_1203 = tpu.vector_load %arg11[%parallel_loop3A_1201, %parallel_loop3A_1202] {strides = array<i32>} : memref<64x128xf32, #tpu.memory_space<vmem>>, vector<1x16xf32>,
        %parallel_loop3A_1204 = vector.shape_cast %parallel_loop3A_1203 : vector<1x16xf32> to vector<16xf32>
        %parallel_loop3A_1205 = vector.shape_cast %parallel_loop3A_1200 : vector<16xf32> to vector<1x16xf32>
        tpu.vector_store %arg11[%parallel_loop3A_1201, %parallel_loop3A_1202], %parallel_loop3A_1205 {add = true, strides = array<i32>} : memref<64x128xf32, #tpu.memory_space<vmem>>, vector<1x16xf32>,
        %parallel_loop3A_1206 = arith.index_cast %parallel_loop3A_1187 : i32 to index
        %parallel_loop3A_1207 = arith.constant 32 : index
        %parallel_loop3A_1208 = tpu.vector_load %arg7[%parallel_loop3A_1206, %parallel_loop3A_1207] {strides = array<i32>} : memref<64x128xf32, #tpu.memory_space<vmem>>, vector<1x16xf32>,
        %parallel_loop3A_1209 = vector.shape_cast %parallel_loop3A_1208 : vector<1x16xf32> to vector<16xf32>
        %parallel_loop3A_1210 = arith.index_cast %parallel_loop3A_1187 : i32 to index
        %parallel_loop3A_1211 = arith.constant 32 : index
        %parallel_loop3A_1212 = tpu.vector_load %arg11[%parallel_loop3A_1210, %parallel_loop3A_1211] {strides = array<i32>} : memref<64x128xf32, #tpu.memory_space<vmem>>, vector<1x16xf32>,
        %parallel_loop3A_1213 = vector.shape_cast %parallel_loop3A_1212 : vector<1x16xf32> to vector<16xf32>
        %parallel_loop3A_1214 = vector.shape_cast %parallel_loop3A_1209 : vector<16xf32> to vector<1x16xf32>
        tpu.vector_store %arg11[%parallel_loop3A_1210, %parallel_loop3A_1211], %parallel_loop3A_1214 {add = true, strides = array<i32>} : memref<64x128xf32, #tpu.memory_space<vmem>>, vector<1x16xf32>,
        %parallel_loop3A_1215 = arith.index_cast %parallel_loop3A_1187 : i32 to index
        %parallel_loop3A_1216 = arith.constant 48 : index
        %parallel_loop3A_1217 = tpu.vector_load %arg7[%parallel_loop3A_1215, %parallel_loop3A_1216] {strides = array<i32>} : memref<64x128xf32, #tpu.memory_space<vmem>>, vector<1x16xf32>,
        %parallel_loop3A_1218 = vector.shape_cast %parallel_loop3A_1217 : vector<1x16xf32> to vector<16xf32>
        %parallel_loop3A_1219 = arith.index_cast %parallel_loop3A_1187 : i32 to index
        %parallel_loop3A_1220 = arith.constant 48 : index
        %parallel_loop3A_1221 = tpu.vector_load %arg11[%parallel_loop3A_1219, %parallel_loop3A_1220] {strides = array<i32>} : memref<64x128xf32, #tpu.memory_space<vmem>>, vector<1x16xf32>,
        %parallel_loop3A_1222 = vector.shape_cast %parallel_loop3A_1221 : vector<1x16xf32> to vector<16xf32>
        %parallel_loop3A_1223 = vector.shape_cast %parallel_loop3A_1218 : vector<16xf32> to vector<1x16xf32>
        tpu.vector_store %arg11[%parallel_loop3A_1219, %parallel_loop3A_1220], %parallel_loop3A_1223 {add = true, strides = array<i32>} : memref<64x128xf32, #tpu.memory_space<vmem>>, vector<1x16xf32>,
        %parallel_loop3A_1224 = arith.index_cast %parallel_loop3A_1187 : i32 to index
        %parallel_loop3A_1225 = arith.constant 64 : index
        %parallel_loop3A_1226 = tpu.vector_load %arg7[%parallel_loop3A_1224, %parallel_loop3A_1225] {strides = array<i32>} : memref<64x128xf32, #tpu.memory_space<vmem>>, vector<1x16xf32>,
        %parallel_loop3A_1227 = vector.shape_cast %parallel_loop3A_1226 : vector<1x16xf32> to vector<16xf32>
        %parallel_loop3A_1228 = arith.index_cast %parallel_loop3A_1187 : i32 to index
        %parallel_loop3A_1229 = arith.constant 64 : index
        %parallel_loop3A_1230 = tpu.vector_load %arg11[%parallel_loop3A_1228, %parallel_loop3A_1229] {strides = array<i32>} : memref<64x128xf32, #tpu.memory_space<vmem>>, vector<1x16xf32>,
        %parallel_loop3A_1231 = vector.shape_cast %parallel_loop3A_1230 : vector<1x16xf32> to vector<16xf32>
        %parallel_loop3A_1232 = vector.shape_cast %parallel_loop3A_1227 : vector<16xf32> to vector<1x16xf32>
        tpu.vector_store %arg11[%parallel_loop3A_1228, %parallel_loop3A_1229], %parallel_loop3A_1232 {add = true, strides = array<i32>} : memref<64x128xf32, #tpu.memory_space<vmem>>, vector<1x16xf32>,
        %parallel_loop3A_1233 = arith.index_cast %parallel_loop3A_1187 : i32 to index
        %parallel_loop3A_1234 = arith.constant 80 : index
        %parallel_loop3A_1235 = tpu.vector_load %arg7[%parallel_loop3A_1233, %parallel_loop3A_1234] {strides = array<i32>} : memref<64x128xf32, #tpu.memory_space<vmem>>, vector<1x16xf32>,
        %parallel_loop3A_1236 = vector.shape_cast %parallel_loop3A_1235 : vector<1x16xf32> to vector<16xf32>
        %parallel_loop3A_1237 = arith.index_cast %parallel_loop3A_1187 : i32 to index
        %parallel_loop3A_1238 = arith.constant 80 : index
        %parallel_loop3A_1239 = tpu.vector_load %arg11[%parallel_loop3A_1237, %parallel_loop3A_1238] {strides = array<i32>} : memref<64x128xf32, #tpu.memory_space<vmem>>, vector<1x16xf32>,
        %parallel_loop3A_1240 = vector.shape_cast %parallel_loop3A_1239 : vector<1x16xf32> to vector<16xf32>
        %parallel_loop3A_1241 = vector.shape_cast %parallel_loop3A_1236 : vector<16xf32> to vector<1x16xf32>
        tpu.vector_store %arg11[%parallel_loop3A_1237, %parallel_loop3A_1238], %parallel_loop3A_1241 {add = true, strides = array<i32>} : memref<64x128xf32, #tpu.memory_space<vmem>>, vector<1x16xf32>,
        %parallel_loop3A_1242 = arith.index_cast %parallel_loop3A_1187 : i32 to index
        %parallel_loop3A_1243 = arith.constant 96 : index
        %parallel_loop3A_1244 = tpu.vector_load %arg7[%parallel_loop3A_1242, %parallel_loop3A_1243] {strides = array<i32>} : memref<64x128xf32, #tpu.memory_space<vmem>>, vector<1x16xf32>,
        %parallel_loop3A_1245 = vector.shape_cast %parallel_loop3A_1244 : vector<1x16xf32> to vector<16xf32>
        %parallel_loop3A_1246 = arith.index_cast %parallel_loop3A_1187 : i32 to index
        %parallel_loop3A_1247 = arith.constant 96 : index
        %parallel_loop3A_1248 = tpu.vector_load %arg11[%parallel_loop3A_1246, %parallel_loop3A_1247] {strides = array<i32>} : memref<64x128xf32, #tpu.memory_space<vmem>>, vector<1x16xf32>,
        %parallel_loop3A_1249 = vector.shape_cast %parallel_loop3A_1248 : vector<1x16xf32> to vector<16xf32>
        %parallel_loop3A_1250 = vector.shape_cast %parallel_loop3A_1245 : vector<16xf32> to vector<1x16xf32>
        tpu.vector_store %arg11[%parallel_loop3A_1246, %parallel_loop3A_1247], %parallel_loop3A_1250 {add = true, strides = array<i32>} : memref<64x128xf32, #tpu.memory_space<vmem>>, vector<1x16xf32>,
        %parallel_loop3A_1251 = arith.index_cast %parallel_loop3A_1187 : i32 to index
        %parallel_loop3A_1252 = arith.constant 112 : index
        %parallel_loop3A_1253 = tpu.vector_load %arg7[%parallel_loop3A_1251, %parallel_loop3A_1252] {strides = array<i32>} : memref<64x128xf32, #tpu.memory_space<vmem>>, vector<1x16xf32>,
        %parallel_loop3A_1254 = vector.shape_cast %parallel_loop3A_1253 : vector<1x16xf32> to vector<16xf32>
        %parallel_loop3A_1255 = arith.index_cast %parallel_loop3A_1187 : i32 to index
        %parallel_loop3A_1256 = arith.constant 112 : index
        %parallel_loop3A_1257 = tpu.vector_load %arg11[%parallel_loop3A_1255, %parallel_loop3A_1256] {strides = array<i32>} : memref<64x128xf32, #tpu.memory_space<vmem>>, vector<1x16xf32>,
        %parallel_loop3A_1258 = vector.shape_cast %parallel_loop3A_1257 : vector<1x16xf32> to vector<16xf32>
        %parallel_loop3A_1259 = vector.shape_cast %parallel_loop3A_1254 : vector<16xf32> to vector<1x16xf32>
        tpu.vector_store %arg11[%parallel_loop3A_1255, %parallel_loop3A_1256], %parallel_loop3A_1259 {add = true, strides = array<i32>} : memref<64x128xf32, #tpu.memory_space<vmem>>, vector<1x16xf32>,
      } {sc.loop_unroll_factor = 2 : i64, sc.parallel_access}
      %mul3A_1102 = arith.constant 2048 : i32
      %mul3A_1103 = arith.muli %sub3A_1091, %mul3A_1102 : i32
      %add3A_1104 = arith.addi %mul3A_1103, %add3A : i32
      %dma_start3A_1105 = arith.constant 0 : i32
      %dma_start3A_1106 = tpu.memref_slice %arg5[%add3A_1104, %dma_start3A_1105] : memref<131072x128xf32, #tpu.memory_space<hbm>> -> memref<64x128xf32, #tpu.memory_space<hbm>>
      %dma_start3A_1107 = arith.constant 0 : i32
      %dma_start3A_1108 = tpu.memref_slice %arg5[%add3A_1104, %dma_start3A_1107] : memref<131072x128xf32, #tpu.memory_space<hbm>> -> memref<64x128xf32, #tpu.memory_space<hbm>>
      tpu.enqueue_dma source(%arg11 : memref<64x128xf32, #tpu.memory_space<vmem>>) target(%dma_start3A_1108 : memref<64x128xf32, #tpu.memory_space<hbm>>) target_semaphore(%arg20 : memref<!tpu.dma_semaphore, #tpu.memory_space<semaphore_mem>>)
      %mul3A_1109 = arith.constant 4 : i32
      %mul3A_1110 = arith.muli %mul3A_1109, %scan3A_1031 : i32
      %add3A_1111 = arith.constant 2 : i32
      %add3A_1112 = arith.addi %mul3A_1110, %add3A_1111 : i32
      %sub3A_1113 = arith.constant 4 : i32
      %sub3A_1114 = arith.subi %add3A_1112, %sub3A_1113 : i32
      %mul3A_1115 = arith.constant 2048 : i32
      %mul3A_1116 = arith.muli %sub3A_1114, %mul3A_1115 : i32
      %add3A_1117 = arith.addi %mul3A_1116, %add3A : i32
      %dma_wait3A_1118 = arith.constant 0 : i32
      %dma_wait3A_1119 = tpu.memref_slice %arg5[%add3A_1117, %dma_wait3A_1118] : memref<131072x128xf32, #tpu.memory_space<hbm>> -> memref<64x128xf32, #tpu.memory_space<hbm>>
      %dma_wait3A_1120 = arith.constant 0 : i32
      %dma_wait3A_1121 = tpu.memref_slice %arg5[%add3A_1117, %dma_wait3A_1120] : memref<131072x128xf32, #tpu.memory_space<hbm>> -> memref<64x128xf32, #tpu.memory_space<hbm>>
      tpu.wait_dma2 semaphore(%arg19 : memref<!tpu.dma_semaphore, #tpu.memory_space<semaphore_mem>>) src(%arg10 : memref<64x128xf32, #tpu.memory_space<vmem>>) dst(%dma_wait3A_1121 : memref<64x128xf32, #tpu.memory_space<hbm>>)
      %mul3A_1122 = arith.constant 64 : i32
      %mul3A_1123 = arith.muli %arg0, %mul3A_1122 : i32
      %dma_start3A_1124 = tpu.memref_slice %arg6[%add3A_1112, %mul3A_1123] : memref<64x128xi32, #tpu.memory_space<vmem>> -> memref<1x64xi32, #tpu.memory_space<vmem>>
      %dma_start3A_1125 = tpu.memref_squeeze %dma_start3A_1124 : memref<1x64xi32, #tpu.memory_space<vmem>> -> memref<64xi32, #tpu.memory_space<vmem>>
      %dma_start3A_1126 = arith.constant 0 : i32
      %dma_start3A_1127 = arith.constant 0 : i32
      %dma_start3A_1128 = tpu.memref_slice %arg3[%dma_start3A_1126, %dma_start3A_1127] : memref<100000x128xf32, #tpu.memory_space<hbm>> -> memref<100000x128xf32, #tpu.memory_space<hbm>>
      tpu.enqueue_indirect_dma source(%dma_start3A_1128 : memref<100000x128xf32, #tpu.memory_space<hbm>>) target(%arg10 : memref<64x128xf32, #tpu.memory_space<vmem>>) offsets(%dma_start3A_1125 : memref<64xi32, #tpu.memory_space<vmem>>) semaphore(%arg15 : memref<!tpu.dma_semaphore, #tpu.memory_space<semaphore_mem>>)
      %sub3A_1129 = arith.constant 2 : i32
      %sub3A_1130 = arith.subi %add3A_1112, %sub3A_1129 : i32
      %mul3A_1131 = arith.constant 64 : i32
      %mul3A_1132 = arith.muli %arg0, %mul3A_1131 : i32
      %dma_wait3A_1133 = tpu.memref_slice %arg6[%sub3A_1130, %mul3A_1132] : memref<64x128xi32, #tpu.memory_space<vmem>> -> memref<1x64xi32, #tpu.memory_space<vmem>>
      %dma_wait3A_1134 = tpu.memref_squeeze %dma_wait3A_1133 : memref<1x64xi32, #tpu.memory_space<vmem>> -> memref<64xi32, #tpu.memory_space<vmem>>
      %dma_wait3A_1135 = arith.constant 0 : i32
      %dma_wait3A_1136 = arith.constant 0 : i32
      %dma_wait3A_1137 = tpu.memref_slice %arg3[%dma_wait3A_1135, %dma_wait3A_1136] : memref<100000x128xf32, #tpu.memory_space<hbm>> -> memref<100000x128xf32, #tpu.memory_space<hbm>>
      tpu.wait_indirect_dma semaphore(%arg13 : memref<!tpu.dma_semaphore, #tpu.memory_space<semaphore_mem>>) src(%dma_wait3A_1137 : memref<100000x128xf32, #tpu.memory_space<hbm>>) dst(%arg8 : memref<64x128xf32, #tpu.memory_space<vmem>>)
      %parallel_loop3A_1138 = arith.constant 0 : i32
      %parallel_loop3A_1139 = arith.constant 64 : i32
      %parallel_loop3A_1140 = arith.constant 1 : i32
      scf.for %parallel_loop3A_1187 = %parallel_loop3A_1138 to %parallel_loop3A_1139 step %parallel_loop3A_1140  : i32 {
        %parallel_loop3A_1188 = arith.index_cast %parallel_loop3A_1187 : i32 to index
        %parallel_loop3A_1189 = arith.constant 0 : index
        %parallel_loop3A_1190 = tpu.vector_load %arg7[%parallel_loop3A_1188, %parallel_loop3A_1189] {strides = array<i32>} : memref<64x128xf32, #tpu.memory_space<vmem>>, vector<1x16xf32>,
        %parallel_loop3A_1191 = vector.shape_cast %parallel_loop3A_1190 : vector<1x16xf32> to vector<16xf32>
        %parallel_loop3A_1192 = arith.index_cast %parallel_loop3A_1187 : i32 to index
        %parallel_loop3A_1193 = arith.constant 0 : index
        %parallel_loop3A_1194 = tpu.vector_load %arg8[%parallel_loop3A_1192, %parallel_loop3A_1193] {strides = array<i32>} : memref<64x128xf32, #tpu.memory_space<vmem>>, vector<1x16xf32>,
        %parallel_loop3A_1195 = vector.shape_cast %parallel_loop3A_1194 : vector<1x16xf32> to vector<16xf32>
        %parallel_loop3A_1196 = vector.shape_cast %parallel_loop3A_1191 : vector<16xf32> to vector<1x16xf32>
        tpu.vector_store %arg8[%parallel_loop3A_1192, %parallel_loop3A_1193], %parallel_loop3A_1196 {add = true, strides = array<i32>} : memref<64x128xf32, #tpu.memory_space<vmem>>, vector<1x16xf32>,
        %parallel_loop3A_1197 = arith.index_cast %parallel_loop3A_1187 : i32 to index
        %parallel_loop3A_1198 = arith.constant 16 : index
        %parallel_loop3A_1199 = tpu.vector_load %arg7[%parallel_loop3A_1197, %parallel_loop3A_1198] {strides = array<i32>} : memref<64x128xf32, #tpu.memory_space<vmem>>, vector<1x16xf32>,
        %parallel_loop3A_1200 = vector.shape_cast %parallel_loop3A_1199 : vector<1x16xf32> to vector<16xf32>
        %parallel_loop3A_1201 = arith.index_cast %parallel_loop3A_1187 : i32 to index
        %parallel_loop3A_1202 = arith.constant 16 : index
        %parallel_loop3A_1203 = tpu.vector_load %arg8[%parallel_loop3A_1201, %parallel_loop3A_1202] {strides = array<i32>} : memref<64x128xf32, #tpu.memory_space<vmem>>, vector<1x16xf32>,
        %parallel_loop3A_1204 = vector.shape_cast %parallel_loop3A_1203 : vector<1x16xf32> to vector<16xf32>
        %parallel_loop3A_1205 = vector.shape_cast %parallel_loop3A_1200 : vector<16xf32> to vector<1x16xf32>
        tpu.vector_store %arg8[%parallel_loop3A_1201, %parallel_loop3A_1202], %parallel_loop3A_1205 {add = true, strides = array<i32>} : memref<64x128xf32, #tpu.memory_space<vmem>>, vector<1x16xf32>,
        %parallel_loop3A_1206 = arith.index_cast %parallel_loop3A_1187 : i32 to index
        %parallel_loop3A_1207 = arith.constant 32 : index
        %parallel_loop3A_1208 = tpu.vector_load %arg7[%parallel_loop3A_1206, %parallel_loop3A_1207] {strides = array<i32>} : memref<64x128xf32, #tpu.memory_space<vmem>>, vector<1x16xf32>,
        %parallel_loop3A_1209 = vector.shape_cast %parallel_loop3A_1208 : vector<1x16xf32> to vector<16xf32>
        %parallel_loop3A_1210 = arith.index_cast %parallel_loop3A_1187 : i32 to index
        %parallel_loop3A_1211 = arith.constant 32 : index
        %parallel_loop3A_1212 = tpu.vector_load %arg8[%parallel_loop3A_1210, %parallel_loop3A_1211] {strides = array<i32>} : memref<64x128xf32, #tpu.memory_space<vmem>>, vector<1x16xf32>,
        %parallel_loop3A_1213 = vector.shape_cast %parallel_loop3A_1212 : vector<1x16xf32> to vector<16xf32>
        %parallel_loop3A_1214 = vector.shape_cast %parallel_loop3A_1209 : vector<16xf32> to vector<1x16xf32>
        tpu.vector_store %arg8[%parallel_loop3A_1210, %parallel_loop3A_1211], %parallel_loop3A_1214 {add = true, strides = array<i32>} : memref<64x128xf32, #tpu.memory_space<vmem>>, vector<1x16xf32>,
        %parallel_loop3A_1215 = arith.index_cast %parallel_loop3A_1187 : i32 to index
        %parallel_loop3A_1216 = arith.constant 48 : index
        %parallel_loop3A_1217 = tpu.vector_load %arg7[%parallel_loop3A_1215, %parallel_loop3A_1216] {strides = array<i32>} : memref<64x128xf32, #tpu.memory_space<vmem>>, vector<1x16xf32>,
        %parallel_loop3A_1218 = vector.shape_cast %parallel_loop3A_1217 : vector<1x16xf32> to vector<16xf32>
        %parallel_loop3A_1219 = arith.index_cast %parallel_loop3A_1187 : i32 to index
        %parallel_loop3A_1220 = arith.constant 48 : index
        %parallel_loop3A_1221 = tpu.vector_load %arg8[%parallel_loop3A_1219, %parallel_loop3A_1220] {strides = array<i32>} : memref<64x128xf32, #tpu.memory_space<vmem>>, vector<1x16xf32>,
        %parallel_loop3A_1222 = vector.shape_cast %parallel_loop3A_1221 : vector<1x16xf32> to vector<16xf32>
        %parallel_loop3A_1223 = vector.shape_cast %parallel_loop3A_1218 : vector<16xf32> to vector<1x16xf32>
        tpu.vector_store %arg8[%parallel_loop3A_1219, %parallel_loop3A_1220], %parallel_loop3A_1223 {add = true, strides = array<i32>} : memref<64x128xf32, #tpu.memory_space<vmem>>, vector<1x16xf32>,
        %parallel_loop3A_1224 = arith.index_cast %parallel_loop3A_1187 : i32 to index
        %parallel_loop3A_1225 = arith.constant 64 : index
        %parallel_loop3A_1226 = tpu.vector_load %arg7[%parallel_loop3A_1224, %parallel_loop3A_1225] {strides = array<i32>} : memref<64x128xf32, #tpu.memory_space<vmem>>, vector<1x16xf32>,
        %parallel_loop3A_1227 = vector.shape_cast %parallel_loop3A_1226 : vector<1x16xf32> to vector<16xf32>
        %parallel_loop3A_1228 = arith.index_cast %parallel_loop3A_1187 : i32 to index
        %parallel_loop3A_1229 = arith.constant 64 : index
        %parallel_loop3A_1230 = tpu.vector_load %arg8[%parallel_loop3A_1228, %parallel_loop3A_1229] {strides = array<i32>} : memref<64x128xf32, #tpu.memory_space<vmem>>, vector<1x16xf32>,
        %parallel_loop3A_1231 = vector.shape_cast %parallel_loop3A_1230 : vector<1x16xf32> to vector<16xf32>
        %parallel_loop3A_1232 = vector.shape_cast %parallel_loop3A_1227 : vector<16xf32> to vector<1x16xf32>
        tpu.vector_store %arg8[%parallel_loop3A_1228, %parallel_loop3A_1229], %parallel_loop3A_1232 {add = true, strides = array<i32>} : memref<64x128xf32, #tpu.memory_space<vmem>>, vector<1x16xf32>,
        %parallel_loop3A_1233 = arith.index_cast %parallel_loop3A_1187 : i32 to index
        %parallel_loop3A_1234 = arith.constant 80 : index
        %parallel_loop3A_1235 = tpu.vector_load %arg7[%parallel_loop3A_1233, %parallel_loop3A_1234] {strides = array<i32>} : memref<64x128xf32, #tpu.memory_space<vmem>>, vector<1x16xf32>,
        %parallel_loop3A_1236 = vector.shape_cast %parallel_loop3A_1235 : vector<1x16xf32> to vector<16xf32>
        %parallel_loop3A_1237 = arith.index_cast %parallel_loop3A_1187 : i32 to index
        %parallel_loop3A_1238 = arith.constant 80 : index
        %parallel_loop3A_1239 = tpu.vector_load %arg8[%parallel_loop3A_1237, %parallel_loop3A_1238] {strides = array<i32>} : memref<64x128xf32, #tpu.memory_space<vmem>>, vector<1x16xf32>,
        %parallel_loop3A_1240 = vector.shape_cast %parallel_loop3A_1239 : vector<1x16xf32> to vector<16xf32>
        %parallel_loop3A_1241 = vector.shape_cast %parallel_loop3A_1236 : vector<16xf32> to vector<1x16xf32>
        tpu.vector_store %arg8[%parallel_loop3A_1237, %parallel_loop3A_1238], %parallel_loop3A_1241 {add = true, strides = array<i32>} : memref<64x128xf32, #tpu.memory_space<vmem>>, vector<1x16xf32>,
        %parallel_loop3A_1242 = arith.index_cast %parallel_loop3A_1187 : i32 to index
        %parallel_loop3A_1243 = arith.constant 96 : index
        %parallel_loop3A_1244 = tpu.vector_load %arg7[%parallel_loop3A_1242, %parallel_loop3A_1243] {strides = array<i32>} : memref<64x128xf32, #tpu.memory_space<vmem>>, vector<1x16xf32>,
        %parallel_loop3A_1245 = vector.shape_cast %parallel_loop3A_1244 : vector<1x16xf32> to vector<16xf32>
        %parallel_loop3A_1246 = arith.index_cast %parallel_loop3A_1187 : i32 to index
        %parallel_loop3A_1247 = arith.constant 96 : index
        %parallel_loop3A_1248 = tpu.vector_load %arg8[%parallel_loop3A_1246, %parallel_loop3A_1247] {strides = array<i32>} : memref<64x128xf32, #tpu.memory_space<vmem>>, vector<1x16xf32>,
        %parallel_loop3A_1249 = vector.shape_cast %parallel_loop3A_1248 : vector<1x16xf32> to vector<16xf32>
        %parallel_loop3A_1250 = vector.shape_cast %parallel_loop3A_1245 : vector<16xf32> to vector<1x16xf32>
        tpu.vector_store %arg8[%parallel_loop3A_1246, %parallel_loop3A_1247], %parallel_loop3A_1250 {add = true, strides = array<i32>} : memref<64x128xf32, #tpu.memory_space<vmem>>, vector<1x16xf32>,
        %parallel_loop3A_1251 = arith.index_cast %parallel_loop3A_1187 : i32 to index
        %parallel_loop3A_1252 = arith.constant 112 : index
        %parallel_loop3A_1253 = tpu.vector_load %arg7[%parallel_loop3A_1251, %parallel_loop3A_1252] {strides = array<i32>} : memref<64x128xf32, #tpu.memory_space<vmem>>, vector<1x16xf32>,
        %parallel_loop3A_1254 = vector.shape_cast %parallel_loop3A_1253 : vector<1x16xf32> to vector<16xf32>
        %parallel_loop3A_1255 = arith.index_cast %parallel_loop3A_1187 : i32 to index
        %parallel_loop3A_1256 = arith.constant 112 : index
        %parallel_loop3A_1257 = tpu.vector_load %arg8[%parallel_loop3A_1255, %parallel_loop3A_1256] {strides = array<i32>} : memref<64x128xf32, #tpu.memory_space<vmem>>, vector<1x16xf32>,
        %parallel_loop3A_1258 = vector.shape_cast %parallel_loop3A_1257 : vector<1x16xf32> to vector<16xf32>
        %parallel_loop3A_1259 = vector.shape_cast %parallel_loop3A_1254 : vector<16xf32> to vector<1x16xf32>
        tpu.vector_store %arg8[%parallel_loop3A_1255, %parallel_loop3A_1256], %parallel_loop3A_1259 {add = true, strides = array<i32>} : memref<64x128xf32, #tpu.memory_space<vmem>>, vector<1x16xf32>,
      } {sc.loop_unroll_factor = 2 : i64, sc.parallel_access}
      %mul3A_1141 = arith.constant 2048 : i32
      %mul3A_1142 = arith.muli %sub3A_1130, %mul3A_1141 : i32
      %add3A_1143 = arith.addi %mul3A_1142, %add3A : i32
      %dma_start3A_1144 = arith.constant 0 : i32
      %dma_start3A_1145 = tpu.memref_slice %arg5[%add3A_1143, %dma_start3A_1144] : memref<131072x128xf32, #tpu.memory_space<hbm>> -> memref<64x128xf32, #tpu.memory_space<hbm>>
      %dma_start3A_1146 = arith.constant 0 : i32
      %dma_start3A_1147 = tpu.memref_slice %arg5[%add3A_1143, %dma_start3A_1146] : memref<131072x128xf32, #tpu.memory_space<hbm>> -> memref<64x128xf32, #tpu.memory_space<hbm>>
      tpu.enqueue_dma source(%arg8 : memref<64x128xf32, #tpu.memory_space<vmem>>) target(%dma_start3A_1147 : memref<64x128xf32, #tpu.memory_space<hbm>>) target_semaphore(%arg17 : memref<!tpu.dma_semaphore, #tpu.memory_space<semaphore_mem>>)
      %mul3A_1148 = arith.constant 4 : i32
      %mul3A_1149 = arith.muli %mul3A_1148, %scan3A_1031 : i32
      %add3A_1150 = arith.constant 3 : i32
      %add3A_1151 = arith.addi %mul3A_1149, %add3A_1150 : i32
      %sub3A_1152 = arith.constant 4 : i32
      %sub3A_1153 = arith.subi %add3A_1151, %sub3A_1152 : i32
      %mul3A_1154 = arith.constant 2048 : i32
      %mul3A_1155 = arith.muli %sub3A_1153, %mul3A_1154 : i32
      %add3A_1156 = arith.addi %mul3A_1155, %add3A : i32
      %dma_wait3A_1157 = arith.constant 0 : i32
      %dma_wait3A_1158 = tpu.memref_slice %arg5[%add3A_1156, %dma_wait3A_1157] : memref<131072x128xf32, #tpu.memory_space<hbm>> -> memref<64x128xf32, #tpu.memory_space<hbm>>
      %dma_wait3A_1159 = arith.constant 0 : i32
      %dma_wait3A_1160 = tpu.memref_slice %arg5[%add3A_1156, %dma_wait3A_1159] : memref<131072x128xf32, #tpu.memory_space<hbm>> -> memref<64x128xf32, #tpu.memory_space<hbm>>
      tpu.wait_dma2 semaphore(%arg20 : memref<!tpu.dma_semaphore, #tpu.memory_space<semaphore_mem>>) src(%arg11 : memref<64x128xf32, #tpu.memory_space<vmem>>) dst(%dma_wait3A_1160 : memref<64x128xf32, #tpu.memory_space<hbm>>)
      %mul3A_1161 = arith.constant 64 : i32
      %mul3A_1162 = arith.muli %arg0, %mul3A_1161 : i32
      %dma_start3A_1163 = tpu.memref_slice %arg6[%add3A_1151, %mul3A_1162] : memref<64x128xi32, #tpu.memory_space<vmem>> -> memref<1x64xi32, #tpu.memory_space<vmem>>
      %dma_start3A_1164 = tpu.memref_squeeze %dma_start3A_1163 : memref<1x64xi32, #tpu.memory_space<vmem>> -> memref<64xi32, #tpu.memory_space<vmem>>
      %dma_start3A_1165 = arith.constant 0 : i32
      %dma_start3A_1166 = arith.constant 0 : i32
      %dma_start3A_1167 = tpu.memref_slice %arg3[%dma_start3A_1165, %dma_start3A_1166] : memref<100000x128xf32, #tpu.memory_space<hbm>> -> memref<100000x128xf32, #tpu.memory_space<hbm>>
      tpu.enqueue_indirect_dma source(%dma_start3A_1167 : memref<100000x128xf32, #tpu.memory_space<hbm>>) target(%arg11 : memref<64x128xf32, #tpu.memory_space<vmem>>) offsets(%dma_start3A_1164 : memref<64xi32, #tpu.memory_space<vmem>>) semaphore(%arg16 : memref<!tpu.dma_semaphore, #tpu.memory_space<semaphore_mem>>)
      %sub3A_1168 = arith.constant 2 : i32
      %sub3A_1169 = arith.subi %add3A_1151, %sub3A_1168 : i32
      %mul3A_1170 = arith.constant 64 : i32
      %mul3A_1171 = arith.muli %arg0, %mul3A_1170 : i32
      %dma_wait3A_1172 = tpu.memref_slice %arg6[%sub3A_1169, %mul3A_1171] : memref<64x128xi32, #tpu.memory_space<vmem>> -> memref<1x64xi32, #tpu.memory_space<vmem>>
      %dma_wait3A_1173 = tpu.memref_squeeze %dma_wait3A_1172 : memref<1x64xi32, #tpu.memory_space<vmem>> -> memref<64xi32, #tpu.memory_space<vmem>>
      %dma_wait3A_1174 = arith.constant 0 : i32
      %dma_wait3A_1175 = arith.constant 0 : i32
      %dma_wait3A_1176 = tpu.memref_slice %arg3[%dma_wait3A_1174, %dma_wait3A_1175] : memref<100000x128xf32, #tpu.memory_space<hbm>> -> memref<100000x128xf32, #tpu.memory_space<hbm>>
      tpu.wait_indirect_dma semaphore(%arg14 : memref<!tpu.dma_semaphore, #tpu.memory_space<semaphore_mem>>) src(%dma_wait3A_1176 : memref<100000x128xf32, #tpu.memory_space<hbm>>) dst(%arg9 : memref<64x128xf32, #tpu.memory_space<vmem>>)
      %parallel_loop3A_1177 = arith.constant 0 : i32
      %parallel_loop3A_1178 = arith.constant 64 : i32
      %parallel_loop3A_1179 = arith.constant 1 : i32
      scf.for %parallel_loop3A_1187 = %parallel_loop3A_1177 to %parallel_loop3A_1178 step %parallel_loop3A_1179  : i32 {
        %parallel_loop3A_1188 = arith.index_cast %parallel_loop3A_1187 : i32 to index
        %parallel_loop3A_1189 = arith.constant 0 : index
        %parallel_loop3A_1190 = tpu.vector_load %arg7[%parallel_loop3A_1188, %parallel_loop3A_1189] {strides = array<i32>} : memref<64x128xf32, #tpu.memory_space<vmem>>, vector<1x16xf32>,
        %parallel_loop3A_1191 = vector.shape_cast %parallel_loop3A_1190 : vector<1x16xf32> to vector<16xf32>
        %parallel_loop3A_1192 = arith.index_cast %parallel_loop3A_1187 : i32 to index
        %parallel_loop3A_1193 = arith.constant 0 : index
        %parallel_loop3A_1194 = tpu.vector_load %arg9[%parallel_loop3A_1192, %parallel_loop3A_1193] {strides = array<i32>} : memref<64x128xf32, #tpu.memory_space<vmem>>, vector<1x16xf32>,
        %parallel_loop3A_1195 = vector.shape_cast %parallel_loop3A_1194 : vector<1x16xf32> to vector<16xf32>
        %parallel_loop3A_1196 = vector.shape_cast %parallel_loop3A_1191 : vector<16xf32> to vector<1x16xf32>
        tpu.vector_store %arg9[%parallel_loop3A_1192, %parallel_loop3A_1193], %parallel_loop3A_1196 {add = true, strides = array<i32>} : memref<64x128xf32, #tpu.memory_space<vmem>>, vector<1x16xf32>,
        %parallel_loop3A_1197 = arith.index_cast %parallel_loop3A_1187 : i32 to index
        %parallel_loop3A_1198 = arith.constant 16 : index
        %parallel_loop3A_1199 = tpu.vector_load %arg7[%parallel_loop3A_1197, %parallel_loop3A_1198] {strides = array<i32>} : memref<64x128xf32, #tpu.memory_space<vmem>>, vector<1x16xf32>,
        %parallel_loop3A_1200 = vector.shape_cast %parallel_loop3A_1199 : vector<1x16xf32> to vector<16xf32>
        %parallel_loop3A_1201 = arith.index_cast %parallel_loop3A_1187 : i32 to index
        %parallel_loop3A_1202 = arith.constant 16 : index
        %parallel_loop3A_1203 = tpu.vector_load %arg9[%parallel_loop3A_1201, %parallel_loop3A_1202] {strides = array<i32>} : memref<64x128xf32, #tpu.memory_space<vmem>>, vector<1x16xf32>,
        %parallel_loop3A_1204 = vector.shape_cast %parallel_loop3A_1203 : vector<1x16xf32> to vector<16xf32>
        %parallel_loop3A_1205 = vector.shape_cast %parallel_loop3A_1200 : vector<16xf32> to vector<1x16xf32>
        tpu.vector_store %arg9[%parallel_loop3A_1201, %parallel_loop3A_1202], %parallel_loop3A_1205 {add = true, strides = array<i32>} : memref<64x128xf32, #tpu.memory_space<vmem>>, vector<1x16xf32>,
        %parallel_loop3A_1206 = arith.index_cast %parallel_loop3A_1187 : i32 to index
        %parallel_loop3A_1207 = arith.constant 32 : index
        %parallel_loop3A_1208 = tpu.vector_load %arg7[%parallel_loop3A_1206, %parallel_loop3A_1207] {strides = array<i32>} : memref<64x128xf32, #tpu.memory_space<vmem>>, vector<1x16xf32>,
        %parallel_loop3A_1209 = vector.shape_cast %parallel_loop3A_1208 : vector<1x16xf32> to vector<16xf32>
        %parallel_loop3A_1210 = arith.index_cast %parallel_loop3A_1187 : i32 to index
        %parallel_loop3A_1211 = arith.constant 32 : index
        %parallel_loop3A_1212 = tpu.vector_load %arg9[%parallel_loop3A_1210, %parallel_loop3A_1211] {strides = array<i32>} : memref<64x128xf32, #tpu.memory_space<vmem>>, vector<1x16xf32>,
        %parallel_loop3A_1213 = vector.shape_cast %parallel_loop3A_1212 : vector<1x16xf32> to vector<16xf32>
        %parallel_loop3A_1214 = vector.shape_cast %parallel_loop3A_1209 : vector<16xf32> to vector<1x16xf32>
        tpu.vector_store %arg9[%parallel_loop3A_1210, %parallel_loop3A_1211], %parallel_loop3A_1214 {add = true, strides = array<i32>} : memref<64x128xf32, #tpu.memory_space<vmem>>, vector<1x16xf32>,
        %parallel_loop3A_1215 = arith.index_cast %parallel_loop3A_1187 : i32 to index
        %parallel_loop3A_1216 = arith.constant 48 : index
        %parallel_loop3A_1217 = tpu.vector_load %arg7[%parallel_loop3A_1215, %parallel_loop3A_1216] {strides = array<i32>} : memref<64x128xf32, #tpu.memory_space<vmem>>, vector<1x16xf32>,
        %parallel_loop3A_1218 = vector.shape_cast %parallel_loop3A_1217 : vector<1x16xf32> to vector<16xf32>
        %parallel_loop3A_1219 = arith.index_cast %parallel_loop3A_1187 : i32 to index
        %parallel_loop3A_1220 = arith.constant 48 : index
        %parallel_loop3A_1221 = tpu.vector_load %arg9[%parallel_loop3A_1219, %parallel_loop3A_1220] {strides = array<i32>} : memref<64x128xf32, #tpu.memory_space<vmem>>, vector<1x16xf32>,
        %parallel_loop3A_1222 = vector.shape_cast %parallel_loop3A_1221 : vector<1x16xf32> to vector<16xf32>
        %parallel_loop3A_1223 = vector.shape_cast %parallel_loop3A_1218 : vector<16xf32> to vector<1x16xf32>
        tpu.vector_store %arg9[%parallel_loop3A_1219, %parallel_loop3A_1220], %parallel_loop3A_1223 {add = true, strides = array<i32>} : memref<64x128xf32, #tpu.memory_space<vmem>>, vector<1x16xf32>,
        %parallel_loop3A_1224 = arith.index_cast %parallel_loop3A_1187 : i32 to index
        %parallel_loop3A_1225 = arith.constant 64 : index
        %parallel_loop3A_1226 = tpu.vector_load %arg7[%parallel_loop3A_1224, %parallel_loop3A_1225] {strides = array<i32>} : memref<64x128xf32, #tpu.memory_space<vmem>>, vector<1x16xf32>,
        %parallel_loop3A_1227 = vector.shape_cast %parallel_loop3A_1226 : vector<1x16xf32> to vector<16xf32>
        %parallel_loop3A_1228 = arith.index_cast %parallel_loop3A_1187 : i32 to index
        %parallel_loop3A_1229 = arith.constant 64 : index
        %parallel_loop3A_1230 = tpu.vector_load %arg9[%parallel_loop3A_1228, %parallel_loop3A_1229] {strides = array<i32>} : memref<64x128xf32, #tpu.memory_space<vmem>>, vector<1x16xf32>,
        %parallel_loop3A_1231 = vector.shape_cast %parallel_loop3A_1230 : vector<1x16xf32> to vector<16xf32>
        %parallel_loop3A_1232 = vector.shape_cast %parallel_loop3A_1227 : vector<16xf32> to vector<1x16xf32>
        tpu.vector_store %arg9[%parallel_loop3A_1228, %parallel_loop3A_1229], %parallel_loop3A_1232 {add = true, strides = array<i32>} : memref<64x128xf32, #tpu.memory_space<vmem>>, vector<1x16xf32>,
        %parallel_loop3A_1233 = arith.index_cast %parallel_loop3A_1187 : i32 to index
        %parallel_loop3A_1234 = arith.constant 80 : index
        %parallel_loop3A_1235 = tpu.vector_load %arg7[%parallel_loop3A_1233, %parallel_loop3A_1234] {strides = array<i32>} : memref<64x128xf32, #tpu.memory_space<vmem>>, vector<1x16xf32>,
        %parallel_loop3A_1236 = vector.shape_cast %parallel_loop3A_1235 : vector<1x16xf32> to vector<16xf32>
        %parallel_loop3A_1237 = arith.index_cast %parallel_loop3A_1187 : i32 to index
        %parallel_loop3A_1238 = arith.constant 80 : index
        %parallel_loop3A_1239 = tpu.vector_load %arg9[%parallel_loop3A_1237, %parallel_loop3A_1238] {strides = array<i32>} : memref<64x128xf32, #tpu.memory_space<vmem>>, vector<1x16xf32>,
        %parallel_loop3A_1240 = vector.shape_cast %parallel_loop3A_1239 : vector<1x16xf32> to vector<16xf32>
        %parallel_loop3A_1241 = vector.shape_cast %parallel_loop3A_1236 : vector<16xf32> to vector<1x16xf32>
        tpu.vector_store %arg9[%parallel_loop3A_1237, %parallel_loop3A_1238], %parallel_loop3A_1241 {add = true, strides = array<i32>} : memref<64x128xf32, #tpu.memory_space<vmem>>, vector<1x16xf32>,
        %parallel_loop3A_1242 = arith.index_cast %parallel_loop3A_1187 : i32 to index
        %parallel_loop3A_1243 = arith.constant 96 : index
        %parallel_loop3A_1244 = tpu.vector_load %arg7[%parallel_loop3A_1242, %parallel_loop3A_1243] {strides = array<i32>} : memref<64x128xf32, #tpu.memory_space<vmem>>, vector<1x16xf32>,
        %parallel_loop3A_1245 = vector.shape_cast %parallel_loop3A_1244 : vector<1x16xf32> to vector<16xf32>
        %parallel_loop3A_1246 = arith.index_cast %parallel_loop3A_1187 : i32 to index
        %parallel_loop3A_1247 = arith.constant 96 : index
        %parallel_loop3A_1248 = tpu.vector_load %arg9[%parallel_loop3A_1246, %parallel_loop3A_1247] {strides = array<i32>} : memref<64x128xf32, #tpu.memory_space<vmem>>, vector<1x16xf32>,
        %parallel_loop3A_1249 = vector.shape_cast %parallel_loop3A_1248 : vector<1x16xf32> to vector<16xf32>
        %parallel_loop3A_1250 = vector.shape_cast %parallel_loop3A_1245 : vector<16xf32> to vector<1x16xf32>
        tpu.vector_store %arg9[%parallel_loop3A_1246, %parallel_loop3A_1247], %parallel_loop3A_1250 {add = true, strides = array<i32>} : memref<64x128xf32, #tpu.memory_space<vmem>>, vector<1x16xf32>,
        %parallel_loop3A_1251 = arith.index_cast %parallel_loop3A_1187 : i32 to index
        %parallel_loop3A_1252 = arith.constant 112 : index
        %parallel_loop3A_1253 = tpu.vector_load %arg7[%parallel_loop3A_1251, %parallel_loop3A_1252] {strides = array<i32>} : memref<64x128xf32, #tpu.memory_space<vmem>>, vector<1x16xf32>,
        %parallel_loop3A_1254 = vector.shape_cast %parallel_loop3A_1253 : vector<1x16xf32> to vector<16xf32>
        %parallel_loop3A_1255 = arith.index_cast %parallel_loop3A_1187 : i32 to index
        %parallel_loop3A_1256 = arith.constant 112 : index
        %parallel_loop3A_1257 = tpu.vector_load %arg9[%parallel_loop3A_1255, %parallel_loop3A_1256] {strides = array<i32>} : memref<64x128xf32, #tpu.memory_space<vmem>>, vector<1x16xf32>,
        %parallel_loop3A_1258 = vector.shape_cast %parallel_loop3A_1257 : vector<1x16xf32> to vector<16xf32>
        %parallel_loop3A_1259 = vector.shape_cast %parallel_loop3A_1254 : vector<16xf32> to vector<1x16xf32>
        tpu.vector_store %arg9[%parallel_loop3A_1255, %parallel_loop3A_1256], %parallel_loop3A_1259 {add = true, strides = array<i32>} : memref<64x128xf32, #tpu.memory_space<vmem>>, vector<1x16xf32>,
      } {sc.loop_unroll_factor = 2 : i64, sc.parallel_access}
      %mul3A_1180 = arith.constant 2048 : i32
      %mul3A_1181 = arith.muli %sub3A_1169, %mul3A_1180 : i32
      %add3A_1182 = arith.addi %mul3A_1181, %add3A : i32
      %dma_start3A_1183 = arith.constant 0 : i32
      %dma_start3A_1184 = tpu.memref_slice %arg5[%add3A_1182, %dma_start3A_1183] : memref<131072x128xf32, #tpu.memory_space<hbm>> -> memref<64x128xf32, #tpu.memory_space<hbm>>
      %dma_start3A_1185 = arith.constant 0 : i32
      %dma_start3A_1186 = tpu.memref_slice %arg5[%add3A_1182, %dma_start3A_1185] : memref<131072x128xf32, #tpu.memory_space<hbm>> -> memref<64x128xf32, #tpu.memory_space<hbm>>
      tpu.enqueue_dma source(%arg9 : memref<64x128xf32, #tpu.memory_space<vmem>>) target(%dma_start3A_1186 : memref<64x128xf32, #tpu.memory_space<hbm>>) target_semaphore(%arg18 : memref<!tpu.dma_semaphore, #tpu.memory_space<semaphore_mem>>)
    }
    %scan3A_972 = arith.constant 15 : i32
    %mul3A_973 = arith.constant 64 : i32
    %mul3A_974 = arith.muli %arg0, %mul3A_973 : i32
    %dma_wait3A_975 = arith.constant 62 : i32
    %dma_wait3A_976 = tpu.memref_slice %arg6[%dma_wait3A_975, %mul3A_974] : memref<64x128xi32, #tpu.memory_space<vmem>> -> memref<1x64xi32, #tpu.memory_space<vmem>>
    %dma_wait3A_977 = tpu.memref_squeeze %dma_wait3A_976 : memref<1x64xi32, #tpu.memory_space<vmem>> -> memref<64xi32, #tpu.memory_space<vmem>>
    %dma_wait3A_978 = arith.constant 0 : i32
    %dma_wait3A_979 = arith.constant 0 : i32
    %dma_wait3A_980 = tpu.memref_slice %arg3[%dma_wait3A_978, %dma_wait3A_979] : memref<100000x128xf32, #tpu.memory_space<hbm>> -> memref<100000x128xf32, #tpu.memory_space<hbm>>
    tpu.wait_indirect_dma semaphore(%arg15 : memref<!tpu.dma_semaphore, #tpu.memory_space<semaphore_mem>>) src(%dma_wait3A_980 : memref<100000x128xf32, #tpu.memory_space<hbm>>) dst(%arg10 : memref<64x128xf32, #tpu.memory_space<vmem>>)
    %parallel_loop3A_981 = arith.constant 0 : i32
    %parallel_loop3A_982 = arith.constant 64 : i32
    %parallel_loop3A_983 = arith.constant 1 : i32
    scf.for %parallel_loop3A_1031 = %parallel_loop3A_981 to %parallel_loop3A_982 step %parallel_loop3A_983  : i32 {
      %parallel_loop3A_1032 = arith.index_cast %parallel_loop3A_1031 : i32 to index
      %parallel_loop3A_1033 = arith.constant 0 : index
      %parallel_loop3A_1034 = tpu.vector_load %arg7[%parallel_loop3A_1032, %parallel_loop3A_1033] {strides = array<i32>} : memref<64x128xf32, #tpu.memory_space<vmem>>, vector<1x16xf32>,
      %parallel_loop3A_1035 = vector.shape_cast %parallel_loop3A_1034 : vector<1x16xf32> to vector<16xf32>
      %parallel_loop3A_1036 = arith.index_cast %parallel_loop3A_1031 : i32 to index
      %parallel_loop3A_1037 = arith.constant 0 : index
      %parallel_loop3A_1038 = tpu.vector_load %arg10[%parallel_loop3A_1036, %parallel_loop3A_1037] {strides = array<i32>} : memref<64x128xf32, #tpu.memory_space<vmem>>, vector<1x16xf32>,
      %parallel_loop3A_1039 = vector.shape_cast %parallel_loop3A_1038 : vector<1x16xf32> to vector<16xf32>
      %parallel_loop3A_1040 = vector.shape_cast %parallel_loop3A_1035 : vector<16xf32> to vector<1x16xf32>
      tpu.vector_store %arg10[%parallel_loop3A_1036, %parallel_loop3A_1037], %parallel_loop3A_1040 {add = true, strides = array<i32>} : memref<64x128xf32, #tpu.memory_space<vmem>>, vector<1x16xf32>,
      %parallel_loop3A_1041 = arith.index_cast %parallel_loop3A_1031 : i32 to index
      %parallel_loop3A_1042 = arith.constant 16 : index
      %parallel_loop3A_1043 = tpu.vector_load %arg7[%parallel_loop3A_1041, %parallel_loop3A_1042] {strides = array<i32>} : memref<64x128xf32, #tpu.memory_space<vmem>>, vector<1x16xf32>,
      %parallel_loop3A_1044 = vector.shape_cast %parallel_loop3A_1043 : vector<1x16xf32> to vector<16xf32>
      %parallel_loop3A_1045 = arith.index_cast %parallel_loop3A_1031 : i32 to index
      %parallel_loop3A_1046 = arith.constant 16 : index
      %parallel_loop3A_1047 = tpu.vector_load %arg10[%parallel_loop3A_1045, %parallel_loop3A_1046] {strides = array<i32>} : memref<64x128xf32, #tpu.memory_space<vmem>>, vector<1x16xf32>,
      %parallel_loop3A_1048 = vector.shape_cast %parallel_loop3A_1047 : vector<1x16xf32> to vector<16xf32>
      %parallel_loop3A_1049 = vector.shape_cast %parallel_loop3A_1044 : vector<16xf32> to vector<1x16xf32>
      tpu.vector_store %arg10[%parallel_loop3A_1045, %parallel_loop3A_1046], %parallel_loop3A_1049 {add = true, strides = array<i32>} : memref<64x128xf32, #tpu.memory_space<vmem>>, vector<1x16xf32>,
      %parallel_loop3A_1050 = arith.index_cast %parallel_loop3A_1031 : i32 to index
      %parallel_loop3A_1051 = arith.constant 32 : index
      %parallel_loop3A_1052 = tpu.vector_load %arg7[%parallel_loop3A_1050, %parallel_loop3A_1051] {strides = array<i32>} : memref<64x128xf32, #tpu.memory_space<vmem>>, vector<1x16xf32>,
      %parallel_loop3A_1053 = vector.shape_cast %parallel_loop3A_1052 : vector<1x16xf32> to vector<16xf32>
      %parallel_loop3A_1054 = arith.index_cast %parallel_loop3A_1031 : i32 to index
      %parallel_loop3A_1055 = arith.constant 32 : index
      %parallel_loop3A_1056 = tpu.vector_load %arg10[%parallel_loop3A_1054, %parallel_loop3A_1055] {strides = array<i32>} : memref<64x128xf32, #tpu.memory_space<vmem>>, vector<1x16xf32>,
      %parallel_loop3A_1057 = vector.shape_cast %parallel_loop3A_1056 : vector<1x16xf32> to vector<16xf32>
      %parallel_loop3A_1058 = vector.shape_cast %parallel_loop3A_1053 : vector<16xf32> to vector<1x16xf32>
      tpu.vector_store %arg10[%parallel_loop3A_1054, %parallel_loop3A_1055], %parallel_loop3A_1058 {add = true, strides = array<i32>} : memref<64x128xf32, #tpu.memory_space<vmem>>, vector<1x16xf32>,
      %parallel_loop3A_1059 = arith.index_cast %parallel_loop3A_1031 : i32 to index
      %parallel_loop3A_1060 = arith.constant 48 : index
      %parallel_loop3A_1061 = tpu.vector_load %arg7[%parallel_loop3A_1059, %parallel_loop3A_1060] {strides = array<i32>} : memref<64x128xf32, #tpu.memory_space<vmem>>, vector<1x16xf32>,
      %parallel_loop3A_1062 = vector.shape_cast %parallel_loop3A_1061 : vector<1x16xf32> to vector<16xf32>
      %parallel_loop3A_1063 = arith.index_cast %parallel_loop3A_1031 : i32 to index
      %parallel_loop3A_1064 = arith.constant 48 : index
      %parallel_loop3A_1065 = tpu.vector_load %arg10[%parallel_loop3A_1063, %parallel_loop3A_1064] {strides = array<i32>} : memref<64x128xf32, #tpu.memory_space<vmem>>, vector<1x16xf32>,
      %parallel_loop3A_1066 = vector.shape_cast %parallel_loop3A_1065 : vector<1x16xf32> to vector<16xf32>
      %parallel_loop3A_1067 = vector.shape_cast %parallel_loop3A_1062 : vector<16xf32> to vector<1x16xf32>
      tpu.vector_store %arg10[%parallel_loop3A_1063, %parallel_loop3A_1064], %parallel_loop3A_1067 {add = true, strides = array<i32>} : memref<64x128xf32, #tpu.memory_space<vmem>>, vector<1x16xf32>,
      %parallel_loop3A_1068 = arith.index_cast %parallel_loop3A_1031 : i32 to index
      %parallel_loop3A_1069 = arith.constant 64 : index
      %parallel_loop3A_1070 = tpu.vector_load %arg7[%parallel_loop3A_1068, %parallel_loop3A_1069] {strides = array<i32>} : memref<64x128xf32, #tpu.memory_space<vmem>>, vector<1x16xf32>,
      %parallel_loop3A_1071 = vector.shape_cast %parallel_loop3A_1070 : vector<1x16xf32> to vector<16xf32>
      %parallel_loop3A_1072 = arith.index_cast %parallel_loop3A_1031 : i32 to index
      %parallel_loop3A_1073 = arith.constant 64 : index
      %parallel_loop3A_1074 = tpu.vector_load %arg10[%parallel_loop3A_1072, %parallel_loop3A_1073] {strides = array<i32>} : memref<64x128xf32, #tpu.memory_space<vmem>>, vector<1x16xf32>,
      %parallel_loop3A_1075 = vector.shape_cast %parallel_loop3A_1074 : vector<1x16xf32> to vector<16xf32>
      %parallel_loop3A_1076 = vector.shape_cast %parallel_loop3A_1071 : vector<16xf32> to vector<1x16xf32>
      tpu.vector_store %arg10[%parallel_loop3A_1072, %parallel_loop3A_1073], %parallel_loop3A_1076 {add = true, strides = array<i32>} : memref<64x128xf32, #tpu.memory_space<vmem>>, vector<1x16xf32>,
      %parallel_loop3A_1077 = arith.index_cast %parallel_loop3A_1031 : i32 to index
      %parallel_loop3A_1078 = arith.constant 80 : index
      %parallel_loop3A_1079 = tpu.vector_load %arg7[%parallel_loop3A_1077, %parallel_loop3A_1078] {strides = array<i32>} : memref<64x128xf32, #tpu.memory_space<vmem>>, vector<1x16xf32>,
      %parallel_loop3A_1080 = vector.shape_cast %parallel_loop3A_1079 : vector<1x16xf32> to vector<16xf32>
      %parallel_loop3A_1081 = arith.index_cast %parallel_loop3A_1031 : i32 to index
      %parallel_loop3A_1082 = arith.constant 80 : index
      %parallel_loop3A_1083 = tpu.vector_load %arg10[%parallel_loop3A_1081, %parallel_loop3A_1082] {strides = array<i32>} : memref<64x128xf32, #tpu.memory_space<vmem>>, vector<1x16xf32>,
      %parallel_loop3A_1084 = vector.shape_cast %parallel_loop3A_1083 : vector<1x16xf32> to vector<16xf32>
      %parallel_loop3A_1085 = vector.shape_cast %parallel_loop3A_1080 : vector<16xf32> to vector<1x16xf32>
      tpu.vector_store %arg10[%parallel_loop3A_1081, %parallel_loop3A_1082], %parallel_loop3A_1085 {add = true, strides = array<i32>} : memref<64x128xf32, #tpu.memory_space<vmem>>, vector<1x16xf32>,
      %parallel_loop3A_1086 = arith.index_cast %parallel_loop3A_1031 : i32 to index
      %parallel_loop3A_1087 = arith.constant 96 : index
      %parallel_loop3A_1088 = tpu.vector_load %arg7[%parallel_loop3A_1086, %parallel_loop3A_1087] {strides = array<i32>} : memref<64x128xf32, #tpu.memory_space<vmem>>, vector<1x16xf32>,
      %parallel_loop3A_1089 = vector.shape_cast %parallel_loop3A_1088 : vector<1x16xf32> to vector<16xf32>
      %parallel_loop3A_1090 = arith.index_cast %parallel_loop3A_1031 : i32 to index
      %parallel_loop3A_1091 = arith.constant 96 : index
      %parallel_loop3A_1092 = tpu.vector_load %arg10[%parallel_loop3A_1090, %parallel_loop3A_1091] {strides = array<i32>} : memref<64x128xf32, #tpu.memory_space<vmem>>, vector<1x16xf32>,
      %parallel_loop3A_1093 = vector.shape_cast %parallel_loop3A_1092 : vector<1x16xf32> to vector<16xf32>
      %parallel_loop3A_1094 = vector.shape_cast %parallel_loop3A_1089 : vector<16xf32> to vector<1x16xf32>
      tpu.vector_store %arg10[%parallel_loop3A_1090, %parallel_loop3A_1091], %parallel_loop3A_1094 {add = true, strides = array<i32>} : memref<64x128xf32, #tpu.memory_space<vmem>>, vector<1x16xf32>,
      %parallel_loop3A_1095 = arith.index_cast %parallel_loop3A_1031 : i32 to index
      %parallel_loop3A_1096 = arith.constant 112 : index
      %parallel_loop3A_1097 = tpu.vector_load %arg7[%parallel_loop3A_1095, %parallel_loop3A_1096] {strides = array<i32>} : memref<64x128xf32, #tpu.memory_space<vmem>>, vector<1x16xf32>,
      %parallel_loop3A_1098 = vector.shape_cast %parallel_loop3A_1097 : vector<1x16xf32> to vector<16xf32>
      %parallel_loop3A_1099 = arith.index_cast %parallel_loop3A_1031 : i32 to index
      %parallel_loop3A_1100 = arith.constant 112 : index
      %parallel_loop3A_1101 = tpu.vector_load %arg10[%parallel_loop3A_1099, %parallel_loop3A_1100] {strides = array<i32>} : memref<64x128xf32, #tpu.memory_space<vmem>>, vector<1x16xf32>,
      %parallel_loop3A_1102 = vector.shape_cast %parallel_loop3A_1101 : vector<1x16xf32> to vector<16xf32>
      %parallel_loop3A_1103 = vector.shape_cast %parallel_loop3A_1098 : vector<16xf32> to vector<1x16xf32>
      tpu.vector_store %arg10[%parallel_loop3A_1099, %parallel_loop3A_1100], %parallel_loop3A_1103 {add = true, strides = array<i32>} : memref<64x128xf32, #tpu.memory_space<vmem>>, vector<1x16xf32>,
    } {sc.loop_unroll_factor = 2 : i64, sc.parallel_access}
    %add3A_984 = arith.constant 126976 : i32
    %add3A_985 = arith.addi %add3A_984, %add3A : i32
    %dma_start3A_986 = arith.constant 0 : i32
    %dma_start3A_987 = tpu.memref_slice %arg5[%add3A_985, %dma_start3A_986] : memref<131072x128xf32, #tpu.memory_space<hbm>> -> memref<64x128xf32, #tpu.memory_space<hbm>>
    %dma_start3A_988 = arith.constant 0 : i32
    %dma_start3A_989 = tpu.memref_slice %arg5[%add3A_985, %dma_start3A_988] : memref<131072x128xf32, #tpu.memory_space<hbm>> -> memref<64x128xf32, #tpu.memory_space<hbm>>
    tpu.enqueue_dma source(%arg10 : memref<64x128xf32, #tpu.memory_space<vmem>>) target(%dma_start3A_989 : memref<64x128xf32, #tpu.memory_space<hbm>>) target_semaphore(%arg19 : memref<!tpu.dma_semaphore, #tpu.memory_space<semaphore_mem>>)
    %mul3A_990 = arith.constant 64 : i32
    %mul3A_991 = arith.muli %arg0, %mul3A_990 : i32
    %dma_wait3A_992 = arith.constant 63 : i32
    %dma_wait3A_993 = tpu.memref_slice %arg6[%dma_wait3A_992, %mul3A_991] : memref<64x128xi32, #tpu.memory_space<vmem>> -> memref<1x64xi32, #tpu.memory_space<vmem>>
    %dma_wait3A_994 = tpu.memref_squeeze %dma_wait3A_993 : memref<1x64xi32, #tpu.memory_space<vmem>> -> memref<64xi32, #tpu.memory_space<vmem>>
    %dma_wait3A_995 = arith.constant 0 : i32
    %dma_wait3A_996 = arith.constant 0 : i32
    %dma_wait3A_997 = tpu.memref_slice %arg3[%dma_wait3A_995, %dma_wait3A_996] : memref<100000x128xf32, #tpu.memory_space<hbm>> -> memref<100000x128xf32, #tpu.memory_space<hbm>>
    tpu.wait_indirect_dma semaphore(%arg16 : memref<!tpu.dma_semaphore, #tpu.memory_space<semaphore_mem>>) src(%dma_wait3A_997 : memref<100000x128xf32, #tpu.memory_space<hbm>>) dst(%arg11 : memref<64x128xf32, #tpu.memory_space<vmem>>)
    %parallel_loop3A_998 = arith.constant 0 : i32
    %parallel_loop3A_999 = arith.constant 64 : i32
    %parallel_loop3A_1000 = arith.constant 1 : i32
    scf.for %parallel_loop3A_1031 = %parallel_loop3A_998 to %parallel_loop3A_999 step %parallel_loop3A_1000  : i32 {
      %parallel_loop3A_1032 = arith.index_cast %parallel_loop3A_1031 : i32 to index
      %parallel_loop3A_1033 = arith.constant 0 : index
      %parallel_loop3A_1034 = tpu.vector_load %arg7[%parallel_loop3A_1032, %parallel_loop3A_1033] {strides = array<i32>} : memref<64x128xf32, #tpu.memory_space<vmem>>, vector<1x16xf32>,
      %parallel_loop3A_1035 = vector.shape_cast %parallel_loop3A_1034 : vector<1x16xf32> to vector<16xf32>
      %parallel_loop3A_1036 = arith.index_cast %parallel_loop3A_1031 : i32 to index
      %parallel_loop3A_1037 = arith.constant 0 : index
      %parallel_loop3A_1038 = tpu.vector_load %arg11[%parallel_loop3A_1036, %parallel_loop3A_1037] {strides = array<i32>} : memref<64x128xf32, #tpu.memory_space<vmem>>, vector<1x16xf32>,
      %parallel_loop3A_1039 = vector.shape_cast %parallel_loop3A_1038 : vector<1x16xf32> to vector<16xf32>
      %parallel_loop3A_1040 = vector.shape_cast %parallel_loop3A_1035 : vector<16xf32> to vector<1x16xf32>
      tpu.vector_store %arg11[%parallel_loop3A_1036, %parallel_loop3A_1037], %parallel_loop3A_1040 {add = true, strides = array<i32>} : memref<64x128xf32, #tpu.memory_space<vmem>>, vector<1x16xf32>,
      %parallel_loop3A_1041 = arith.index_cast %parallel_loop3A_1031 : i32 to index
      %parallel_loop3A_1042 = arith.constant 16 : index
      %parallel_loop3A_1043 = tpu.vector_load %arg7[%parallel_loop3A_1041, %parallel_loop3A_1042] {strides = array<i32>} : memref<64x128xf32, #tpu.memory_space<vmem>>, vector<1x16xf32>,
      %parallel_loop3A_1044 = vector.shape_cast %parallel_loop3A_1043 : vector<1x16xf32> to vector<16xf32>
      %parallel_loop3A_1045 = arith.index_cast %parallel_loop3A_1031 : i32 to index
      %parallel_loop3A_1046 = arith.constant 16 : index
      %parallel_loop3A_1047 = tpu.vector_load %arg11[%parallel_loop3A_1045, %parallel_loop3A_1046] {strides = array<i32>} : memref<64x128xf32, #tpu.memory_space<vmem>>, vector<1x16xf32>,
      %parallel_loop3A_1048 = vector.shape_cast %parallel_loop3A_1047 : vector<1x16xf32> to vector<16xf32>
      %parallel_loop3A_1049 = vector.shape_cast %parallel_loop3A_1044 : vector<16xf32> to vector<1x16xf32>
      tpu.vector_store %arg11[%parallel_loop3A_1045, %parallel_loop3A_1046], %parallel_loop3A_1049 {add = true, strides = array<i32>} : memref<64x128xf32, #tpu.memory_space<vmem>>, vector<1x16xf32>,
      %parallel_loop3A_1050 = arith.index_cast %parallel_loop3A_1031 : i32 to index
      %parallel_loop3A_1051 = arith.constant 32 : index
      %parallel_loop3A_1052 = tpu.vector_load %arg7[%parallel_loop3A_1050, %parallel_loop3A_1051] {strides = array<i32>} : memref<64x128xf32, #tpu.memory_space<vmem>>, vector<1x16xf32>,
      %parallel_loop3A_1053 = vector.shape_cast %parallel_loop3A_1052 : vector<1x16xf32> to vector<16xf32>
      %parallel_loop3A_1054 = arith.index_cast %parallel_loop3A_1031 : i32 to index
      %parallel_loop3A_1055 = arith.constant 32 : index
      %parallel_loop3A_1056 = tpu.vector_load %arg11[%parallel_loop3A_1054, %parallel_loop3A_1055] {strides = array<i32>} : memref<64x128xf32, #tpu.memory_space<vmem>>, vector<1x16xf32>,
      %parallel_loop3A_1057 = vector.shape_cast %parallel_loop3A_1056 : vector<1x16xf32> to vector<16xf32>
      %parallel_loop3A_1058 = vector.shape_cast %parallel_loop3A_1053 : vector<16xf32> to vector<1x16xf32>
      tpu.vector_store %arg11[%parallel_loop3A_1054, %parallel_loop3A_1055], %parallel_loop3A_1058 {add = true, strides = array<i32>} : memref<64x128xf32, #tpu.memory_space<vmem>>, vector<1x16xf32>,
      %parallel_loop3A_1059 = arith.index_cast %parallel_loop3A_1031 : i32 to index
      %parallel_loop3A_1060 = arith.constant 48 : index
      %parallel_loop3A_1061 = tpu.vector_load %arg7[%parallel_loop3A_1059, %parallel_loop3A_1060] {strides = array<i32>} : memref<64x128xf32, #tpu.memory_space<vmem>>, vector<1x16xf32>,
      %parallel_loop3A_1062 = vector.shape_cast %parallel_loop3A_1061 : vector<1x16xf32> to vector<16xf32>
      %parallel_loop3A_1063 = arith.index_cast %parallel_loop3A_1031 : i32 to index
      %parallel_loop3A_1064 = arith.constant 48 : index
      %parallel_loop3A_1065 = tpu.vector_load %arg11[%parallel_loop3A_1063, %parallel_loop3A_1064] {strides = array<i32>} : memref<64x128xf32, #tpu.memory_space<vmem>>, vector<1x16xf32>,
      %parallel_loop3A_1066 = vector.shape_cast %parallel_loop3A_1065 : vector<1x16xf32> to vector<16xf32>
      %parallel_loop3A_1067 = vector.shape_cast %parallel_loop3A_1062 : vector<16xf32> to vector<1x16xf32>
      tpu.vector_store %arg11[%parallel_loop3A_1063, %parallel_loop3A_1064], %parallel_loop3A_1067 {add = true, strides = array<i32>} : memref<64x128xf32, #tpu.memory_space<vmem>>, vector<1x16xf32>,
      %parallel_loop3A_1068 = arith.index_cast %parallel_loop3A_1031 : i32 to index
      %parallel_loop3A_1069 = arith.constant 64 : index
      %parallel_loop3A_1070 = tpu.vector_load %arg7[%parallel_loop3A_1068, %parallel_loop3A_1069] {strides = array<i32>} : memref<64x128xf32, #tpu.memory_space<vmem>>, vector<1x16xf32>,
      %parallel_loop3A_1071 = vector.shape_cast %parallel_loop3A_1070 : vector<1x16xf32> to vector<16xf32>
      %parallel_loop3A_1072 = arith.index_cast %parallel_loop3A_1031 : i32 to index
      %parallel_loop3A_1073 = arith.constant 64 : index
      %parallel_loop3A_1074 = tpu.vector_load %arg11[%parallel_loop3A_1072, %parallel_loop3A_1073] {strides = array<i32>} : memref<64x128xf32, #tpu.memory_space<vmem>>, vector<1x16xf32>,
      %parallel_loop3A_1075 = vector.shape_cast %parallel_loop3A_1074 : vector<1x16xf32> to vector<16xf32>
      %parallel_loop3A_1076 = vector.shape_cast %parallel_loop3A_1071 : vector<16xf32> to vector<1x16xf32>
      tpu.vector_store %arg11[%parallel_loop3A_1072, %parallel_loop3A_1073], %parallel_loop3A_1076 {add = true, strides = array<i32>} : memref<64x128xf32, #tpu.memory_space<vmem>>, vector<1x16xf32>,
      %parallel_loop3A_1077 = arith.index_cast %parallel_loop3A_1031 : i32 to index
      %parallel_loop3A_1078 = arith.constant 80 : index
      %parallel_loop3A_1079 = tpu.vector_load %arg7[%parallel_loop3A_1077, %parallel_loop3A_1078] {strides = array<i32>} : memref<64x128xf32, #tpu.memory_space<vmem>>, vector<1x16xf32>,
      %parallel_loop3A_1080 = vector.shape_cast %parallel_loop3A_1079 : vector<1x16xf32> to vector<16xf32>
      %parallel_loop3A_1081 = arith.index_cast %parallel_loop3A_1031 : i32 to index
      %parallel_loop3A_1082 = arith.constant 80 : index
      %parallel_loop3A_1083 = tpu.vector_load %arg11[%parallel_loop3A_1081, %parallel_loop3A_1082] {strides = array<i32>} : memref<64x128xf32, #tpu.memory_space<vmem>>, vector<1x16xf32>,
      %parallel_loop3A_1084 = vector.shape_cast %parallel_loop3A_1083 : vector<1x16xf32> to vector<16xf32>
      %parallel_loop3A_1085 = vector.shape_cast %parallel_loop3A_1080 : vector<16xf32> to vector<1x16xf32>
      tpu.vector_store %arg11[%parallel_loop3A_1081, %parallel_loop3A_1082], %parallel_loop3A_1085 {add = true, strides = array<i32>} : memref<64x128xf32, #tpu.memory_space<vmem>>, vector<1x16xf32>,
      %parallel_loop3A_1086 = arith.index_cast %parallel_loop3A_1031 : i32 to index
      %parallel_loop3A_1087 = arith.constant 96 : index
      %parallel_loop3A_1088 = tpu.vector_load %arg7[%parallel_loop3A_1086, %parallel_loop3A_1087] {strides = array<i32>} : memref<64x128xf32, #tpu.memory_space<vmem>>, vector<1x16xf32>,
      %parallel_loop3A_1089 = vector.shape_cast %parallel_loop3A_1088 : vector<1x16xf32> to vector<16xf32>
      %parallel_loop3A_1090 = arith.index_cast %parallel_loop3A_1031 : i32 to index
      %parallel_loop3A_1091 = arith.constant 96 : index
      %parallel_loop3A_1092 = tpu.vector_load %arg11[%parallel_loop3A_1090, %parallel_loop3A_1091] {strides = array<i32>} : memref<64x128xf32, #tpu.memory_space<vmem>>, vector<1x16xf32>,
      %parallel_loop3A_1093 = vector.shape_cast %parallel_loop3A_1092 : vector<1x16xf32> to vector<16xf32>
      %parallel_loop3A_1094 = vector.shape_cast %parallel_loop3A_1089 : vector<16xf32> to vector<1x16xf32>
      tpu.vector_store %arg11[%parallel_loop3A_1090, %parallel_loop3A_1091], %parallel_loop3A_1094 {add = true, strides = array<i32>} : memref<64x128xf32, #tpu.memory_space<vmem>>, vector<1x16xf32>,
      %parallel_loop3A_1095 = arith.index_cast %parallel_loop3A_1031 : i32 to index
      %parallel_loop3A_1096 = arith.constant 112 : index
      %parallel_loop3A_1097 = tpu.vector_load %arg7[%parallel_loop3A_1095, %parallel_loop3A_1096] {strides = array<i32>} : memref<64x128xf32, #tpu.memory_space<vmem>>, vector<1x16xf32>,
      %parallel_loop3A_1098 = vector.shape_cast %parallel_loop3A_1097 : vector<1x16xf32> to vector<16xf32>
      %parallel_loop3A_1099 = arith.index_cast %parallel_loop3A_1031 : i32 to index
      %parallel_loop3A_1100 = arith.constant 112 : index
      %parallel_loop3A_1101 = tpu.vector_load %arg11[%parallel_loop3A_1099, %parallel_loop3A_1100] {strides = array<i32>} : memref<64x128xf32, #tpu.memory_space<vmem>>, vector<1x16xf32>,
      %parallel_loop3A_1102 = vector.shape_cast %parallel_loop3A_1101 : vector<1x16xf32> to vector<16xf32>
      %parallel_loop3A_1103 = vector.shape_cast %parallel_loop3A_1098 : vector<16xf32> to vector<1x16xf32>
      tpu.vector_store %arg11[%parallel_loop3A_1099, %parallel_loop3A_1100], %parallel_loop3A_1103 {add = true, strides = array<i32>} : memref<64x128xf32, #tpu.memory_space<vmem>>, vector<1x16xf32>,
    } {sc.loop_unroll_factor = 2 : i64, sc.parallel_access}
    %add3A_1001 = arith.constant 129024 : i32
    %add3A_1002 = arith.addi %add3A_1001, %add3A : i32
    %dma_start3A_1003 = arith.constant 0 : i32
    %dma_start3A_1004 = tpu.memref_slice %arg5[%add3A_1002, %dma_start3A_1003] : memref<131072x128xf32, #tpu.memory_space<hbm>> -> memref<64x128xf32, #tpu.memory_space<hbm>>
    %dma_start3A_1005 = arith.constant 0 : i32
    %dma_start3A_1006 = tpu.memref_slice %arg5[%add3A_1002, %dma_start3A_1005] : memref<131072x128xf32, #tpu.memory_space<hbm>> -> memref<64x128xf32, #tpu.memory_space<hbm>>
    tpu.enqueue_dma source(%arg11 : memref<64x128xf32, #tpu.memory_space<vmem>>) target(%dma_start3A_1006 : memref<64x128xf32, #tpu.memory_space<hbm>>) target_semaphore(%arg20 : memref<!tpu.dma_semaphore, #tpu.memory_space<semaphore_mem>>)
    %add3A_1007 = arith.constant 122880 : i32
    %add3A_1008 = arith.addi %add3A_1007, %add3A : i32
    %dma_wait3A_1009 = arith.constant 0 : i32
    %dma_wait3A_1010 = tpu.memref_slice %arg5[%add3A_1008, %dma_wait3A_1009] : memref<131072x128xf32, #tpu.memory_space<hbm>> -> memref<64x128xf32, #tpu.memory_space<hbm>>
    %dma_wait3A_1011 = arith.constant 0 : i32
    %dma_wait3A_1012 = tpu.memref_slice %arg5[%add3A_1008, %dma_wait3A_1011] : memref<131072x128xf32, #tpu.memory_space<hbm>> -> memref<64x128xf32, #tpu.memory_space<hbm>>
    tpu.wait_dma2 semaphore(%arg17 : memref<!tpu.dma_semaphore, #tpu.memory_space<semaphore_mem>>) src(%arg8 : memref<64x128xf32, #tpu.memory_space<vmem>>) dst(%dma_wait3A_1012 : memref<64x128xf32, #tpu.memory_space<hbm>>)
    %add3A_1013 = arith.constant 124928 : i32
    %add3A_1014 = arith.addi %add3A_1013, %add3A : i32
    %dma_wait3A_1015 = arith.constant 0 : i32
    %dma_wait3A_1016 = tpu.memref_slice %arg5[%add3A_1014, %dma_wait3A_1015] : memref<131072x128xf32, #tpu.memory_space<hbm>> -> memref<64x128xf32, #tpu.memory_space<hbm>>
    %dma_wait3A_1017 = arith.constant 0 : i32
    %dma_wait3A_1018 = tpu.memref_slice %arg5[%add3A_1014, %dma_wait3A_1017] : memref<131072x128xf32, #tpu.memory_space<hbm>> -> memref<64x128xf32, #tpu.memory_space<hbm>>
    tpu.wait_dma2 semaphore(%arg18 : memref<!tpu.dma_semaphore, #tpu.memory_space<semaphore_mem>>) src(%arg9 : memref<64x128xf32, #tpu.memory_space<vmem>>) dst(%dma_wait3A_1018 : memref<64x128xf32, #tpu.memory_space<hbm>>)
    %add3A_1019 = arith.constant 126976 : i32
    %add3A_1020 = arith.addi %add3A_1019, %add3A : i32
    %dma_wait3A_1021 = arith.constant 0 : i32
    %dma_wait3A_1022 = tpu.memref_slice %arg5[%add3A_1020, %dma_wait3A_1021] : memref<131072x128xf32, #tpu.memory_space<hbm>> -> memref<64x128xf32, #tpu.memory_space<hbm>>
    %dma_wait3A_1023 = arith.constant 0 : i32
    %dma_wait3A_1024 = tpu.memref_slice %arg5[%add3A_1020, %dma_wait3A_1023] : memref<131072x128xf32, #tpu.memory_space<hbm>> -> memref<64x128xf32, #tpu.memory_space<hbm>>
    tpu.wait_dma2 semaphore(%arg19 : memref<!tpu.dma_semaphore, #tpu.memory_space<semaphore_mem>>) src(%arg10 : memref<64x128xf32, #tpu.memory_space<vmem>>) dst(%dma_wait3A_1024 : memref<64x128xf32, #tpu.memory_space<hbm>>)
    %add3A_1025 = arith.constant 129024 : i32
    %add3A_1026 = arith.addi %add3A_1025, %add3A : i32
    %dma_wait3A_1027 = arith.constant 0 : i32
    %dma_wait3A_1028 = tpu.memref_slice %arg5[%add3A_1026, %dma_wait3A_1027] : memref<131072x128xf32, #tpu.memory_space<hbm>> -> memref<64x128xf32, #tpu.memory_space<hbm>>
    %dma_wait3A_1029 = arith.constant 0 : i32
    %dma_wait3A_1030 = tpu.memref_slice %arg5[%add3A_1026, %dma_wait3A_1029] : memref<131072x128xf32, #tpu.memory_space<hbm>> -> memref<64x128xf32, #tpu.memory_space<hbm>>
    tpu.wait_dma2 semaphore(%arg20 : memref<!tpu.dma_semaphore, #tpu.memory_space<semaphore_mem>>) src(%arg11 : memref<64x128xf32, #tpu.memory_space<vmem>>) dst(%dma_wait3A_1030 : memref<64x128xf32, #tpu.memory_space<hbm>>)
    return
  }
}

</mosaic_0001>

<sc_bundles>
// kernel: _emb.3.cloned.1.call-start
scs
__scs_entry_jumppad:
0x0: {  	(pc) =	sbr.rel $0x88, $3  }
0x1: {  	(tag) =	ssettag $0x0;
	lr =	simm.s32 $0x1  }
0x2: {  	[smem:$0x3F9E] =	sst lr;
	_ =	strace $0xD0000000  }
0x3: {  	_ = 	snop  }
0x4: {  	_ = 	snop  }
0x5: {  	_ = 	snop  }
0x6: {  	_ = 	snop  }
0x7: {  	_ = 	snop  }
__scs_overlays_trampoline_lowered:
0x8: {  	[smem:$0x3FAD] =	sst s0  }
0x9: {  	[smem:$0x3FAE] =	sst s1  }
0xa: {  	[smem:$0x3FAF] =	sst s2  }
0xb: {  	[smem:$0x3FB0] =	sst s3  }
0xc: {  	[smem:$0x3FB1] =	sst s4  }
0xd: {  	[smem:$0x3FB2] =	sst s5  }
0xe: {  	[smem:$0x3FB3] =	sst s6  }
0xf: {  	[smem:$0x3FB4] =	sst s7  }
0x10: {  	[smem:$0x3FB5] =	sst s8  }
0x11: {  	[smem:$0x3FB6] =	sst s9;
	s0 =	simm.s32 @!p0 $0x0  }
0x12: {  	s1 =	sld [smem:$0x3F9C];
	s0 =	simm.s32 @p0 $0x1  }
0x13: {  	[smem:$0x3FB7] =	sst s0;
	s0 =	simm.s32 @!p1 $0x0  }
0x14: {  	s2 =	sld [smem:$0x3F9B];
	s0 =	simm.s32 @p1 $0x1  }
0x15: {  	[smem:$0x3FB8] =	sst s0;
	s0 =	simm.s32 @!p2 $0x0  }
0x16: {  	s3 =	sld [smem:$0x3FDB];
	s0 =	simm.s32 @p2 $0x1  }
0x17: {  	s4 =	simm.s32 $0x1BF5;
	[smem:$0x3FBA] =	sst s0  }
0x18: {  	s0 =	sld [smem:$0x3F9D];
	_ =	swait.ge [sflag:s4], $0x0  }
0x19: {  	s7 =	sld [smem:$0x3F9E]  }
0x1a: {  	s8 =	sadd.s32 $0xFFFFE003, lr  }
0x1b: {  	s9 =	sadd.s32 $0xFFFFFEF7, lr;
	s5 =	simm.s32 $0xFFFFFFFF;
	p2 =	slt.u32 s8, $0xFFFFF086  }
0x1c: {  	p1 =	slt.u32 s9, $0xF7A;
	s5 =	simm.s32 @!p2 $0x0  }
0x1d: {  	s5 =	simm.s32 @p1 $0x1;
	p0 =	seq.s32 s7, s2  }
0x1e: {  	s7 =	smul.u32 @!p0 $0xF7A, s2;
	p2 =	seq.s32 @!p0 s5, $0x0  }
0x1f: {  	s9 =	smul.u32 $0xF7A, s1;
	s8 =	simm.s32 @!p0 $0x1BF5;
	p2 =	por !p2, p0  }
0x20: {  	[sflag:s8] =	ssyncset.s32 @!p0 $0xFFFFF086;
	s6 =	sadd.s32 @!p0 s3, s7;
	s7 =	simm.s32 @!p0 $0x108  }
0x21: {  	s3 =	sadd.s32 s3, s9;
	s6 =	sadd.s32 @!p0 $0x88, s6;
	s7 =	simm.s32 @p2 $0x1082  }
0x22: {  	[simem:s7], [sflag:s8] =	dma.local @!p0 [hbm:s6], $0xF7A  }
0x23: {  	s9 =	sor.u32 $0xD0000000, s2;
	s6 =	simm.s32 $0x108;
	_ =	swait.ge @!p0 [sflag:s8], $0x0  }
0x24: {  	s3 =	sadd.s32 $0x88, s3;
	s6 =	simm.s32 @!p1 $0x1082;
	[sflag:s4] =	ssyncset.s32 $0xFFFFF086  }
0x25: {  	[simem:s6], [sflag:s4] =	dma.local [hbm:s3], $0xF7A  }
0x26: {  	[smem:$0x3F9E] =	sst s1;
	(tag) =	ssettag s2;
	_ =	strace s9  }
0x27: {  	s1 =	sld [smem:$0x3FAE]  }
0x28: {  	s2 =	sld [smem:$0x3FAF]  }
0x29: {  	s4 =	sld [smem:$0x3FB1]  }
0x2a: {  	p0 =	seq.s32 s5, $0x0;
	s5 =	sld [smem:$0x3FB2]  }
0x2b: {  	s6 =	sld [smem:$0x3FB3]  }
0x2c: {  	s7 =	sld [smem:$0x3FB4]  }
0x2d: {  	s3 =	simm.s32 $0x108;
	s8 =	sld [smem:$0x3FB5]  }
0x2e: {  	s3 =	simm.s32 @!p0 $0x1082;
	s9 =	sld [smem:$0x3FB6]  }
0x2f: {  	lr =	sadd.s32 s0, s3;
	s0 =	sld [smem:$0x3FAD]  }
0x30: {  	s3 =	sld [smem:$0x3FB0]  }
0x31: {  	[smem:$0x3FB9] =	sst s10  }
0x32: {  	s10 =	sld [smem:$0x3FB7];
	_ =	sdelay $0x3  }
0x33: {  	p0 =	seq.s32 s10, $0x1;
	s10 =	sld [smem:$0x3FB9];
	_ =	sdelay $0x3  }
0x34: {  	[smem:$0x3FB9] =	sst s10  }
0x35: {  	s10 =	sld [smem:$0x3FB8];
	_ =	sdelay $0x3  }
0x36: {  	p1 =	seq.s32 s10, $0x1;
	s10 =	sld [smem:$0x3FB9];
	_ =	sdelay $0x3  }
0x37: {  	[smem:$0x3FB9] =	sst s10  }
0x38: {  	s10 =	sld [smem:$0x3FBA]  }
0x39: {  	_ = 	snop;
	(pc) =	sbr.ind lr, $3  }
0x3a: {  	_ = 	snop  }
0x3b: {  	_ = 	snop  }
0x3c: {  	p2 =	seq.s32 s10, $0x1;
	s10 =	sld [smem:$0x3FB9]  }
0x3d: {  	_ =	shalt  }
0x3e: {  	_ =	shalt  }
0x3f: {  	_ =	shalt  }
0x40: {  	_ =	shalt  }
0x41: {  	_ =	shalt  }
0x42: {  	_ =	shalt  }
0x43: {  	_ =	shalt  }
0x44: {  	_ =	shalt  }
0x45: {  	_ =	shalt  }
0x46: {  	_ =	shalt  }
0x47: {  	_ =	shalt  }
0x48: {  	_ =	shalt  }
0x49: {  	_ =	shalt  }
0x4a: {  	_ =	shalt  }
0x4b: {  	_ =	shalt  }
0x4c: {  	_ =	shalt  }
0x4d: {  	_ =	shalt  }
0x4e: {  	_ =	shalt  }
0x4f: {  	_ =	shalt  }
0x50: {  	_ =	shalt  }
0x51: {  	_ =	shalt  }
0x52: {  	_ =	shalt  }
0x53: {  	_ =	shalt  }
0x54: {  	_ =	shalt  }
0x55: {  	_ =	shalt  }
0x56: {  	_ =	shalt  }
0x57: {  	_ =	shalt  }
0x58: {  	_ =	shalt  }
0x59: {  	_ =	shalt  }
0x5a: {  	_ =	shalt  }
0x5b: {  	_ =	shalt  }
0x5c: {  	_ =	shalt  }
0x5d: {  	_ =	shalt  }
0x5e: {  	_ =	shalt  }
0x5f: {  	_ =	shalt  }
0x60: {  	_ =	shalt  }
0x61: {  	_ =	shalt  }
0x62: {  	_ =	shalt  }
0x63: {  	_ =	shalt  }
0x64: {  	_ =	shalt  }
0x65: {  	_ =	shalt  }
0x66: {  	_ =	shalt  }
0x67: {  	_ =	shalt  }
0x68: {  	_ =	shalt  }
0x69: {  	_ =	shalt  }
0x6a: {  	_ =	shalt  }
0x6b: {  	_ =	shalt  }
0x6c: {  	_ =	shalt  }
0x6d: {  	_ =	shalt  }
0x6e: {  	_ =	shalt  }
0x6f: {  	_ =	shalt  }
0x70: {  	_ =	shalt  }
0x71: {  	_ =	shalt  }
0x72: {  	_ =	shalt  }
0x73: {  	_ =	shalt  }
0x74: {  	_ =	shalt  }
0x75: {  	_ =	shalt  }
0x76: {  	_ =	shalt  }
0x77: {  	_ =	shalt  }
0x78: {  	_ =	shalt  }
0x79: {  	_ =	shalt  }
0x7a: {  	_ =	shalt  }
0x7b: {  	_ =	shalt  }
0x7c: {  	_ =	shalt  }
0x7d: {  	_ =	shalt  }
0x7e: {  	_ =	shalt  }
0x7f: {  	_ =	shalt  }
0x80: {  	_ =	shalt  }
0x81: {  	_ =	shalt  }
0x82: {  	_ =	shalt  }
0x83: {  	_ =	shalt  }
0x84: {  	_ =	shalt  }
0x85: {  	_ =	shalt  }
0x86: {  	_ =	shalt  }
0x87: {  	_ =	shalt  }
.Lfunc_end0:
.L_simem_size_0:
called_computation_lowered:
.L_overlay_start_0:
0x88: {  	s2 =	sld [smem:$0x3FD9]  }
0x89: {  	s3 =	sld [smem:$0x3FFE];
	_ =	sdelay $0x1  }
0x8a: {  	s1 =	srdreg.scid  }
0x8b: {  	s0 =	sand.u32 $0x1, s1  }
0x8c: {  	s18 =	sshll.u32 s0, $0xA;
	s2 =	sadd.s32 s3, s2  }
0x8d: {  	s2 =	sadd.s32 s2, s18  }
0x8e: {  	[smem:$0x3FC5] =	sst s2  }
0x8f: {  	_ = 	snop  }
0x90: {  	s2 =	sld [smem:$0x3FC9]  }
0x91: {  	s19 =	sld [smem:$0x3FC8]  }
0x92: {  	s4 =	sld [smem:$0x3FC7]  }
0x93: {  	s5 =	sld [smem:$0x3FD0];
	(tm) =	ssettm $0x1  }
0x94: {  	s6 =	sld [smem:$0x3FFB];
	_ =	sdelay $0x3  }
0x95: {  	_ =	strace s6  }
0x96: {  	s6 =	sld [smem:$0x3FFC];
	_ =	sdelay $0x3  }
0x97: {  	_ =	strace s6  }
0x98: {  	s6 =	sld [smem:$0x3FFD];
	_ =	sdelay $0x3  }
0x99: {  	_ =	strace s6  }
0x9a: {  	_ =	strace $0x8FFFFFFF  }
0x9b: {  	s20 =	sld [smem:$0x3FDB];
	_ =	sdelay $0x1  }
0x9c: {  	s7 =	simm.s32 $_scs_section_size  }
0x9d: {  	s8 =	simm.s32 $_size__tile_overlayer_lowered;
	s9 =	simm.s32 $_tile_overlayer_lowered  }
0x9e: {  	s23 =	simm.s32 $0x1BFF;
	s22 =	sshll.u32 s9, $0x1;
	s6 =	sadd.s32 s7, s20  }
0x9f: {  	s10 =	simm.s32 $0x0;
	s21 =	sshll.u32 s8, $0x1;
	s8 =	sadd.s32 s22, s6  }
0xa0: {  	[timem:s10], [sflag:s23] =	dma.local [hbm:s8], s21  }
0xa1: {  	_ =	swait.ge [sflag:s23], s21  }
0xa2: {  	s7 =	ssub.s32 $0x0, s21;
	[sflag:s23] =	ssyncset.done $0x0  }
0xa3: {  	[sflag:s23] =	ssyncadd.s32 s7;
	_ =	sdelay $0x1  }
0xa4: {  	s24 =	simm.s32 $0x1B8B  }
0xa5: {  	_ =	swait.ge [sflag:s24], $0x1  }
0xa6: {  	[sflag:s24] =	ssyncset.done $0x0  }
0xa7: {  	s25 =	simm.s32 $0x1B8E;
	[sflag:s24] =	ssyncadd.s32 $0xFFFFFFFF  }
0xa8: {  	s26 =	simm.s32 $execute0_lowered;
	[smem:$0x3FD2] =	sst s25  }
0xa9: {  	s7 =	sshll.u32 s26, $0x1;
	_ =	strace $0x80000046;
	[dreg:$0x1] =	wrdreg $0xFFFFFFFF  }
0xaa: {  	s28 =	simm.s32 $_size_execute0_lowered;
	s6 =	sadd.s32 s6, s7;
	[dreg:$0x0] =	wrdreg $0x0  }
0xab: {  	s7 =	sshll.u32 s28, $0x1;
	[dreg:$0x2] =	wrdreg s6  }
0xac: {  	[dreg:$0x3] =	wrdreg s7  }
0xad: {  	[dreg:$0x4] =	wrdreg $0xC0  }
0xae: {  	_ =	task [dreg:s10], $0x5FFFF  }
0xaf: {  	[dreg:$0x1] =	wrdreg $0xFFFFFFFF  }
0xb0: {  	[dreg:$0x0] =	wrdreg $0x60  }
0xb1: {  	[dreg:$0x2] =	wrdreg s2  }
0xb2: {  	[dreg:$0x3] =	wrdreg s19  }
0xb3: {  	[dreg:$0x4] =	wrdreg s4  }
0xb4: {  	[dreg:$0x5] =	wrdreg s5  }
0xb5: {  	[dreg:$0x6] =	wrdreg $0x9  }
0xb6: {  	_ =	task.clear_ibuf [dreg:s10], $0x7FFFF;
	_ =	strace $0x90000046  }
0xb7: {  	s29 =	simm.s32 $0x9;
	_ =	strace $0x80000048  }
0xb8: {  	_ =	swait.ge [sflag:s29], $0x1  }
0xb9: {  	[sflag:s29] =	ssyncadd.s32 $0xFFFFFFFF  }
0xba: {  	_ =	strace $0x90000048  }
0xbb: {  	_ =	sfence  }
0xbc: {  	s30 =	sld [smem:$0x0];
	_ =	sdelay $0x2  }
0xbd: {  	s31 =	sshll.u32 s1, $0xD;
	s1 =	sshrl.u32 s1, $0x2  }
0xbe: {  	s3 =	sand.u32 $0x4000, s31;
	s1 =	sadd.s32 s1, s30  }
0xbf: {  	s0 =	sor.u32 s3, s0;
	s1 =	sshll.u32 s1, $0x11  }
0xc0: {  	s0 =	sor.u32 s1, s0  }
0xc1: {  	s0 =	sadd.s32 $0x8F2B, s0  }
0xc2: {  	[sflag:s0] =	ssyncadd.remote.s32 $0x1  }
0xc3: {  	_ =	sfence.sel $0xFFFF  }
0xc4: {  	[dreg:$0x0] =	wrdreg $0xFFFFFFFF;
	(pc) =	sbr.abs _section_cstart, $3  }
0xc5: {  	[dreg:$0x1] =	wrdreg $0xFFFFFFFF  }
0xc6: {  	_ =	task.clear_ibuf [dreg:s10], $0x2FFFF;
	_ =	strace $0x9FFFFFFF  }
0xc7: {  	(tm) =	ssettm $0x7FFFFFFF  }
tec
execute0_lowered:
.L_overlay_start_1:
0x0: {  	(tag) =	ssettag $0x1  }
0x1: {  	s0 =	rddreg [dreg:$0x0];
	s5 =	srdreg.scid  }
0x2: {  	s1 =	rddreg [dreg:$0x1];
	s5 =	sand.u32 $0x1, s5  }
0x3: {  	s3 =	rddreg [dreg:$0x2];
	s8 =	stileid.u32;
	s6 =	ssub.s32 $0x2, s5  }
0x4: {  	s2 =	rddreg [dreg:$0x3];
	s8 =	sshll.u32 s8, $0x7;
	s7 =	sshrl.u32 s6, $0x1  }
0x5: {  	s4 =	simm.s32 $0x0;
	s7 =	ssub.s32 s6, s7;
	s6 =	sadd.s32 s0, s8  }
0x6: {  	[smem:$0x7FF] =	sst s4;
	s20 =	sadd.s32 $0x10, s6  }
0x7: {  	_ =	strace $0x80000047;
	s21 =	sadd.s32 $0x20, s6;
	[dreg:$0x5] =	wrdreg s20  }
0x8: {  	s22 =	sadd.s32 $0x30, s6;
	[dreg:$0x6] =	wrdreg s21  }
0x9: {  	s23 =	sadd.s32 $0x40, s6;
	[dreg:$0x7] =	wrdreg s22  }
0xa: {  	s24 =	sadd.s32 $0x50, s6;
	[dreg:$0x8] =	wrdreg s23  }
0xb: {  	s25 =	sadd.s32 $0x60, s6;
	[dreg:$0x9] =	wrdreg s24  }
0xc: {  	s26 =	sadd.s32 $0x70, s6;
	[dreg:$0xa] =	wrdreg s25  }
0xd: {  	s29 =	sadd.s32 $0x800, s6;
	[dreg:$0xb] =	wrdreg s26  }
0xe: {  	s30 =	sadd.s32 $0x810, s6;
	[dreg:$0xc] =	wrdreg s29  }
0xf: {  	s31 =	sadd.s32 $0x820, s6;
	[dreg:$0xd] =	wrdreg s30  }
0x10: {  	s5 =	sshll.u32 s5, $0x6;
	s9 =	sadd.s32 $0x830, s6;
	[dreg:$0xe] =	wrdreg s31  }
0x11: {  	s19 =	sor.u32 s5, s8;
	s10 =	sadd.s32 $0x840, s6;
	[dreg:$0xf] =	wrdreg s9  }
0x12: {  	s12 =	sshll.u32 s19, $0x4;
	s11 =	sadd.s32 $0x850, s6;
	[dreg:$0x10] =	wrdreg s10  }
0x13: {  	s3 =	sadd.s32 s3, s12;
	[dreg:$0x11] =	wrdreg s11  }
0x14: {  	s13 =	smax.u32 s7, $0x1;
	[dreg:$0x13] =	wrdreg s3  }
0x15: {  	s14 =	sadd.s32 $0x870, s6;
	[dreg:$0x14] =	wrdreg s13  }
0x16: {  	s15 =	sadd.s32 $0x1000, s6;
	[dreg:$0x15] =	wrdreg s14  }
0x17: {  	s16 =	sadd.s32 $0x1010, s6;
	[dreg:$0x16] =	wrdreg s15  }
0x18: {  	s17 =	sadd.s32 $0x1020, s6;
	[dreg:$0x17] =	wrdreg s16  }
0x19: {  	s18 =	sadd.s32 $0x1030, s6;
	[dreg:$0x18] =	wrdreg s17  }
0x1a: {  	s7 =	sadd.s32 $0x1850, s6;
	[dreg:$0x19] =	wrdreg s18  }
0x1b: {  	s8 =	sadd.s32 $0x1860, s6;
	[smem:$0x7D5] =	sst s7  }
0x1c: {  	s9 =	sadd.s32 $0x860, s6;
	s23 =	sor.u32 $0xFFFFF000, s19;
	[smem:$0x7D6] =	sst s8  }
0x1d: {  	s24 =	sor.u32 $0xFFFFF800, s19;
	s19 =	sadd.s32 $0x1040, s6;
	[dreg:$0x12] =	wrdreg s9  }
0x1e: {  	s20 =	sadd.s32 $0x1050, s6;
	[dreg:$0x1a] =	wrdreg s19  }
0x1f: {  	s21 =	sadd.s32 $0x1060, s6;
	[dreg:$0x1b] =	wrdreg s20  }
0x20: {  	s25 =	sadd.s32 $0x1070, s6;
	[dreg:$0x1c] =	wrdreg s21  }
0x21: {  	s26 =	sadd.s32 $0x1800, s6;
	[dreg:$0x1d] =	wrdreg s25  }
0x22: {  	s29 =	sadd.s32 $0x1810, s6;
	[dreg:$0x1e] =	wrdreg s26  }
0x23: {  	s30 =	sadd.s32 $0x1820, s6;
	[dreg:$0x1f] =	wrdreg s29  }
0x24: {  	s31 =	sadd.s32 $0x1830, s6;
	[smem:$0x7D2] =	sst s30  }
0x25: {  	s3 =	sadd.s32 $0x1840, s6;
	[smem:$0x7D3] =	sst s31  }
0x26: {  	s10 =	sadd.s32 $0x2000, s6;
	[smem:$0x7D4] =	sst s3  }
0x27: {  	s11 =	sadd.s32 $0x2010, s6;
	[smem:$0x7D8] =	sst s10  }
0x28: {  	s22 =	sadd.s32 s2, s12;
	s12 =	sadd.s32 $0x2020, s6;
	[smem:$0x7D9] =	sst s11  }
0x29: {  	s13 =	sadd.s32 $0x2030, s6;
	[smem:$0x7DA] =	sst s12  }
0x2a: {  	s14 =	sadd.s32 $0x2040, s6;
	[smem:$0x7DB] =	sst s13  }
0x2b: {  	s15 =	sadd.s32 $0x2050, s6;
	[smem:$0x7DC] =	sst s14  }
0x2c: {  	s16 =	sadd.s32 $0x2060, s6;
	[smem:$0x7DD] =	sst s15  }
0x2d: {  	s17 =	sadd.s32 $0x2070, s6;
	[smem:$0x7DE] =	sst s16  }
0x2e: {  	s18 =	sadd.s32 $0x2800, s6;
	[smem:$0x7DF] =	sst s17  }
0x2f: {  	s7 =	sadd.s32 $0x3020, s6;
	[smem:$0x7E0] =	sst s18  }
0x30: {  	s8 =	sadd.s32 $0x3030, s6;
	[smem:$0x7EA] =	sst s7  }
0x31: {  	s9 =	sadd.s32 $0x1870, s6;
	[smem:$0x7EB] =	sst s8  }
0x32: {  	s19 =	sadd.s32 $0x2810, s6;
	[smem:$0x7D7] =	sst s9  }
0x33: {  	s20 =	sadd.s32 $0x2820, s6;
	[smem:$0x7E1] =	sst s19  }
0x34: {  	s21 =	sadd.s32 $0x2830, s6;
	[smem:$0x7E2] =	sst s20  }
0x35: {  	s25 =	sadd.s32 $0x2840, s6;
	[smem:$0x7E3] =	sst s21  }
0x36: {  	s26 =	sadd.s32 $0x2850, s6;
	[smem:$0x7E4] =	sst s25  }
0x37: {  	s29 =	sadd.s32 $0x2860, s6;
	[smem:$0x7E5] =	sst s26  }
0x38: {  	s30 =	sadd.s32 $0x2870, s6;
	[smem:$0x7E6] =	sst s29  }
0x39: {  	s31 =	sadd.s32 $0x3000, s6;
	[smem:$0x7E7] =	sst s30  }
0x3a: {  	s3 =	sadd.s32 $0x3010, s6;
	[smem:$0x7E8] =	sst s31  }
0x3b: {  	s10 =	sadd.s32 $0x3050, s6;
	[smem:$0x7E9] =	sst s3  }
0x3c: {  	s11 =	sadd.s32 $0x3060, s6;
	[smem:$0x7ED] =	sst s10  }
0x3d: {  	s12 =	sadd.s32 $0x3070, s6;
	[smem:$0x7EE] =	sst s11  }
0x3e: {  	s13 =	sadd.s32 $0x3800, s6;
	[smem:$0x7EF] =	sst s12  }
0x3f: {  	s14 =	sadd.s32 $0x3810, s6;
	[smem:$0x7F0] =	sst s13  }
0x40: {  	s15 =	sadd.s32 $0x3820, s6;
	[smem:$0x7F1] =	sst s14  }
0x41: {  	s16 =	sadd.s32 $0x3830, s6;
	[smem:$0x7F2] =	sst s15  }
0x42: {  	s17 =	sadd.s32 $0x3840, s6;
	[smem:$0x7F3] =	sst s16  }
0x43: {  	s18 =	sadd.s32 $0x3850, s6;
	[smem:$0x7F4] =	sst s17  }
0x44: {  	s9 =	sadd.s32 $0x3040, s6;
	[smem:$0x7F5] =	sst s18  }
0x45: {  	s28 =	simm.s32 $0x0;
	s19 =	sadd.s32 $0x3860, s6;
	[smem:$0x7EC] =	sst s9  }
0x46: {  	s20 =	sadd.s32 $0x3870, s6;
	s21 =	sor.u32 $0x80, s5;
	[smem:$0x7F6] =	sst s19  }
0x47: {  	s25 =	sor.u32 $0x100, s5;
	s26 =	sor.u32 $0x180, s5;
	[smem:$0x7F7] =	sst s20  }
0x48: {  	s29 =	sadd.s32 $0x8000, s22;
	s30 =	sadd.s32 $0x1F0000, s22;
	[smem:$0x7F8] =	sst s21  }
0x49: {  	s31 =	sadd.s32 $0x1F8000, s22;
	s10 =	simm.s32 $0x1;
	[smem:$0x7F9] =	sst s25  }
0x4a: {  	s11 =	simm.s32 $0x40;
	s12 =	simm.s32 $0x4000;
	[smem:$0x7FA] =	sst s26  }
0x4b: {  	s13 =	simm.s32 $0x6000;
	s14 =	simm.s32 $0x8000;
	[smem:$0x7FB] =	sst s29  }
0x4c: {  	s15 =	simm.s32 $0x2;
	s16 =	simm.s32 $0xA000;
	[smem:$0x7FC] =	sst s30  }
0x4d: {  	s17 =	simm.s32 $0x3;
	s18 =	simm.s32 $0x6;
	[smem:$0x7FD] =	sst s31  }
0x4e: {  	s9 =	simm.s32 $0xA;
	s19 =	simm.s32 $0x4;
	s20 =	simm.s32 $0x7  }
0x4f: {  	s21 =	simm.s32 $0x5;
	s25 =	simm.s32 $0x8;
	s26 =	simm.s32 $0x9  }
.LBB2_1:
0x50: {  	[tilespmem:s4], [sflag:$0x1] =	stream.linear.gather [hbm4b:s6+s4], $0x80, $0x38;
	[tilespmem:$0xC000] =	vst v63  }
0x51: {  	s0 =	rddreg [dreg:$0x5]  }
0x52: {  	s3 =	simm.s32 $0x80;
	s30 =	rddreg [dreg:$0x6]  }
0x53: {  	[tilespmem:s3], [sflag:$0x1] =	stream.linear.gather [hbm4b:s0+s4], $0x80, $0x38;
	[tilespmem:$0xC000] =	vst v63  }
0x54: {  	s31 =	simm.s32 $0x100;
	s8 =	rddreg [dreg:$0x8]  }
0x55: {  	[tilespmem:s31], [sflag:$0x1] =	stream.linear.gather [hbm4b:s30+s4], $0x80, $0x38;
	[tilespmem:$0xC000] =	vst v63  }
0x56: {  	s7 =	simm.s32 $0x180;
	s3 =	rddreg [dreg:$0x7]  }
0x57: {  	[tilespmem:s7], [sflag:$0x1] =	stream.linear.gather [hbm4b:s3+s4], $0x80, $0x38;
	[tilespmem:$0xC000] =	vst v63  }
0x58: {  	s29 =	simm.s32 $0x200;
	s30 =	rddreg [dreg:$0x9]  }
0x59: {  	[tilespmem:s29], [sflag:$0x1] =	stream.linear.gather [hbm4b:s8+s4], $0x80, $0x38;
	[tilespmem:$0xC000] =	vst v63  }
0x5a: {  	s31 =	simm.s32 $0x280;
	s3 =	rddreg [dreg:$0xa]  }
0x5b: {  	[tilespmem:s31], [sflag:$0x1] =	stream.linear.gather [hbm4b:s30+s4], $0x80, $0x38;
	[tilespmem:$0xC000] =	vst v63  }
0x5c: {  	s7 =	simm.s32 $0x300;
	s8 =	rddreg [dreg:$0xb]  }
0x5d: {  	[tilespmem:s7], [sflag:$0x1] =	stream.linear.gather [hbm4b:s3+s4], $0x80, $0x38;
	[tilespmem:$0xC000] =	vst v63  }
0x5e: {  	s29 =	simm.s32 $0x380;
	s30 =	rddreg [dreg:$0xc]  }
0x5f: {  	[tilespmem:s29], [sflag:$0x1] =	stream.linear.gather [hbm4b:s8+s4], $0x80, $0x38;
	[tilespmem:$0xC000] =	vst v63  }
0x60: {  	s31 =	simm.s32 $0x400;
	s3 =	rddreg [dreg:$0xd]  }
0x61: {  	[tilespmem:s31], [sflag:$0x1] =	stream.linear.gather [hbm4b:s30+s4], $0x80, $0x38;
	[tilespmem:$0xC000] =	vst v63  }
0x62: {  	s7 =	simm.s32 $0x480;
	s8 =	rddreg [dreg:$0xe]  }
0x63: {  	[tilespmem:s7], [sflag:$0x1] =	stream.linear.gather [hbm4b:s3+s4], $0x80, $0x38;
	[tilespmem:$0xC000] =	vst v63  }
0x64: {  	s29 =	simm.s32 $0x500;
	s30 =	rddreg [dreg:$0xf]  }
0x65: {  	[tilespmem:s29], [sflag:$0x1] =	stream.linear.gather [hbm4b:s8+s4], $0x80, $0x38;
	[tilespmem:$0xC000] =	vst v63  }
0x66: {  	s31 =	simm.s32 $0x580;
	s3 =	rddreg [dreg:$0x10]  }
0x67: {  	[tilespmem:s31], [sflag:$0x1] =	stream.linear.gather [hbm4b:s30+s4], $0x80, $0x38;
	[tilespmem:$0xC000] =	vst v63  }
0x68: {  	s7 =	simm.s32 $0x600;
	s8 =	rddreg [dreg:$0x11]  }
0x69: {  	[tilespmem:s7], [sflag:$0x1] =	stream.linear.gather [hbm4b:s3+s4], $0x80, $0x38;
	[tilespmem:$0xC000] =	vst v63  }
0x6a: {  	s29 =	simm.s32 $0x680;
	s30 =	rddreg [dreg:$0x12]  }
0x6b: {  	[tilespmem:s29], [sflag:$0x1] =	stream.linear.gather [hbm4b:s8+s4], $0x80, $0x38;
	[tilespmem:$0xC000] =	vst v63  }
0x6c: {  	s31 =	simm.s32 $0x700;
	s3 =	rddreg [dreg:$0x15]  }
0x6d: {  	[tilespmem:s31], [sflag:$0x1] =	stream.linear.gather [hbm4b:s30+s4], $0x80, $0x38;
	[tilespmem:$0xC000] =	vst v63  }
0x6e: {  	s7 =	simm.s32 $0x780;
	s8 =	rddreg [dreg:$0x16]  }
0x6f: {  	[tilespmem:s7], [sflag:$0x1] =	stream.linear.gather [hbm4b:s3+s4], $0x80, $0x38;
	[tilespmem:$0xC000] =	vst v63  }
0x70: {  	s29 =	simm.s32 $0x800;
	s30 =	rddreg [dreg:$0x17]  }
0x71: {  	[tilespmem:s29], [sflag:$0x1] =	stream.linear.gather [hbm4b:s8+s4], $0x80, $0x38;
	[tilespmem:$0xC000] =	vst v63  }
0x72: {  	s31 =	simm.s32 $0x880;
	s3 =	rddreg [dreg:$0x18]  }
0x73: {  	[tilespmem:s31], [sflag:$0x1] =	stream.linear.gather [hbm4b:s30+s4], $0x80, $0x38;
	[tilespmem:$0xC000] =	vst v63  }
0x74: {  	s7 =	simm.s32 $0x900;
	s8 =	rddreg [dreg:$0x19]  }
0x75: {  	[tilespmem:s7], [sflag:$0x1] =	stream.linear.gather [hbm4b:s3+s4], $0x80, $0x38;
	[tilespmem:$0xC000] =	vst v63  }
0x76: {  	s29 =	simm.s32 $0x980;
	s30 =	rddreg [dreg:$0x1a]  }
0x77: {  	[tilespmem:s29], [sflag:$0x1] =	stream.linear.gather [hbm4b:s8+s4], $0x80, $0x38;
	[tilespmem:$0xC000] =	vst v63  }
0x78: {  	s31 =	simm.s32 $0xA00;
	s3 =	rddreg [dreg:$0x1b]  }
0x79: {  	[tilespmem:s31], [sflag:$0x1] =	stream.linear.gather [hbm4b:s30+s4], $0x80, $0x38;
	[tilespmem:$0xC000] =	vst v63  }
0x7a: {  	s7 =	simm.s32 $0xA80;
	s8 =	rddreg [dreg:$0x1c]  }
0x7b: {  	[tilespmem:s7], [sflag:$0x1] =	stream.linear.gather [hbm4b:s3+s4], $0x80, $0x38;
	[tilespmem:$0xC000] =	vst v63  }
0x7c: {  	s29 =	simm.s32 $0xB00;
	s30 =	rddreg [dreg:$0x1d]  }
0x7d: {  	[tilespmem:s29], [sflag:$0x1] =	stream.linear.gather [hbm4b:s8+s4], $0x80, $0x38;
	[tilespmem:$0xC000] =	vst v63  }
0x7e: {  	s31 =	simm.s32 $0xB80;
	s3 =	rddreg [dreg:$0x1e]  }
0x7f: {  	[tilespmem:s31], [sflag:$0x1] =	stream.linear.gather [hbm4b:s30+s4], $0x80, $0x38;
	[tilespmem:$0xC000] =	vst v63  }
0x80: {  	s7 =	simm.s32 $0xC00;
	s8 =	rddreg [dreg:$0x1f]  }
0x81: {  	[tilespmem:s7], [sflag:$0x1] =	stream.linear.gather [hbm4b:s3+s4], $0x80, $0x38;
	[tilespmem:$0xC000] =	vst v63  }
0x82: {  	s29 =	simm.s32 $0xC80;
	s30 =	sld [smem:$0x7D2]  }
0x83: {  	[tilespmem:s29], [sflag:$0x1] =	stream.linear.gather [hbm4b:s8+s4], $0x80, $0x38;
	[tilespmem:$0xC000] =	vst v63  }
0x84: {  	s31 =	simm.s32 $0xD00;
	s3 =	sld [smem:$0x7D3]  }
0x85: {  	[tilespmem:s31], [sflag:$0x1] =	stream.linear.gather [hbm4b:s30+s4], $0x80, $0x38;
	[tilespmem:$0xC000] =	vst v63  }
0x86: {  	s7 =	simm.s32 $0xD80;
	s8 =	sld [smem:$0x7D4]  }
0x87: {  	[tilespmem:s7], [sflag:$0x1] =	stream.linear.gather [hbm4b:s3+s4], $0x80, $0x38;
	[tilespmem:$0xC000] =	vst v63  }
0x88: {  	s29 =	simm.s32 $0xE00;
	s30 =	sld [smem:$0x7D5]  }
0x89: {  	[tilespmem:s29], [sflag:$0x1] =	stream.linear.gather [hbm4b:s8+s4], $0x80, $0x38;
	[tilespmem:$0xC000] =	vst v63  }
0x8a: {  	s31 =	simm.s32 $0xE80;
	s3 =	sld [smem:$0x7D6]  }
0x8b: {  	[tilespmem:s31], [sflag:$0x1] =	stream.linear.gather [hbm4b:s30+s4], $0x80, $0x38;
	[tilespmem:$0xC000] =	vst v63  }
0x8c: {  	s7 =	simm.s32 $0xF00;
	s8 =	sld [smem:$0x7D7]  }
0x8d: {  	[tilespmem:s7], [sflag:$0x1] =	stream.linear.gather [hbm4b:s3+s4], $0x80, $0x38;
	[tilespmem:$0xC000] =	vst v63  }
0x8e: {  	s29 =	simm.s32 $0xF80;
	s30 =	sld [smem:$0x7D8]  }
0x8f: {  	[tilespmem:s29], [sflag:$0x1] =	stream.linear.gather [hbm4b:s8+s4], $0x80, $0x38;
	[tilespmem:$0xC000] =	vst v63  }
0x90: {  	s31 =	simm.s32 $0x1000;
	s3 =	sld [smem:$0x7D9]  }
0x91: {  	[tilespmem:s31], [sflag:$0x1] =	stream.linear.gather [hbm4b:s30+s4], $0x80, $0x38;
	[tilespmem:$0xC000] =	vst v63  }
0x92: {  	s7 =	simm.s32 $0x1080;
	s8 =	sld [smem:$0x7DA]  }
0x93: {  	[tilespmem:s7], [sflag:$0x1] =	stream.linear.gather [hbm4b:s3+s4], $0x80, $0x38;
	[tilespmem:$0xC000] =	vst v63  }
0x94: {  	s29 =	simm.s32 $0x1100;
	s30 =	sld [smem:$0x7DB]  }
0x95: {  	[tilespmem:s29], [sflag:$0x1] =	stream.linear.gather [hbm4b:s8+s4], $0x80, $0x38;
	[tilespmem:$0xC000] =	vst v63  }
0x96: {  	s31 =	simm.s32 $0x1180;
	s3 =	sld [smem:$0x7DC]  }
0x97: {  	[tilespmem:s31], [sflag:$0x1] =	stream.linear.gather [hbm4b:s30+s4], $0x80, $0x38;
	[tilespmem:$0xC000] =	vst v63  }
0x98: {  	s7 =	simm.s32 $0x1200;
	s8 =	sld [smem:$0x7DD]  }
0x99: {  	[tilespmem:s7], [sflag:$0x1] =	stream.linear.gather [hbm4b:s3+s4], $0x80, $0x38;
	[tilespmem:$0xC000] =	vst v63  }
0x9a: {  	s29 =	simm.s32 $0x1280;
	s30 =	sld [smem:$0x7DE]  }
0x9b: {  	[tilespmem:s29], [sflag:$0x1] =	stream.linear.gather [hbm4b:s8+s4], $0x80, $0x38;
	[tilespmem:$0xC000] =	vst v63  }
0x9c: {  	s31 =	simm.s32 $0x1300;
	s3 =	sld [smem:$0x7DF]  }
0x9d: {  	[tilespmem:s31], [sflag:$0x1] =	stream.linear.gather [hbm4b:s30+s4], $0x80, $0x38;
	[tilespmem:$0xC000] =	vst v63  }
0x9e: {  	s7 =	simm.s32 $0x1380;
	s8 =	sld [smem:$0x7E0]  }
0x9f: {  	[tilespmem:s7], [sflag:$0x1] =	stream.linear.gather [hbm4b:s3+s4], $0x80, $0x38;
	[tilespmem:$0xC000] =	vst v63  }
0xa0: {  	s29 =	simm.s32 $0x1400;
	s30 =	sld [smem:$0x7E1]  }
0xa1: {  	[tilespmem:s29], [sflag:$0x1] =	stream.linear.gather [hbm4b:s8+s4], $0x80, $0x38;
	[tilespmem:$0xC000] =	vst v63  }
0xa2: {  	s31 =	simm.s32 $0x1480;
	s3 =	sld [smem:$0x7E2]  }
0xa3: {  	[tilespmem:s31], [sflag:$0x1] =	stream.linear.gather [hbm4b:s30+s4], $0x80, $0x38;
	[tilespmem:$0xC000] =	vst v63  }
0xa4: {  	s7 =	simm.s32 $0x1500;
	s8 =	sld [smem:$0x7E3]  }
0xa5: {  	[tilespmem:s7], [sflag:$0x1] =	stream.linear.gather [hbm4b:s3+s4], $0x80, $0x38;
	[tilespmem:$0xC000] =	vst v63  }
0xa6: {  	s29 =	simm.s32 $0x1580;
	s30 =	sld [smem:$0x7E4]  }
0xa7: {  	[tilespmem:s29], [sflag:$0x1] =	stream.linear.gather [hbm4b:s8+s4], $0x80, $0x38;
	[tilespmem:$0xC000] =	vst v63  }
0xa8: {  	s31 =	simm.s32 $0x1600;
	s3 =	sld [smem:$0x7E5]  }
0xa9: {  	[tilespmem:s31], [sflag:$0x1] =	stream.linear.gather [hbm4b:s30+s4], $0x80, $0x38;
	[tilespmem:$0xC000] =	vst v63  }
0xaa: {  	s7 =	simm.s32 $0x1680;
	s8 =	sld [smem:$0x7E6]  }
0xab: {  	[tilespmem:s7], [sflag:$0x1] =	stream.linear.gather [hbm4b:s3+s4], $0x80, $0x38;
	[tilespmem:$0xC000] =	vst v63  }
0xac: {  	s29 =	simm.s32 $0x1700;
	s30 =	sld [smem:$0x7E7]  }
0xad: {  	[tilespmem:s29], [sflag:$0x1] =	stream.linear.gather [hbm4b:s8+s4], $0x80, $0x38;
	[tilespmem:$0xC000] =	vst v63  }
0xae: {  	s31 =	simm.s32 $0x1780;
	s3 =	sld [smem:$0x7E8]  }
0xaf: {  	[tilespmem:s31], [sflag:$0x1] =	stream.linear.gather [hbm4b:s30+s4], $0x80, $0x38;
	[tilespmem:$0xC000] =	vst v63  }
0xb0: {  	s7 =	simm.s32 $0x1800;
	s8 =	sld [smem:$0x7E9]  }
0xb1: {  	[tilespmem:s7], [sflag:$0x1] =	stream.linear.gather [hbm4b:s3+s4], $0x80, $0x38;
	[tilespmem:$0xC000] =	vst v63  }
0xb2: {  	s29 =	simm.s32 $0x1880;
	s30 =	sld [smem:$0x7EA]  }
0xb3: {  	[tilespmem:s29], [sflag:$0x1] =	stream.linear.gather [hbm4b:s8+s4], $0x80, $0x38;
	[tilespmem:$0xC000] =	vst v63  }
0xb4: {  	s31 =	simm.s32 $0x1900;
	s3 =	sld [smem:$0x7EB]  }
0xb5: {  	[tilespmem:s31], [sflag:$0x1] =	stream.linear.gather [hbm4b:s30+s4], $0x80, $0x38;
	[tilespmem:$0xC000] =	vst v63  }
0xb6: {  	s7 =	simm.s32 $0x1980;
	s8 =	sld [smem:$0x7EC]  }
0xb7: {  	[tilespmem:s7], [sflag:$0x1] =	stream.linear.gather [hbm4b:s3+s4], $0x80, $0x38;
	[tilespmem:$0xC000] =	vst v63  }
0xb8: {  	s29 =	simm.s32 $0x1A00;
	s30 =	sld [smem:$0x7ED]  }
0xb9: {  	[tilespmem:s29], [sflag:$0x1] =	stream.linear.gather [hbm4b:s8+s4], $0x80, $0x38;
	[tilespmem:$0xC000] =	vst v63  }
0xba: {  	s31 =	simm.s32 $0x1A80;
	s3 =	sld [smem:$0x7EE]  }
0xbb: {  	[tilespmem:s31], [sflag:$0x1] =	stream.linear.gather [hbm4b:s30+s4], $0x80, $0x38;
	[tilespmem:$0xC000] =	vst v63  }
0xbc: {  	s7 =	simm.s32 $0x1B00;
	s8 =	sld [smem:$0x7EF]  }
0xbd: {  	[tilespmem:s7], [sflag:$0x1] =	stream.linear.gather [hbm4b:s3+s4], $0x80, $0x38;
	[tilespmem:$0xC000] =	vst v63  }
0xbe: {  	s29 =	simm.s32 $0x1B80;
	s30 =	sld [smem:$0x7F0]  }
0xbf: {  	[tilespmem:s29], [sflag:$0x1] =	stream.linear.gather [hbm4b:s8+s4], $0x80, $0x38;
	[tilespmem:$0xC000] =	vst v63  }
0xc0: {  	s31 =	simm.s32 $0x1C00;
	s3 =	sld [smem:$0x7F1]  }
0xc1: {  	[tilespmem:s31], [sflag:$0x1] =	stream.linear.gather [hbm4b:s30+s4], $0x80, $0x38;
	[tilespmem:$0xC000] =	vst v63  }
0xc2: {  	s7 =	simm.s32 $0x1C80;
	s8 =	sld [smem:$0x7F2]  }
0xc3: {  	[tilespmem:s7], [sflag:$0x1] =	stream.linear.gather [hbm4b:s3+s4], $0x80, $0x38;
	[tilespmem:$0xC000] =	vst v63  }
0xc4: {  	s29 =	simm.s32 $0x1D00;
	s30 =	sld [smem:$0x7F3]  }
0xc5: {  	[tilespmem:s29], [sflag:$0x1] =	stream.linear.gather [hbm4b:s8+s4], $0x80, $0x38;
	[tilespmem:$0xC000] =	vst v63  }
0xc6: {  	s31 =	simm.s32 $0x1D80;
	s3 =	sld [smem:$0x7F4]  }
0xc7: {  	[tilespmem:s31], [sflag:$0x1] =	stream.linear.gather [hbm4b:s30+s4], $0x80, $0x38;
	[tilespmem:$0xC000] =	vst v63  }
0xc8: {  	s7 =	simm.s32 $0x1E00;
	s8 =	sld [smem:$0x7F5]  }
0xc9: {  	[tilespmem:s7], [sflag:$0x1] =	stream.linear.gather [hbm4b:s3+s4], $0x80, $0x38;
	[tilespmem:$0xC000] =	vst v63  }
0xca: {  	s29 =	simm.s32 $0x1E80;
	s30 =	sld [smem:$0x7F6]  }
0xcb: {  	[tilespmem:s29], [sflag:$0x1] =	stream.linear.gather [hbm4b:s8+s4], $0x80, $0x38;
	[tilespmem:$0xC000] =	vst v63  }
0xcc: {  	s31 =	simm.s32 $0x1F00;
	s3 =	sld [smem:$0x7F7]  }
0xcd: {  	[tilespmem:s31], [sflag:$0x1] =	stream.linear.gather [hbm4b:s30+s4], $0x80, $0x38;
	[tilespmem:$0xC000] =	vst v63  }
0xce: {  	s7 =	simm.s32 $0x1F80  }
0xcf: {  	[tilespmem:s7], [sflag:$0x1] =	stream.linear.gather [hbm4b:s3+s4], $0x80, $0x38;
	[tilespmem:$0xC000] =	vst v63  }
0xd0: {  	s8 =	rddreg [dreg:$0x13];
	s29 =	simm.s32 $0x2000  }
0xd1: {  	[tilespmem:s29], [sflag:$0xA] =	stream.linear.gather [hbm4b:s8+s4], $0x2000, $0x38;
	[tilespmem:$0xC000] =	vst v63  }
0xd2: {  	_ =	swait.ge [sflag:s9], $0x2000  }
0xd3: {  	[sflag:s9] =	ssyncset.done $0x0  }
0xd4: {  	[sflag:s9] =	ssyncadd.s32 $0xFFFFE000  }
0xd5: {  	_ =	swait.ge [sflag:s10], $0x2000  }
0xd6: {  	[sflag:s10] =	ssyncset.done $0x0  }
0xd7: {  	s30 =	sld [smem:$0x7F8];
	[sflag:s10] =	ssyncadd.s32 $0xFFFFE000  }
0xd8: {  	[tilespmem:s12], [sflag:$0x2] =	stream.indirect.gather [hbm4b:s1+s11], $0x80, s5, s11, $0xb8;
	[tilespmem:$0xC000] =	vst v63  }
0xd9: {  	s31 =	sld [smem:$0x7F9]  }
0xda: {  	[tilespmem:s13], [sflag:$0x3] =	stream.indirect.gather [hbm4b:s1+s11], $0x80, s30, s11, $0xb8;
	[tilespmem:$0xC000] =	vst v63  }
0xdb: {  	_ = 	snop  }
0xdc: {  	[tilespmem:s14], [sflag:$0x4] =	stream.indirect.gather [hbm4b:s1+s11], $0x80, s31, s11, $0xb8;
	[tilespmem:$0xC000] =	vst v63  }
0xdd: {  	_ =	swait.ge [sflag:s15], $0x2000  }
0xde: {  	[sflag:s15] =	ssyncset.done $0x0  }
0xdf: {  	s0 =	simm.s32 $0x0;
	[sflag:s15] =	ssyncadd.s32 $0xFFFFE000  }
0xe0: {  	v0 =	vld [tilespmem:s0+$0x20F0]  }
0xe1: {  	v1 =	vld [tilespmem:s0+$0x2000]  }
0xe2: {  	v2 =	vld [tilespmem:s0+$0x2010]  }
0xe3: {  	v3 =	vld [tilespmem:s0+$0x2020]  }
0xe4: {  	v4 =	vld [tilespmem:s0+$0x2030]  }
0xe5: {  	v5 =	vld [tilespmem:s0+$0x2040]  }
0xe6: {  	v6 =	vld [tilespmem:s0+$0x2050]  }
0xe7: {  	v7 =	vld [tilespmem:s0+$0x2060]  }
0xe8: {  	v8 =	vld [tilespmem:s0+$0x2070]  }
0xe9: {  	v9 =	vld [tilespmem:s0+$0x2080]  }
0xea: {  	v10 =	vld [tilespmem:s0+$0x2090]  }
0xeb: {  	v11 =	vld [tilespmem:s0+$0x20A0]  }
0xec: {  	v12 =	vld [tilespmem:s0+$0x20B0]  }
0xed: {  	v13 =	vld [tilespmem:s0+$0x20C0]  }
0xee: {  	v14 =	vld [tilespmem:s0+$0x20D0]  }
0xef: {  	[tilespmem:s0+$0x40F0] =	vst.add.f32.msk $0xffff, v0  }
0xf0: {  	v0 =	vld [tilespmem:s0+$0x20E0]  }
0xf1: {  	[tilespmem:s0+$0x4000] =	vst.add.f32.msk $0xffff, v1  }
0xf2: {  	[tilespmem:s0+$0x4010] =	vst.add.f32.msk $0xffff, v2  }
0xf3: {  	[tilespmem:s0+$0x4020] =	vst.add.f32.msk $0xffff, v3  }
0xf4: {  	[tilespmem:s0+$0x4030] =	vst.add.f32.msk $0xffff, v4  }
0xf5: {  	[tilespmem:s0+$0x4040] =	vst.add.f32.msk $0xffff, v5  }
0xf6: {  	[tilespmem:s0+$0x4050] =	vst.add.f32.msk $0xffff, v6  }
0xf7: {  	[tilespmem:s0+$0x4060] =	vst.add.f32.msk $0xffff, v7  }
0xf8: {  	[tilespmem:s0+$0x4070] =	vst.add.f32.msk $0xffff, v8  }
0xf9: {  	[tilespmem:s0+$0x4080] =	vst.add.f32.msk $0xffff, v9  }
0xfa: {  	[tilespmem:s0+$0x4090] =	vst.add.f32.msk $0xffff, v10  }
0xfb: {  	[tilespmem:s0+$0x40A0] =	vst.add.f32.msk $0xffff, v11  }
0xfc: {  	[tilespmem:s0+$0x40B0] =	vst.add.f32.msk $0xffff, v12  }
0xfd: {  	[tilespmem:s0+$0x40C0] =	vst.add.f32.msk $0xffff, v13  }
0xfe: {  	s3 =	simm.s32 $0x0;
	s7 =	simm.s32 $0x400;
	[tilespmem:s0+$0x40D0] =	vst.add.f32.msk $0xffff, v14  }
.LBB2_2:
0xff: {  	s3 =	sadd.s32 $0x2, s3;
	[tilespmem:s0+$0x40E0] =	vst.add.f32.msk $0xffff, v0;
	s0 =	sshra.s32 s7, $0x2  }
0x100: {  	v0 =	vld [tilespmem:s0+$0x20F0];
	p0 =	slt.u32 s3, $0x3E  }
0x101: {  	v1 =	vld [tilespmem:s0+$0x2000]  }
0x102: {  	v2 =	vld [tilespmem:s0+$0x2010]  }
0x103: {  	v3 =	vld [tilespmem:s0+$0x2020]  }
0x104: {  	v4 =	vld [tilespmem:s0+$0x2030]  }
0x105: {  	[tilespmem:s0+$0x40F0] =	vst.add.f32.msk $0xffff, v0  }
0x106: {  	v5 =	vld [tilespmem:s0+$0x2040]  }
0x107: {  	v6 =	vld [tilespmem:s0+$0x2050]  }
0x108: {  	v7 =	vld [tilespmem:s0+$0x2060]  }
0x109: {  	v8 =	vld [tilespmem:s0+$0x2070]  }
0x10a: {  	v9 =	vld [tilespmem:s0+$0x2080]  }
0x10b: {  	v10 =	vld [tilespmem:s0+$0x2090]  }
0x10c: {  	v11 =	vld [tilespmem:s0+$0x20A0]  }
0x10d: {  	v12 =	vld [tilespmem:s0+$0x20B0]  }
0x10e: {  	v13 =	vld [tilespmem:s0+$0x20C0]  }
0x10f: {  	v14 =	vld [tilespmem:s0+$0x20D0]  }
0x110: {  	v0 =	vld [tilespmem:s0+$0x20E0]  }
0x111: {  	[tilespmem:s0+$0x4000] =	vst.add.f32.msk $0xffff, v1  }
0x112: {  	[tilespmem:s0+$0x4010] =	vst.add.f32.msk $0xffff, v2  }
0x113: {  	[tilespmem:s0+$0x4020] =	vst.add.f32.msk $0xffff, v3  }
0x114: {  	[tilespmem:s0+$0x4030] =	vst.add.f32.msk $0xffff, v4  }
0x115: {  	[tilespmem:s0+$0x4040] =	vst.add.f32.msk $0xffff, v5  }
0x116: {  	[tilespmem:s0+$0x4050] =	vst.add.f32.msk $0xffff, v6  }
0x117: {  	[tilespmem:s0+$0x4060] =	vst.add.f32.msk $0xffff, v7  }
0x118: {  	[tilespmem:s0+$0x4070] =	vst.add.f32.msk $0xffff, v8  }
0x119: {  	[tilespmem:s0+$0x4080] =	vst.add.f32.msk $0xffff, v9  }
.Ltmp0:
0x11a: {  	[tilespmem:s0+$0x4090] =	vst.add.f32.msk $0xffff, v10;
	(pc) =	sbr.rel @p0 .LBB2_2-.Ltmp0, $4  }
0x11b: {  	[tilespmem:s0+$0x40A0] =	vst.add.f32.msk $0xffff, v11  }
0x11c: {  	[tilespmem:s0+$0x40B0] =	vst.add.f32.msk $0xffff, v12  }
0x11d: {  	[tilespmem:s0+$0x40C0] =	vst.add.f32.msk $0xffff, v13  }
0x11e: {  	s7 =	sadd.s32 $0x400, s7;
	[tilespmem:s0+$0x40D0] =	vst.add.f32.msk $0xffff, v14  }
0x11f: {  	[tilespmem:s0+$0x40E0] =	vst.add.f32.msk $0xffff, v0  }
0x120: {  	s30 =	simm.s32 $0x0;
	s31 =	sld [smem:$0x7FA]  }
0x121: {  	[hbm4b:s22+s30] =	stream.linear.scatter [tilespmem:s12], [sflag:$0x6], $0x2000, $0x38;
	[tilespmem:$0xC000] =	vst v63  }
0x122: {  	_ = 	snop  }
0x123: {  	[tilespmem:s16], [sflag:$0x5] =	stream.indirect.gather [hbm4b:s1+s11], $0x80, s31, s11, $0xb8;
	[tilespmem:$0xC000] =	vst v63  }
0x124: {  	_ =	swait.ge [sflag:s17], $0x2000  }
0x125: {  	[sflag:s17] =	ssyncset.done $0x0  }
0x126: {  	s0 =	simm.s32 $0x0;
	[sflag:s17] =	ssyncadd.s32 $0xFFFFE000  }
0x127: {  	v0 =	vld [tilespmem:s0+$0x20F0]  }
0x128: {  	v1 =	vld [tilespmem:s0+$0x2000]  }
0x129: {  	v2 =	vld [tilespmem:s0+$0x2010]  }
0x12a: {  	v3 =	vld [tilespmem:s0+$0x2020]  }
0x12b: {  	v4 =	vld [tilespmem:s0+$0x2030]  }
0x12c: {  	v5 =	vld [tilespmem:s0+$0x2040]  }
0x12d: {  	v6 =	vld [tilespmem:s0+$0x2050]  }
0x12e: {  	v7 =	vld [tilespmem:s0+$0x2060]  }
0x12f: {  	v8 =	vld [tilespmem:s0+$0x2070]  }
0x130: {  	v9 =	vld [tilespmem:s0+$0x2080]  }
0x131: {  	v10 =	vld [tilespmem:s0+$0x2090]  }
0x132: {  	v11 =	vld [tilespmem:s0+$0x20A0]  }
0x133: {  	v12 =	vld [tilespmem:s0+$0x20B0]  }
0x134: {  	v13 =	vld [tilespmem:s0+$0x20C0]  }
0x135: {  	v14 =	vld [tilespmem:s0+$0x20D0]  }
0x136: {  	[tilespmem:s0+$0x60F0] =	vst.add.f32.msk $0xffff, v0  }
0x137: {  	v0 =	vld [tilespmem:s0+$0x20E0]  }
0x138: {  	[tilespmem:s0+$0x6000] =	vst.add.f32.msk $0xffff, v1  }
0x139: {  	[tilespmem:s0+$0x6010] =	vst.add.f32.msk $0xffff, v2  }
0x13a: {  	[tilespmem:s0+$0x6020] =	vst.add.f32.msk $0xffff, v3  }
0x13b: {  	[tilespmem:s0+$0x6030] =	vst.add.f32.msk $0xffff, v4  }
0x13c: {  	[tilespmem:s0+$0x6040] =	vst.add.f32.msk $0xffff, v5  }
0x13d: {  	[tilespmem:s0+$0x6050] =	vst.add.f32.msk $0xffff, v6  }
0x13e: {  	[tilespmem:s0+$0x6060] =	vst.add.f32.msk $0xffff, v7  }
0x13f: {  	[tilespmem:s0+$0x6070] =	vst.add.f32.msk $0xffff, v8  }
0x140: {  	[tilespmem:s0+$0x6080] =	vst.add.f32.msk $0xffff, v9  }
0x141: {  	[tilespmem:s0+$0x6090] =	vst.add.f32.msk $0xffff, v10  }
0x142: {  	[tilespmem:s0+$0x60A0] =	vst.add.f32.msk $0xffff, v11  }
0x143: {  	[tilespmem:s0+$0x60B0] =	vst.add.f32.msk $0xffff, v12  }
0x144: {  	[tilespmem:s0+$0x60C0] =	vst.add.f32.msk $0xffff, v13  }
0x145: {  	s3 =	simm.s32 $0x0;
	s7 =	simm.s32 $0x400;
	[tilespmem:s0+$0x60D0] =	vst.add.f32.msk $0xffff, v14  }
.LBB2_4:
0x146: {  	s3 =	sadd.s32 $0x2, s3;
	[tilespmem:s0+$0x60E0] =	vst.add.f32.msk $0xffff, v0;
	s0 =	sshra.s32 s7, $0x2  }
0x147: {  	v0 =	vld [tilespmem:s0+$0x20F0];
	p0 =	slt.u32 s3, $0x3E  }
0x148: {  	v1 =	vld [tilespmem:s0+$0x2000]  }
0x149: {  	v2 =	vld [tilespmem:s0+$0x2010]  }
0x14a: {  	v3 =	vld [tilespmem:s0+$0x2020]  }
0x14b: {  	v4 =	vld [tilespmem:s0+$0x2030]  }
0x14c: {  	[tilespmem:s0+$0x60F0] =	vst.add.f32.msk $0xffff, v0  }
0x14d: {  	v5 =	vld [tilespmem:s0+$0x2040]  }
0x14e: {  	v6 =	vld [tilespmem:s0+$0x2050]  }
0x14f: {  	v7 =	vld [tilespmem:s0+$0x2060]  }
0x150: {  	v8 =	vld [tilespmem:s0+$0x2070]  }
0x151: {  	v9 =	vld [tilespmem:s0+$0x2080]  }
0x152: {  	v10 =	vld [tilespmem:s0+$0x2090]  }
0x153: {  	v11 =	vld [tilespmem:s0+$0x20A0]  }
0x154: {  	v12 =	vld [tilespmem:s0+$0x20B0]  }
0x155: {  	v13 =	vld [tilespmem:s0+$0x20C0]  }
0x156: {  	v14 =	vld [tilespmem:s0+$0x20D0]  }
0x157: {  	v0 =	vld [tilespmem:s0+$0x20E0]  }
0x158: {  	[tilespmem:s0+$0x6000] =	vst.add.f32.msk $0xffff, v1  }
0x159: {  	[tilespmem:s0+$0x6010] =	vst.add.f32.msk $0xffff, v2  }
0x15a: {  	[tilespmem:s0+$0x6020] =	vst.add.f32.msk $0xffff, v3  }
0x15b: {  	[tilespmem:s0+$0x6030] =	vst.add.f32.msk $0xffff, v4  }
0x15c: {  	[tilespmem:s0+$0x6040] =	vst.add.f32.msk $0xffff, v5  }
0x15d: {  	[tilespmem:s0+$0x6050] =	vst.add.f32.msk $0xffff, v6  }
0x15e: {  	[tilespmem:s0+$0x6060] =	vst.add.f32.msk $0xffff, v7  }
0x15f: {  	[tilespmem:s0+$0x6070] =	vst.add.f32.msk $0xffff, v8  }
0x160: {  	[tilespmem:s0+$0x6080] =	vst.add.f32.msk $0xffff, v9  }
.Ltmp1:
0x161: {  	[tilespmem:s0+$0x6090] =	vst.add.f32.msk $0xffff, v10;
	(pc) =	sbr.rel @p0 .LBB2_4-.Ltmp1, $4  }
0x162: {  	[tilespmem:s0+$0x60A0] =	vst.add.f32.msk $0xffff, v11  }
0x163: {  	[tilespmem:s0+$0x60B0] =	vst.add.f32.msk $0xffff, v12  }
0x164: {  	[tilespmem:s0+$0x60C0] =	vst.add.f32.msk $0xffff, v13  }
0x165: {  	s7 =	sadd.s32 $0x400, s7;
	[tilespmem:s0+$0x60D0] =	vst.add.f32.msk $0xffff, v14  }
0x166: {  	[tilespmem:s0+$0x60E0] =	vst.add.f32.msk $0xffff, v0  }
0x167: {  	s0 =	sld [smem:$0x7FB];
	_ =	sdelay $0x1  }
0x168: {  	s29 =	simm.s32 $0x1  }
0x169: {  	[hbm4b:s0+s4] =	stream.linear.scatter [tilespmem:s13], [sflag:$0x7], $0x2000, $0x38;
	[tilespmem:$0xC000] =	vst v63  }
.LBB2_6:
0x16a: {  	_ =	swait.ge [sflag:s18], $0x2000;
	s0 =	sshll.u32 s29, $0x9  }
0x16b: {  	[sflag:s18] =	ssyncset.done $0x0;
	s31 =	sand.u32 $0x3FFFFE00, s0  }
0x16c: {  	[sflag:s18] =	ssyncadd.s32 $0xFFFFE000;
	s0 =	sor.u32 s5, s31  }
0x16d: {  	[tilespmem:s12], [sflag:$0x2] =	stream.indirect.gather [hbm4b:s1+s11], $0x80, s0, s11, $0xb8;
	[tilespmem:$0xC000] =	vst v63  }
0x16e: {  	_ =	swait.ge [sflag:s19], $0x2000  }
0x16f: {  	[sflag:s19] =	ssyncset.done $0x0  }
0x170: {  	s30 =	simm.s32 $0x0;
	[sflag:s19] =	ssyncadd.s32 $0xFFFFE000  }
0x171: {  	v0 =	vld [tilespmem:s30+$0x20F0]  }
0x172: {  	v1 =	vld [tilespmem:s30+$0x2000]  }
0x173: {  	v2 =	vld [tilespmem:s30+$0x2010]  }
0x174: {  	v3 =	vld [tilespmem:s30+$0x2020]  }
0x175: {  	v4 =	vld [tilespmem:s30+$0x2030]  }
0x176: {  	v5 =	vld [tilespmem:s30+$0x2040]  }
0x177: {  	v6 =	vld [tilespmem:s30+$0x2050]  }
0x178: {  	v7 =	vld [tilespmem:s30+$0x2060]  }
0x179: {  	v8 =	vld [tilespmem:s30+$0x2070]  }
0x17a: {  	v9 =	vld [tilespmem:s30+$0x2080]  }
0x17b: {  	v10 =	vld [tilespmem:s30+$0x2090]  }
0x17c: {  	v11 =	vld [tilespmem:s30+$0x20A0]  }
0x17d: {  	v12 =	vld [tilespmem:s30+$0x20B0]  }
0x17e: {  	v13 =	vld [tilespmem:s30+$0x20C0]  }
0x17f: {  	v14 =	vld [tilespmem:s30+$0x20D0]  }
0x180: {  	[tilespmem:s30+$0x80F0] =	vst.add.f32.msk $0xffff, v0  }
0x181: {  	v0 =	vld [tilespmem:s30+$0x20E0]  }
0x182: {  	[tilespmem:s30+$0x8000] =	vst.add.f32.msk $0xffff, v1  }
0x183: {  	[tilespmem:s30+$0x8010] =	vst.add.f32.msk $0xffff, v2  }
0x184: {  	[tilespmem:s30+$0x8020] =	vst.add.f32.msk $0xffff, v3  }
0x185: {  	[tilespmem:s30+$0x8030] =	vst.add.f32.msk $0xffff, v4  }
0x186: {  	[tilespmem:s30+$0x8040] =	vst.add.f32.msk $0xffff, v5  }
0x187: {  	[tilespmem:s30+$0x8050] =	vst.add.f32.msk $0xffff, v6  }
0x188: {  	[tilespmem:s30+$0x8060] =	vst.add.f32.msk $0xffff, v7  }
0x189: {  	[tilespmem:s30+$0x8070] =	vst.add.f32.msk $0xffff, v8  }
0x18a: {  	[tilespmem:s30+$0x8080] =	vst.add.f32.msk $0xffff, v9  }
0x18b: {  	[tilespmem:s30+$0x8090] =	vst.add.f32.msk $0xffff, v10  }
0x18c: {  	[tilespmem:s30+$0x80A0] =	vst.add.f32.msk $0xffff, v11  }
0x18d: {  	[tilespmem:s30+$0x80B0] =	vst.add.f32.msk $0xffff, v12  }
0x18e: {  	[tilespmem:s30+$0x80C0] =	vst.add.f32.msk $0xffff, v13  }
0x18f: {  	s3 =	simm.s32 $0x400;
	s0 =	simm.s32 $0x0;
	[tilespmem:s30+$0x80D0] =	vst.add.f32.msk $0xffff, v14  }
.LBB2_7:
0x190: {  	s0 =	sadd.s32 $0x2, s0;
	[tilespmem:s30+$0x80E0] =	vst.add.f32.msk $0xffff, v0;
	s30 =	sshra.s32 s3, $0x2  }
0x191: {  	v0 =	vld [tilespmem:s30+$0x20F0];
	p0 =	slt.u32 s0, $0x3E  }
0x192: {  	v1 =	vld [tilespmem:s30+$0x2000]  }
0x193: {  	v2 =	vld [tilespmem:s30+$0x2010]  }
0x194: {  	v3 =	vld [tilespmem:s30+$0x2020]  }
0x195: {  	v4 =	vld [tilespmem:s30+$0x2030]  }
0x196: {  	[tilespmem:s30+$0x80F0] =	vst.add.f32.msk $0xffff, v0  }
0x197: {  	v5 =	vld [tilespmem:s30+$0x2040]  }
0x198: {  	v6 =	vld [tilespmem:s30+$0x2050]  }
0x199: {  	v7 =	vld [tilespmem:s30+$0x2060]  }
0x19a: {  	v8 =	vld [tilespmem:s30+$0x2070]  }
0x19b: {  	v9 =	vld [tilespmem:s30+$0x2080]  }
0x19c: {  	v10 =	vld [tilespmem:s30+$0x2090]  }
0x19d: {  	v11 =	vld [tilespmem:s30+$0x20A0]  }
0x19e: {  	v12 =	vld [tilespmem:s30+$0x20B0]  }
0x19f: {  	v13 =	vld [tilespmem:s30+$0x20C0]  }
0x1a0: {  	v14 =	vld [tilespmem:s30+$0x20D0]  }
0x1a1: {  	v0 =	vld [tilespmem:s30+$0x20E0]  }
0x1a2: {  	[tilespmem:s30+$0x8000] =	vst.add.f32.msk $0xffff, v1  }
0x1a3: {  	[tilespmem:s30+$0x8010] =	vst.add.f32.msk $0xffff, v2  }
0x1a4: {  	[tilespmem:s30+$0x8020] =	vst.add.f32.msk $0xffff, v3  }
0x1a5: {  	[tilespmem:s30+$0x8030] =	vst.add.f32.msk $0xffff, v4  }
0x1a6: {  	[tilespmem:s30+$0x8040] =	vst.add.f32.msk $0xffff, v5  }
0x1a7: {  	[tilespmem:s30+$0x8050] =	vst.add.f32.msk $0xffff, v6  }
0x1a8: {  	[tilespmem:s30+$0x8060] =	vst.add.f32.msk $0xffff, v7  }
0x1a9: {  	[tilespmem:s30+$0x8070] =	vst.add.f32.msk $0xffff, v8  }
0x1aa: {  	[tilespmem:s30+$0x8080] =	vst.add.f32.msk $0xffff, v9  }
.Ltmp2:
0x1ab: {  	[tilespmem:s30+$0x8090] =	vst.add.f32.msk $0xffff, v10;
	(pc) =	sbr.rel @p0 .LBB2_7-.Ltmp2, $4  }
0x1ac: {  	[tilespmem:s30+$0x80A0] =	vst.add.f32.msk $0xffff, v11  }
0x1ad: {  	[tilespmem:s30+$0x80B0] =	vst.add.f32.msk $0xffff, v12  }
0x1ae: {  	[tilespmem:s30+$0x80C0] =	vst.add.f32.msk $0xffff, v13  }
0x1af: {  	s3 =	sadd.s32 $0x400, s3;
	[tilespmem:s30+$0x80D0] =	vst.add.f32.msk $0xffff, v14  }
0x1b0: {  	s0 =	sshll.u32 s29, $0xD  }
0x1b1: {  	s3 =	sadd.s32 s23, s0  }
0x1b2: {  	s7 =	sshll.u32 s29, $0x2;
	s3 =	sshll.u32 s3, $0x4  }
0x1b3: {  	[tilespmem:s30+$0x80E0] =	vst.add.f32.msk $0xffff, v0;
	s8 =	simm.s32 $0x0;
	s30 =	sor.u32 $0x1, s7;
	s3 =	sadd.s32 s2, s3  }
0x1b4: {  	[hbm4b:s3+s8] =	stream.linear.scatter [tilespmem:s14], [sflag:$0x8], $0x2000, $0x38;
	[tilespmem:$0xC000] =	vst v63  }
0x1b5: {  	s8 =	sshll.u32 s30, $0x7;
	_ =	swait.ge [sflag:s20], $0x2000  }
0x1b6: {  	s3 =	sand.u32 $0x3FFFFE80, s8;
	[sflag:s20] =	ssyncset.done $0x0  }
0x1b7: {  	s3 =	sor.u32 s3, s5;
	[sflag:s20] =	ssyncadd.s32 $0xFFFFE000  }
0x1b8: {  	[tilespmem:s13], [sflag:$0x3] =	stream.indirect.gather [hbm4b:s1+s11], $0x80, s3, s11, $0xb8;
	[tilespmem:$0xC000] =	vst v63  }
0x1b9: {  	_ =	swait.ge [sflag:s21], $0x2000  }
0x1ba: {  	[sflag:s21] =	ssyncset.done $0x0  }
0x1bb: {  	s3 =	simm.s32 $0x0;
	[sflag:s21] =	ssyncadd.s32 $0xFFFFE000  }
0x1bc: {  	v0 =	vld [tilespmem:s3+$0x20F0]  }
0x1bd: {  	v1 =	vld [tilespmem:s3+$0x2000]  }
0x1be: {  	v2 =	vld [tilespmem:s3+$0x2010]  }
0x1bf: {  	v3 =	vld [tilespmem:s3+$0x2020]  }
0x1c0: {  	v4 =	vld [tilespmem:s3+$0x2030]  }
0x1c1: {  	v5 =	vld [tilespmem:s3+$0x2040]  }
0x1c2: {  	v6 =	vld [tilespmem:s3+$0x2050]  }
0x1c3: {  	v7 =	vld [tilespmem:s3+$0x2060]  }
0x1c4: {  	v8 =	vld [tilespmem:s3+$0x2070]  }
0x1c5: {  	v9 =	vld [tilespmem:s3+$0x2080]  }
0x1c6: {  	v10 =	vld [tilespmem:s3+$0x2090]  }
0x1c7: {  	v11 =	vld [tilespmem:s3+$0x20A0]  }
0x1c8: {  	v12 =	vld [tilespmem:s3+$0x20B0]  }
0x1c9: {  	v13 =	vld [tilespmem:s3+$0x20C0]  }
0x1ca: {  	v14 =	vld [tilespmem:s3+$0x20D0]  }
0x1cb: {  	[tilespmem:s3+$0xA0F0] =	vst.add.f32.msk $0xffff, v0  }
0x1cc: {  	v0 =	vld [tilespmem:s3+$0x20E0]  }
0x1cd: {  	[tilespmem:s3+$0xA000] =	vst.add.f32.msk $0xffff, v1  }
0x1ce: {  	[tilespmem:s3+$0xA010] =	vst.add.f32.msk $0xffff, v2  }
0x1cf: {  	[tilespmem:s3+$0xA020] =	vst.add.f32.msk $0xffff, v3  }
0x1d0: {  	[tilespmem:s3+$0xA030] =	vst.add.f32.msk $0xffff, v4  }
0x1d1: {  	[tilespmem:s3+$0xA040] =	vst.add.f32.msk $0xffff, v5  }
0x1d2: {  	[tilespmem:s3+$0xA050] =	vst.add.f32.msk $0xffff, v6  }
0x1d3: {  	[tilespmem:s3+$0xA060] =	vst.add.f32.msk $0xffff, v7  }
0x1d4: {  	[tilespmem:s3+$0xA070] =	vst.add.f32.msk $0xffff, v8  }
0x1d5: {  	[tilespmem:s3+$0xA080] =	vst.add.f32.msk $0xffff, v9  }
0x1d6: {  	[tilespmem:s3+$0xA090] =	vst.add.f32.msk $0xffff, v10  }
0x1d7: {  	[tilespmem:s3+$0xA0A0] =	vst.add.f32.msk $0xffff, v11  }
0x1d8: {  	[tilespmem:s3+$0xA0B0] =	vst.add.f32.msk $0xffff, v12  }
0x1d9: {  	[tilespmem:s3+$0xA0C0] =	vst.add.f32.msk $0xffff, v13  }
0x1da: {  	s7 =	simm.s32 $0x0;
	s8 =	simm.s32 $0x400;
	[tilespmem:s3+$0xA0D0] =	vst.add.f32.msk $0xffff, v14  }
.LBB2_9:
0x1db: {  	s7 =	sadd.s32 $0x2, s7;
	[tilespmem:s3+$0xA0E0] =	vst.add.f32.msk $0xffff, v0;
	s3 =	sshra.s32 s8, $0x2  }
0x1dc: {  	v0 =	vld [tilespmem:s3+$0x20F0];
	p0 =	slt.u32 s7, $0x3E  }
0x1dd: {  	v1 =	vld [tilespmem:s3+$0x2000]  }
0x1de: {  	v2 =	vld [tilespmem:s3+$0x2010]  }
0x1df: {  	v3 =	vld [tilespmem:s3+$0x2020]  }
0x1e0: {  	v4 =	vld [tilespmem:s3+$0x2030]  }
0x1e1: {  	[tilespmem:s3+$0xA0F0] =	vst.add.f32.msk $0xffff, v0  }
0x1e2: {  	v5 =	vld [tilespmem:s3+$0x2040]  }
0x1e3: {  	v6 =	vld [tilespmem:s3+$0x2050]  }
0x1e4: {  	v7 =	vld [tilespmem:s3+$0x2060]  }
0x1e5: {  	v8 =	vld [tilespmem:s3+$0x2070]  }
0x1e6: {  	v9 =	vld [tilespmem:s3+$0x2080]  }
0x1e7: {  	v10 =	vld [tilespmem:s3+$0x2090]  }
0x1e8: {  	v11 =	vld [tilespmem:s3+$0x20A0]  }
0x1e9: {  	v12 =	vld [tilespmem:s3+$0x20B0]  }
0x1ea: {  	v13 =	vld [tilespmem:s3+$0x20C0]  }
0x1eb: {  	v14 =	vld [tilespmem:s3+$0x20D0]  }
0x1ec: {  	v0 =	vld [tilespmem:s3+$0x20E0]  }
0x1ed: {  	[tilespmem:s3+$0xA000] =	vst.add.f32.msk $0xffff, v1  }
0x1ee: {  	[tilespmem:s3+$0xA010] =	vst.add.f32.msk $0xffff, v2  }
0x1ef: {  	[tilespmem:s3+$0xA020] =	vst.add.f32.msk $0xffff, v3  }
0x1f0: {  	[tilespmem:s3+$0xA030] =	vst.add.f32.msk $0xffff, v4  }
0x1f1: {  	[tilespmem:s3+$0xA040] =	vst.add.f32.msk $0xffff, v5  }
0x1f2: {  	[tilespmem:s3+$0xA050] =	vst.add.f32.msk $0xffff, v6  }
0x1f3: {  	[tilespmem:s3+$0xA060] =	vst.add.f32.msk $0xffff, v7  }
0x1f4: {  	[tilespmem:s3+$0xA070] =	vst.add.f32.msk $0xffff, v8  }
0x1f5: {  	[tilespmem:s3+$0xA080] =	vst.add.f32.msk $0xffff, v9  }
.Ltmp3:
0x1f6: {  	[tilespmem:s3+$0xA090] =	vst.add.f32.msk $0xffff, v10;
	(pc) =	sbr.rel @p0 .LBB2_9-.Ltmp3, $4  }
0x1f7: {  	[tilespmem:s3+$0xA0A0] =	vst.add.f32.msk $0xffff, v11  }
0x1f8: {  	[tilespmem:s3+$0xA0B0] =	vst.add.f32.msk $0xffff, v12  }
0x1f9: {  	[tilespmem:s3+$0xA0C0] =	vst.add.f32.msk $0xffff, v13  }
0x1fa: {  	s8 =	sadd.s32 $0x400, s8;
	[tilespmem:s3+$0xA0D0] =	vst.add.f32.msk $0xffff, v14  }
0x1fb: {  	s0 =	sadd.s32 s24, s0  }
0x1fc: {  	s0 =	sshll.u32 s0, $0x4  }
0x1fd: {  	[tilespmem:s3+$0xA0E0] =	vst.add.f32.msk $0xffff, v0;
	s8 =	simm.s32 $0x0;
	s0 =	sadd.s32 s2, s0  }
0x1fe: {  	[hbm4b:s0+s8] =	stream.linear.scatter [tilespmem:s16], [sflag:$0x9], $0x2000, $0x38;
	[tilespmem:$0xC000] =	vst v63  }
0x1ff: {  	_ =	swait.ge [sflag:s25], $0x2000  }
0x200: {  	s0 =	sadd.s32 s5, s31;
	[sflag:s25] =	ssyncset.done $0x0  }
0x201: {  	s31 =	sadd.s32 $0x100, s0;
	[sflag:s25] =	ssyncadd.s32 $0xFFFFE000  }
0x202: {  	[tilespmem:s14], [sflag:$0x4] =	stream.indirect.gather [hbm4b:s1+s11], $0x80, s31, s11, $0xb8;
	[tilespmem:$0xC000] =	vst v63  }
0x203: {  	_ =	swait.ge [sflag:s15], $0x2000  }
0x204: {  	[sflag:s15] =	ssyncset.done $0x0  }
0x205: {  	s3 =	simm.s32 $0x0;
	[sflag:s15] =	ssyncadd.s32 $0xFFFFE000  }
0x206: {  	v0 =	vld [tilespmem:s3+$0x20F0]  }
0x207: {  	v1 =	vld [tilespmem:s3+$0x2000]  }
0x208: {  	v2 =	vld [tilespmem:s3+$0x2010]  }
0x209: {  	v3 =	vld [tilespmem:s3+$0x2020]  }
0x20a: {  	v4 =	vld [tilespmem:s3+$0x2030]  }
0x20b: {  	v5 =	vld [tilespmem:s3+$0x2040]  }
0x20c: {  	v6 =	vld [tilespmem:s3+$0x2050]  }
0x20d: {  	v7 =	vld [tilespmem:s3+$0x2060]  }
0x20e: {  	v8 =	vld [tilespmem:s3+$0x2070]  }
0x20f: {  	v9 =	vld [tilespmem:s3+$0x2080]  }
0x210: {  	v10 =	vld [tilespmem:s3+$0x2090]  }
0x211: {  	v11 =	vld [tilespmem:s3+$0x20A0]  }
0x212: {  	v12 =	vld [tilespmem:s3+$0x20B0]  }
0x213: {  	v13 =	vld [tilespmem:s3+$0x20C0]  }
0x214: {  	v14 =	vld [tilespmem:s3+$0x20D0]  }
0x215: {  	[tilespmem:s3+$0x40F0] =	vst.add.f32.msk $0xffff, v0  }
0x216: {  	v0 =	vld [tilespmem:s3+$0x20E0]  }
0x217: {  	[tilespmem:s3+$0x4000] =	vst.add.f32.msk $0xffff, v1  }
0x218: {  	[tilespmem:s3+$0x4010] =	vst.add.f32.msk $0xffff, v2  }
0x219: {  	[tilespmem:s3+$0x4020] =	vst.add.f32.msk $0xffff, v3  }
0x21a: {  	[tilespmem:s3+$0x4030] =	vst.add.f32.msk $0xffff, v4  }
0x21b: {  	[tilespmem:s3+$0x4040] =	vst.add.f32.msk $0xffff, v5  }
0x21c: {  	[tilespmem:s3+$0x4050] =	vst.add.f32.msk $0xffff, v6  }
0x21d: {  	[tilespmem:s3+$0x4060] =	vst.add.f32.msk $0xffff, v7  }
0x21e: {  	[tilespmem:s3+$0x4070] =	vst.add.f32.msk $0xffff, v8  }
0x21f: {  	[tilespmem:s3+$0x4080] =	vst.add.f32.msk $0xffff, v9  }
0x220: {  	[tilespmem:s3+$0x4090] =	vst.add.f32.msk $0xffff, v10  }
0x221: {  	[tilespmem:s3+$0x40A0] =	vst.add.f32.msk $0xffff, v11  }
0x222: {  	[tilespmem:s3+$0x40B0] =	vst.add.f32.msk $0xffff, v12  }
0x223: {  	[tilespmem:s3+$0x40C0] =	vst.add.f32.msk $0xffff, v13  }
0x224: {  	s7 =	simm.s32 $0x0;
	s8 =	simm.s32 $0x400;
	[tilespmem:s3+$0x40D0] =	vst.add.f32.msk $0xffff, v14  }
.LBB2_11:
0x225: {  	s7 =	sadd.s32 $0x2, s7;
	[tilespmem:s3+$0x40E0] =	vst.add.f32.msk $0xffff, v0;
	s3 =	sshra.s32 s8, $0x2  }
0x226: {  	v0 =	vld [tilespmem:s3+$0x20F0];
	p0 =	slt.u32 s7, $0x3E  }
0x227: {  	v1 =	vld [tilespmem:s3+$0x2000]  }
0x228: {  	v2 =	vld [tilespmem:s3+$0x2010]  }
0x229: {  	v3 =	vld [tilespmem:s3+$0x2020]  }
0x22a: {  	v4 =	vld [tilespmem:s3+$0x2030]  }
0x22b: {  	[tilespmem:s3+$0x40F0] =	vst.add.f32.msk $0xffff, v0  }
0x22c: {  	v5 =	vld [tilespmem:s3+$0x2040]  }
0x22d: {  	v6 =	vld [tilespmem:s3+$0x2050]  }
0x22e: {  	v7 =	vld [tilespmem:s3+$0x2060]  }
0x22f: {  	v8 =	vld [tilespmem:s3+$0x2070]  }
0x230: {  	v9 =	vld [tilespmem:s3+$0x2080]  }
0x231: {  	v10 =	vld [tilespmem:s3+$0x2090]  }
0x232: {  	v11 =	vld [tilespmem:s3+$0x20A0]  }
0x233: {  	v12 =	vld [tilespmem:s3+$0x20B0]  }
0x234: {  	v13 =	vld [tilespmem:s3+$0x20C0]  }
0x235: {  	v14 =	vld [tilespmem:s3+$0x20D0]  }
0x236: {  	v0 =	vld [tilespmem:s3+$0x20E0]  }
0x237: {  	[tilespmem:s3+$0x4000] =	vst.add.f32.msk $0xffff, v1  }
0x238: {  	[tilespmem:s3+$0x4010] =	vst.add.f32.msk $0xffff, v2  }
0x239: {  	[tilespmem:s3+$0x4020] =	vst.add.f32.msk $0xffff, v3  }
0x23a: {  	[tilespmem:s3+$0x4030] =	vst.add.f32.msk $0xffff, v4  }
0x23b: {  	[tilespmem:s3+$0x4040] =	vst.add.f32.msk $0xffff, v5  }
0x23c: {  	[tilespmem:s3+$0x4050] =	vst.add.f32.msk $0xffff, v6  }
0x23d: {  	[tilespmem:s3+$0x4060] =	vst.add.f32.msk $0xffff, v7  }
0x23e: {  	[tilespmem:s3+$0x4070] =	vst.add.f32.msk $0xffff, v8  }
0x23f: {  	[tilespmem:s3+$0x4080] =	vst.add.f32.msk $0xffff, v9  }
.Ltmp4:
0x240: {  	[tilespmem:s3+$0x4090] =	vst.add.f32.msk $0xffff, v10;
	(pc) =	sbr.rel @p0 .LBB2_11-.Ltmp4, $4  }
0x241: {  	[tilespmem:s3+$0x40A0] =	vst.add.f32.msk $0xffff, v11  }
0x242: {  	[tilespmem:s3+$0x40B0] =	vst.add.f32.msk $0xffff, v12  }
0x243: {  	[tilespmem:s3+$0x40C0] =	vst.add.f32.msk $0xffff, v13  }
0x244: {  	s8 =	sadd.s32 $0x400, s8;
	[tilespmem:s3+$0x40D0] =	vst.add.f32.msk $0xffff, v14  }
0x245: {  	s7 =	sshll.u32 s29, $0x11  }
0x246: {  	[tilespmem:s3+$0x40E0] =	vst.add.f32.msk $0xffff, v0;
	s31 =	simm.s32 $0x0;
	s8 =	sadd.s32 s7, s22  }
0x247: {  	[hbm4b:s8+s31] =	stream.linear.scatter [tilespmem:s12], [sflag:$0x6], $0x2000, $0x38;
	[tilespmem:$0xC000] =	vst v63  }
0x248: {  	_ =	swait.ge [sflag:s26], $0x2000  }
0x249: {  	[sflag:s26] =	ssyncset.done $0x0  }
0x24a: {  	s0 =	sadd.s32 $0x180, s0;
	[sflag:s26] =	ssyncadd.s32 $0xFFFFE000  }
0x24b: {  	[tilespmem:s16], [sflag:$0x5] =	stream.indirect.gather [hbm4b:s1+s11], $0x80, s0, s11, $0xb8;
	[tilespmem:$0xC000] =	vst v63  }
0x24c: {  	_ =	swait.ge [sflag:s17], $0x2000  }
0x24d: {  	[sflag:s17] =	ssyncset.done $0x0  }
0x24e: {  	s0 =	simm.s32 $0x0;
	[sflag:s17] =	ssyncadd.s32 $0xFFFFE000  }
0x24f: {  	v0 =	vld [tilespmem:s0+$0x20F0]  }
0x250: {  	v1 =	vld [tilespmem:s0+$0x2000]  }
0x251: {  	v2 =	vld [tilespmem:s0+$0x2010]  }
0x252: {  	v3 =	vld [tilespmem:s0+$0x2020]  }
0x253: {  	v4 =	vld [tilespmem:s0+$0x2030]  }
0x254: {  	v5 =	vld [tilespmem:s0+$0x2040]  }
0x255: {  	v6 =	vld [tilespmem:s0+$0x2050]  }
0x256: {  	v7 =	vld [tilespmem:s0+$0x2060]  }
0x257: {  	v8 =	vld [tilespmem:s0+$0x2070]  }
0x258: {  	v9 =	vld [tilespmem:s0+$0x2080]  }
0x259: {  	v10 =	vld [tilespmem:s0+$0x2090]  }
0x25a: {  	v11 =	vld [tilespmem:s0+$0x20A0]  }
0x25b: {  	v12 =	vld [tilespmem:s0+$0x20B0]  }
0x25c: {  	v13 =	vld [tilespmem:s0+$0x20C0]  }
0x25d: {  	v14 =	vld [tilespmem:s0+$0x20D0]  }
0x25e: {  	[tilespmem:s0+$0x60F0] =	vst.add.f32.msk $0xffff, v0  }
0x25f: {  	v0 =	vld [tilespmem:s0+$0x20E0]  }
0x260: {  	[tilespmem:s0+$0x6000] =	vst.add.f32.msk $0xffff, v1  }
0x261: {  	[tilespmem:s0+$0x6010] =	vst.add.f32.msk $0xffff, v2  }
0x262: {  	[tilespmem:s0+$0x6020] =	vst.add.f32.msk $0xffff, v3  }
0x263: {  	[tilespmem:s0+$0x6030] =	vst.add.f32.msk $0xffff, v4  }
0x264: {  	[tilespmem:s0+$0x6040] =	vst.add.f32.msk $0xffff, v5  }
0x265: {  	[tilespmem:s0+$0x6050] =	vst.add.f32.msk $0xffff, v6  }
0x266: {  	[tilespmem:s0+$0x6060] =	vst.add.f32.msk $0xffff, v7  }
0x267: {  	[tilespmem:s0+$0x6070] =	vst.add.f32.msk $0xffff, v8  }
0x268: {  	[tilespmem:s0+$0x6080] =	vst.add.f32.msk $0xffff, v9  }
0x269: {  	[tilespmem:s0+$0x6090] =	vst.add.f32.msk $0xffff, v10  }
0x26a: {  	[tilespmem:s0+$0x60A0] =	vst.add.f32.msk $0xffff, v11  }
0x26b: {  	[tilespmem:s0+$0x60B0] =	vst.add.f32.msk $0xffff, v12  }
0x26c: {  	[tilespmem:s0+$0x60C0] =	vst.add.f32.msk $0xffff, v13  }
0x26d: {  	s3 =	simm.s32 $0x0;
	s7 =	simm.s32 $0x400;
	[tilespmem:s0+$0x60D0] =	vst.add.f32.msk $0xffff, v14  }
.LBB2_13:
0x26e: {  	s3 =	sadd.s32 $0x2, s3;
	[tilespmem:s0+$0x60E0] =	vst.add.f32.msk $0xffff, v0;
	s0 =	sshra.s32 s7, $0x2  }
0x26f: {  	v0 =	vld [tilespmem:s0+$0x20F0];
	p0 =	slt.u32 s3, $0x3E  }
0x270: {  	v1 =	vld [tilespmem:s0+$0x2000]  }
0x271: {  	v2 =	vld [tilespmem:s0+$0x2010]  }
0x272: {  	v3 =	vld [tilespmem:s0+$0x2020]  }
0x273: {  	v4 =	vld [tilespmem:s0+$0x2030]  }
0x274: {  	[tilespmem:s0+$0x60F0] =	vst.add.f32.msk $0xffff, v0  }
0x275: {  	v5 =	vld [tilespmem:s0+$0x2040]  }
0x276: {  	v6 =	vld [tilespmem:s0+$0x2050]  }
0x277: {  	v7 =	vld [tilespmem:s0+$0x2060]  }
0x278: {  	v8 =	vld [tilespmem:s0+$0x2070]  }
0x279: {  	v9 =	vld [tilespmem:s0+$0x2080]  }
0x27a: {  	v10 =	vld [tilespmem:s0+$0x2090]  }
0x27b: {  	v11 =	vld [tilespmem:s0+$0x20A0]  }
0x27c: {  	v12 =	vld [tilespmem:s0+$0x20B0]  }
0x27d: {  	v13 =	vld [tilespmem:s0+$0x20C0]  }
0x27e: {  	v14 =	vld [tilespmem:s0+$0x20D0]  }
0x27f: {  	v0 =	vld [tilespmem:s0+$0x20E0]  }
0x280: {  	[tilespmem:s0+$0x6000] =	vst.add.f32.msk $0xffff, v1  }
0x281: {  	[tilespmem:s0+$0x6010] =	vst.add.f32.msk $0xffff, v2  }
0x282: {  	[tilespmem:s0+$0x6020] =	vst.add.f32.msk $0xffff, v3  }
0x283: {  	[tilespmem:s0+$0x6030] =	vst.add.f32.msk $0xffff, v4  }
0x284: {  	[tilespmem:s0+$0x6040] =	vst.add.f32.msk $0xffff, v5  }
0x285: {  	[tilespmem:s0+$0x6050] =	vst.add.f32.msk $0xffff, v6  }
0x286: {  	[tilespmem:s0+$0x6060] =	vst.add.f32.msk $0xffff, v7  }
0x287: {  	[tilespmem:s0+$0x6070] =	vst.add.f32.msk $0xffff, v8  }
0x288: {  	[tilespmem:s0+$0x6080] =	vst.add.f32.msk $0xffff, v9  }
.Ltmp5:
0x289: {  	[tilespmem:s0+$0x6090] =	vst.add.f32.msk $0xffff, v10;
	(pc) =	sbr.rel @p0 .LBB2_13-.Ltmp5, $4  }
0x28a: {  	[tilespmem:s0+$0x60A0] =	vst.add.f32.msk $0xffff, v11  }
0x28b: {  	[tilespmem:s0+$0x60B0] =	vst.add.f32.msk $0xffff, v12  }
0x28c: {  	[tilespmem:s0+$0x60C0] =	vst.add.f32.msk $0xffff, v13  }
0x28d: {  	s7 =	sadd.s32 $0x400, s7;
	[tilespmem:s0+$0x60D0] =	vst.add.f32.msk $0xffff, v14  }
0x28e: {  	s29 =	sadd.s32 $0x1, s29  }
0x28f: {  	p0 =	sne.s32 s29, $0x10  }
.Ltmp6:
0x290: {  	_ = 	snop;
	(pc) =	sbr.rel @p0 .LBB2_6-.Ltmp6, $4  }
0x291: {  	_ = 	snop  }
0x292: {  	s3 =	sshll.u32 s30, $0xF  }
0x293: {  	[tilespmem:s0+$0x60E0] =	vst.add.f32.msk $0xffff, v0;
	s31 =	sadd.s32 s3, s22  }
0x294: {  	[hbm4b:s31+s4] =	stream.linear.scatter [tilespmem:s13], [sflag:$0x7], $0x2000, $0x38;
	[tilespmem:$0xC000] =	vst v63  }
0x295: {  	_ =	swait.ge [sflag:s19], $0x2000  }
0x296: {  	[sflag:s19] =	ssyncset.done $0x0  }
0x297: {  	s0 =	simm.s32 $0x0;
	[sflag:s19] =	ssyncadd.s32 $0xFFFFE000  }
0x298: {  	v0 =	vld [tilespmem:s0+$0x20F0]  }
0x299: {  	v1 =	vld [tilespmem:s0+$0x2000]  }
0x29a: {  	v2 =	vld [tilespmem:s0+$0x2010]  }
0x29b: {  	v3 =	vld [tilespmem:s0+$0x2020]  }
0x29c: {  	v4 =	vld [tilespmem:s0+$0x2030]  }
0x29d: {  	v5 =	vld [tilespmem:s0+$0x2040]  }
0x29e: {  	v6 =	vld [tilespmem:s0+$0x2050]  }
0x29f: {  	v7 =	vld [tilespmem:s0+$0x2060]  }
0x2a0: {  	v8 =	vld [tilespmem:s0+$0x2070]  }
0x2a1: {  	v9 =	vld [tilespmem:s0+$0x2080]  }
0x2a2: {  	v10 =	vld [tilespmem:s0+$0x2090]  }
0x2a3: {  	v11 =	vld [tilespmem:s0+$0x20A0]  }
0x2a4: {  	v12 =	vld [tilespmem:s0+$0x20B0]  }
0x2a5: {  	v13 =	vld [tilespmem:s0+$0x20C0]  }
0x2a6: {  	v14 =	vld [tilespmem:s0+$0x20D0]  }
0x2a7: {  	[tilespmem:s0+$0x80F0] =	vst.add.f32.msk $0xffff, v0  }
0x2a8: {  	v0 =	vld [tilespmem:s0+$0x20E0]  }
0x2a9: {  	[tilespmem:s0+$0x8000] =	vst.add.f32.msk $0xffff, v1  }
0x2aa: {  	[tilespmem:s0+$0x8010] =	vst.add.f32.msk $0xffff, v2  }
0x2ab: {  	[tilespmem:s0+$0x8020] =	vst.add.f32.msk $0xffff, v3  }
0x2ac: {  	[tilespmem:s0+$0x8030] =	vst.add.f32.msk $0xffff, v4  }
0x2ad: {  	[tilespmem:s0+$0x8040] =	vst.add.f32.msk $0xffff, v5  }
0x2ae: {  	[tilespmem:s0+$0x8050] =	vst.add.f32.msk $0xffff, v6  }
0x2af: {  	[tilespmem:s0+$0x8060] =	vst.add.f32.msk $0xffff, v7  }
0x2b0: {  	[tilespmem:s0+$0x8070] =	vst.add.f32.msk $0xffff, v8  }
0x2b1: {  	[tilespmem:s0+$0x8080] =	vst.add.f32.msk $0xffff, v9  }
0x2b2: {  	[tilespmem:s0+$0x8090] =	vst.add.f32.msk $0xffff, v10  }
0x2b3: {  	[tilespmem:s0+$0x80A0] =	vst.add.f32.msk $0xffff, v11  }
0x2b4: {  	[tilespmem:s0+$0x80B0] =	vst.add.f32.msk $0xffff, v12  }
0x2b5: {  	[tilespmem:s0+$0x80C0] =	vst.add.f32.msk $0xffff, v13  }
0x2b6: {  	s3 =	simm.s32 $0x0;
	s7 =	simm.s32 $0x400;
	[tilespmem:s0+$0x80D0] =	vst.add.f32.msk $0xffff, v14  }
.LBB2_16:
0x2b7: {  	s3 =	sadd.s32 $0x2, s3;
	[tilespmem:s0+$0x80E0] =	vst.add.f32.msk $0xffff, v0;
	s0 =	sshra.s32 s7, $0x2  }
0x2b8: {  	v0 =	vld [tilespmem:s0+$0x20F0];
	p0 =	slt.u32 s3, $0x3E  }
0x2b9: {  	v1 =	vld [tilespmem:s0+$0x2000]  }
0x2ba: {  	v2 =	vld [tilespmem:s0+$0x2010]  }
0x2bb: {  	v3 =	vld [tilespmem:s0+$0x2020]  }
0x2bc: {  	v4 =	vld [tilespmem:s0+$0x2030]  }
0x2bd: {  	[tilespmem:s0+$0x80F0] =	vst.add.f32.msk $0xffff, v0  }
0x2be: {  	v5 =	vld [tilespmem:s0+$0x2040]  }
0x2bf: {  	v6 =	vld [tilespmem:s0+$0x2050]  }
0x2c0: {  	v7 =	vld [tilespmem:s0+$0x2060]  }
0x2c1: {  	v8 =	vld [tilespmem:s0+$0x2070]  }
0x2c2: {  	v9 =	vld [tilespmem:s0+$0x2080]  }
0x2c3: {  	v10 =	vld [tilespmem:s0+$0x2090]  }
0x2c4: {  	v11 =	vld [tilespmem:s0+$0x20A0]  }
0x2c5: {  	v12 =	vld [tilespmem:s0+$0x20B0]  }
0x2c6: {  	v13 =	vld [tilespmem:s0+$0x20C0]  }
0x2c7: {  	v14 =	vld [tilespmem:s0+$0x20D0]  }
0x2c8: {  	v0 =	vld [tilespmem:s0+$0x20E0]  }
0x2c9: {  	[tilespmem:s0+$0x8000] =	vst.add.f32.msk $0xffff, v1  }
0x2ca: {  	[tilespmem:s0+$0x8010] =	vst.add.f32.msk $0xffff, v2  }
0x2cb: {  	[tilespmem:s0+$0x8020] =	vst.add.f32.msk $0xffff, v3  }
0x2cc: {  	[tilespmem:s0+$0x8030] =	vst.add.f32.msk $0xffff, v4  }
0x2cd: {  	[tilespmem:s0+$0x8040] =	vst.add.f32.msk $0xffff, v5  }
0x2ce: {  	[tilespmem:s0+$0x8050] =	vst.add.f32.msk $0xffff, v6  }
0x2cf: {  	[tilespmem:s0+$0x8060] =	vst.add.f32.msk $0xffff, v7  }
0x2d0: {  	[tilespmem:s0+$0x8070] =	vst.add.f32.msk $0xffff, v8  }
0x2d1: {  	[tilespmem:s0+$0x8080] =	vst.add.f32.msk $0xffff, v9  }
.Ltmp7:
0x2d2: {  	[tilespmem:s0+$0x8090] =	vst.add.f32.msk $0xffff, v10;
	(pc) =	sbr.rel @p0 .LBB2_16-.Ltmp7, $4  }
0x2d3: {  	[tilespmem:s0+$0x80A0] =	vst.add.f32.msk $0xffff, v11  }
0x2d4: {  	[tilespmem:s0+$0x80B0] =	vst.add.f32.msk $0xffff, v12  }
0x2d5: {  	[tilespmem:s0+$0x80C0] =	vst.add.f32.msk $0xffff, v13  }
0x2d6: {  	s7 =	sadd.s32 $0x400, s7;
	[tilespmem:s0+$0x80D0] =	vst.add.f32.msk $0xffff, v14  }
0x2d7: {  	[tilespmem:s0+$0x80E0] =	vst.add.f32.msk $0xffff, v0  }
0x2d8: {  	s3 =	sld [smem:$0x7FC];
	_ =	sdelay $0x1  }
0x2d9: {  	s31 =	simm.s32 $0x0  }
0x2da: {  	[hbm4b:s3+s31] =	stream.linear.scatter [tilespmem:s14], [sflag:$0x8], $0x2000, $0x38;
	[tilespmem:$0xC000] =	vst v63  }
0x2db: {  	_ =	swait.ge [sflag:s21], $0x2000  }
0x2dc: {  	[sflag:s21] =	ssyncset.done $0x0  }
0x2dd: {  	s0 =	simm.s32 $0x0;
	[sflag:s21] =	ssyncadd.s32 $0xFFFFE000  }
0x2de: {  	v0 =	vld [tilespmem:s0+$0x20F0]  }
0x2df: {  	v1 =	vld [tilespmem:s0+$0x2000]  }
0x2e0: {  	v2 =	vld [tilespmem:s0+$0x2010]  }
0x2e1: {  	v3 =	vld [tilespmem:s0+$0x2020]  }
0x2e2: {  	v4 =	vld [tilespmem:s0+$0x2030]  }
0x2e3: {  	v5 =	vld [tilespmem:s0+$0x2040]  }
0x2e4: {  	v6 =	vld [tilespmem:s0+$0x2050]  }
0x2e5: {  	v7 =	vld [tilespmem:s0+$0x2060]  }
0x2e6: {  	v8 =	vld [tilespmem:s0+$0x2070]  }
0x2e7: {  	v9 =	vld [tilespmem:s0+$0x2080]  }
0x2e8: {  	v10 =	vld [tilespmem:s0+$0x2090]  }
0x2e9: {  	v11 =	vld [tilespmem:s0+$0x20A0]  }
0x2ea: {  	v12 =	vld [tilespmem:s0+$0x20B0]  }
0x2eb: {  	v13 =	vld [tilespmem:s0+$0x20C0]  }
0x2ec: {  	v14 =	vld [tilespmem:s0+$0x20D0]  }
0x2ed: {  	[tilespmem:s0+$0xA0F0] =	vst.add.f32.msk $0xffff, v0  }
0x2ee: {  	v0 =	vld [tilespmem:s0+$0x20E0]  }
0x2ef: {  	[tilespmem:s0+$0xA000] =	vst.add.f32.msk $0xffff, v1  }
0x2f0: {  	[tilespmem:s0+$0xA010] =	vst.add.f32.msk $0xffff, v2  }
0x2f1: {  	[tilespmem:s0+$0xA020] =	vst.add.f32.msk $0xffff, v3  }
0x2f2: {  	[tilespmem:s0+$0xA030] =	vst.add.f32.msk $0xffff, v4  }
0x2f3: {  	[tilespmem:s0+$0xA040] =	vst.add.f32.msk $0xffff, v5  }
0x2f4: {  	[tilespmem:s0+$0xA050] =	vst.add.f32.msk $0xffff, v6  }
0x2f5: {  	[tilespmem:s0+$0xA060] =	vst.add.f32.msk $0xffff, v7  }
0x2f6: {  	[tilespmem:s0+$0xA070] =	vst.add.f32.msk $0xffff, v8  }
0x2f7: {  	[tilespmem:s0+$0xA080] =	vst.add.f32.msk $0xffff, v9  }
0x2f8: {  	[tilespmem:s0+$0xA090] =	vst.add.f32.msk $0xffff, v10  }
0x2f9: {  	[tilespmem:s0+$0xA0A0] =	vst.add.f32.msk $0xffff, v11  }
0x2fa: {  	[tilespmem:s0+$0xA0B0] =	vst.add.f32.msk $0xffff, v12  }
0x2fb: {  	[tilespmem:s0+$0xA0C0] =	vst.add.f32.msk $0xffff, v13  }
0x2fc: {  	s7 =	simm.s32 $0x400;
	s3 =	simm.s32 $0x0;
	[tilespmem:s0+$0xA0D0] =	vst.add.f32.msk $0xffff, v14  }
.LBB2_18:
0x2fd: {  	s3 =	sadd.s32 $0x2, s3;
	[tilespmem:s0+$0xA0E0] =	vst.add.f32.msk $0xffff, v0;
	s0 =	sshra.s32 s7, $0x2  }
0x2fe: {  	v0 =	vld [tilespmem:s0+$0x20F0];
	p0 =	slt.u32 s3, $0x3E  }
0x2ff: {  	v1 =	vld [tilespmem:s0+$0x2000]  }
0x300: {  	v2 =	vld [tilespmem:s0+$0x2010]  }
0x301: {  	v3 =	vld [tilespmem:s0+$0x2020]  }
0x302: {  	v4 =	vld [tilespmem:s0+$0x2030]  }
0x303: {  	[tilespmem:s0+$0xA0F0] =	vst.add.f32.msk $0xffff, v0  }
0x304: {  	v5 =	vld [tilespmem:s0+$0x2040]  }
0x305: {  	v6 =	vld [tilespmem:s0+$0x2050]  }
0x306: {  	v7 =	vld [tilespmem:s0+$0x2060]  }
0x307: {  	v8 =	vld [tilespmem:s0+$0x2070]  }
0x308: {  	v9 =	vld [tilespmem:s0+$0x2080]  }
0x309: {  	v10 =	vld [tilespmem:s0+$0x2090]  }
0x30a: {  	v11 =	vld [tilespmem:s0+$0x20A0]  }
0x30b: {  	v12 =	vld [tilespmem:s0+$0x20B0]  }
0x30c: {  	v13 =	vld [tilespmem:s0+$0x20C0]  }
0x30d: {  	v14 =	vld [tilespmem:s0+$0x20D0]  }
0x30e: {  	v0 =	vld [tilespmem:s0+$0x20E0]  }
0x30f: {  	[tilespmem:s0+$0xA000] =	vst.add.f32.msk $0xffff, v1  }
0x310: {  	[tilespmem:s0+$0xA010] =	vst.add.f32.msk $0xffff, v2  }
0x311: {  	[tilespmem:s0+$0xA020] =	vst.add.f32.msk $0xffff, v3  }
0x312: {  	[tilespmem:s0+$0xA030] =	vst.add.f32.msk $0xffff, v4  }
0x313: {  	[tilespmem:s0+$0xA040] =	vst.add.f32.msk $0xffff, v5  }
0x314: {  	[tilespmem:s0+$0xA050] =	vst.add.f32.msk $0xffff, v6  }
0x315: {  	[tilespmem:s0+$0xA060] =	vst.add.f32.msk $0xffff, v7  }
0x316: {  	[tilespmem:s0+$0xA070] =	vst.add.f32.msk $0xffff, v8  }
0x317: {  	[tilespmem:s0+$0xA080] =	vst.add.f32.msk $0xffff, v9  }
.Ltmp8:
0x318: {  	[tilespmem:s0+$0xA090] =	vst.add.f32.msk $0xffff, v10;
	(pc) =	sbr.rel @p0 .LBB2_18-.Ltmp8, $4  }
0x319: {  	[tilespmem:s0+$0xA0A0] =	vst.add.f32.msk $0xffff, v11  }
0x31a: {  	[tilespmem:s0+$0xA0B0] =	vst.add.f32.msk $0xffff, v12  }
0x31b: {  	[tilespmem:s0+$0xA0C0] =	vst.add.f32.msk $0xffff, v13  }
0x31c: {  	s7 =	sadd.s32 $0x400, s7;
	[tilespmem:s0+$0xA0D0] =	vst.add.f32.msk $0xffff, v14  }
0x31d: {  	[tilespmem:s0+$0xA0E0] =	vst.add.f32.msk $0xffff, v0  }
0x31e: {  	s0 =	sld [smem:$0x7FD];
	_ =	sdelay $0x2  }
0x31f: {  	[hbm4b:s0+s4] =	stream.linear.scatter [tilespmem:s16], [sflag:$0x9], $0x2000, $0x38;
	[tilespmem:$0xC000] =	vst v63  }
0x320: {  	_ =	swait.ge [sflag:s18], $0x2000  }
0x321: {  	[sflag:s18] =	ssyncset.done $0x0  }
0x322: {  	[sflag:s18] =	ssyncadd.s32 $0xFFFFE000  }
0x323: {  	_ =	swait.ge [sflag:s20], $0x2000  }
0x324: {  	[sflag:s20] =	ssyncset.done $0x0  }
0x325: {  	[sflag:s20] =	ssyncadd.s32 $0xFFFFE000  }
0x326: {  	_ =	swait.ge [sflag:s25], $0x2000  }
0x327: {  	[sflag:s25] =	ssyncset.done $0x0  }
0x328: {  	[sflag:s25] =	ssyncadd.s32 $0xFFFFE000  }
0x329: {  	_ =	swait.ge [sflag:s26], $0x2000  }
0x32a: {  	s28 =	sadd.s32 $0x1, s28;
	s31 =	rddreg [dreg:$0x14]  }
0x32b: {  	p0 =	sne.s32 s28, s31  }
.Ltmp9:
0x32c: {  	_ = 	snop;
	(pc) =	sbr.rel @p0 .LBB2_1-.Ltmp9, $3  }
0x32d: {  	_ =	sdelay $0x1  }
0x32e: {  	[sflag:s26] =	ssyncset.done $0x0  }
0x32f: {  	[sflag:s26] =	ssyncadd.s32 $0xFFFFE000  }
0x330: {  	_ =	sfence.sel $0x180000  }
0x331: {  	[bflag:$0x0] =	sbarrier.arrive $0xFFFF  }
0x332: {  	_ =	strace $0x90000047  }
0x333: {  	s0 =	stileid.u32;
	[bflag:$0x2] =	sbarrier.arrive $0xFFFF  }
0x334: {  	p0 =	sne.s32 s0, $0x0;
	s0 =	rddreg [dreg:$0x4]  }
0x335: {  	s0 =	sadd.s32 @!p0 $0x100000, s0  }
0x336: {  	[sflag:s0] =	ssyncadd.tile.s32 @!p0 $0x1;
	_ =	shalt  }
.Lfunc_end2:
_tile_overlayer_lowered:
.L_overlay_start_2:
0x337: {  	(tag) =	ssettag $0x2  }
0x338: {  	s0 =	rddreg [dreg:$0x0];
	s2 =	stileid.u32  }
0x339: {  	s1 =	rddreg [dreg:$0x1];
	p0 =	sne.s32 s2, $0x0  }
0x33a: {  	s3 =	rddreg [dreg:$0x2];
	[bflag:$0x3] =	sbarrier.arrive $0xFFFF;
	s2 =	simm.s32 @!p0 $0x1C0A  }
0x33b: {  	[timem:s3], [sflag:s2] =	dma.local @!p0 [hbm:s0], s1  }
0x33c: {  	s0 =	simm.s32 @!p0 $0xA  }
0x33d: {  	_ =	swait.ge @!p0 [sflag:s0], s1  }
0x33e: {  	s1 =	ssub.s32 @!p0 $0x0, s1;
	[sflag:s0] =	ssyncset.done @!p0 $0x0  }
0x33f: {  	[sflag:s0] =	ssyncadd.s32 @!p0 s1  }
0x340: {  	[bflag:$0x3] =	sbarrier.arrive $0xFFFF  }
0x341: {  	_ =	shalt  }

</sc_bundles>
